<compile_context>
chip_gen: v7x
topology: tpu7x:2x2x1
jax: 0.10.2.dev20260603
libtpu: 0.0.44.dev20260713+nightly
codegen_flags: <defaults>
</compile_context>

<pallas_src>
import functools

import jax
import jax.numpy as jnp
from jax import lax
from jax.experimental import pallas as pl
from jax.experimental.pallas import tpu as pltpu
from jax.experimental.pallas import tpu_sc as plsc

NUM_CORES = 2
NUM_SUBCORES = 16
NUM_WORKERS = NUM_CORES * NUM_SUBCORES
LANES = 16
BATCH_N = 16384
FEAT = 64
ROWS_PER_W = BATCH_N // NUM_WORKERS
CHUNK = 256
NCHUNK = ROWS_PER_W // CHUNK


def _body(user_hbm, item_hbm, uemb_hbm, iemb_hbm, out_hbm,
          uidx_v, iidx_v, urows_v, irows_v, out_v, sem):
    wid = lax.axis_index("s") * NUM_CORES + lax.axis_index("c")
    base = wid * ROWS_PER_W

    pltpu.sync_copy(user_hbm.at[pl.ds(base, ROWS_PER_W)], uidx_v)
    pltpu.sync_copy(item_hbm.at[pl.ds(base, ROWS_PER_W)], iidx_v)

    lane = lax.iota(jnp.int32, LANES)

    def chunk_body(c, _):
        lo = c * CHUNK

        def fire(g, _):
            uvec = uidx_v[pl.ds(lo + g * LANES, LANES)]
            ivec = iidx_v[pl.ds(lo + g * LANES, LANES)]
            for rr in range(LANES):
                k = g * LANES + rr
                pltpu.async_copy(uemb_hbm.at[uvec[rr]],
                                 urows_v.at[k, 0], sem)
                pltpu.async_copy(iemb_hbm.at[ivec[rr]],
                                 irows_v.at[k, 0], sem)
            return ()

        lax.fori_loop(0, CHUNK // LANES, fire, ())

        def drain(k, _):
            pltpu.make_async_copy(
                uemb_hbm.at[0], urows_v.at[k, 0], sem).wait()
            pltpu.make_async_copy(
                iemb_hbm.at[0], irows_v.at[k, 0], sem).wait()
            return ()

        lax.fori_loop(0, CHUNK, drain, ())

        def blk_body(blk, _):
            acc16 = jnp.zeros((LANES,), jnp.float32)
            for rr in range(LANES):
                k = blk * LANES + rr
                parts = []
                for j in range(FEAT // LANES):
                    u = urows_v[k, 0, pl.ds(j * LANES, LANES)]
                    i = irows_v[k, 0, pl.ds(j * LANES, LANES)]
                    parts.append(u * i)
                s = (parts[0] + parts[1]) + (parts[2] + parts[3])
                tot = jnp.sum(s)
                acc16 = jnp.where(lane == rr, tot, acc16)
            out_v[pl.ds(lo + blk * LANES, LANES)] = acc16
            return ()

        lax.fori_loop(0, CHUNK // LANES, blk_body, ())
        return ()

    lax.fori_loop(0, NCHUNK, chunk_body, ())

    pltpu.sync_copy(out_v, out_hbm.at[pl.ds(base, ROWS_PER_W)])


@jax.jit
def kernel(user, item, users_emb, items_emb):
    mesh = plsc.VectorSubcoreMesh(core_axis_name="c", subcore_axis_name="s")
    k = pl.kernel(
        _body,
        out_type=jax.ShapeDtypeStruct((BATCH_N,), jnp.float32),
        mesh=mesh,
        scratch_types=[
            pltpu.VMEM((ROWS_PER_W,), jnp.int32),
            pltpu.VMEM((ROWS_PER_W,), jnp.int32),
            pltpu.VMEM((CHUNK, 1, FEAT), jnp.float32),
            pltpu.VMEM((CHUNK, 1, FEAT), jnp.float32),
            pltpu.VMEM((ROWS_PER_W,), jnp.float32),
            pltpu.SemaphoreType.DMA,
        ],
        compiler_params=pltpu.CompilerParams(needs_layout_passes=False),
    )
    return k(user.astype(jnp.int32), item.astype(jnp.int32),
             users_emb, items_emb)

# --- scband reference (transcript-rebuilt; emitter-appended) ---
"""Pipeline reference for scband-matrix-factorization-14671608283675 (READ-ONLY COPY).

The authoritative reference and input builder live on the scoring server;
editing this copy changes nothing except your own understanding.
"""

import jax, jax.numpy as jnp
import numpy as np

NUM_USERS = 1000000
NUM_ITEMS = 1000000
K = 64
BATCH = 16384

def setup_inputs(seed: int = 0) -> dict:
    key = jax.random.key(seed)
    k1, k2, k3, k4 = jax.random.split(key, 4)
    user = jax.random.randint(k1, (BATCH,), 0, NUM_USERS, dtype=jnp.int64 if jax.config.jax_enable_x64 else jnp.int32)
    item = jax.random.randint(k2, (BATCH,), 0, NUM_ITEMS, dtype=jnp.int64 if jax.config.jax_enable_x64 else jnp.int32)
    users_emb = jax.random.normal(k3, (NUM_USERS, K), dtype=jnp.float32)
    items_emb = jax.random.normal(k4, (NUM_ITEMS, K), dtype=jnp.float32)
    return {"user": user, "item": item, "users_emb": users_emb, "items_emb": items_emb}

def reference(user, item, users_emb, items_emb):
    u = jnp.take(users_emb, user, axis=0)
    i = jnp.take(items_emb, item, axis=0)
    return (u * i).sum(axis=1)

if __name__ == "__main__":
    import jax
    _d = setup_inputs()
    print(jax.jit(kernel)(*tuple(_d.values())))

</pallas_src>

<mosaic_0001>
#map = affine_map<(d0, d1) -> (0)>
#map1 = affine_map<(d0, d1) -> (0, 0)>
module attributes {stable_mosaic.version = 14 : i64} {
  func.func @_body(%arg0: i32, %arg1: i32, %arg2: memref<16384xi32, #tpu.memory_space<hbm>>, %arg3: memref<16384xi32, #tpu.memory_space<hbm>>, %arg4: memref<1000000x64xf32, #tpu.memory_space<hbm>>, %arg5: memref<1000000x64xf32, #tpu.memory_space<hbm>>, %arg6: memref<16384xf32, #tpu.memory_space<hbm>>, %arg7: memref<512xi32, #tpu.memory_space<vmem>>, %arg8: memref<512xi32, #tpu.memory_space<vmem>>, %arg9: memref<256x1x64xf32, #tpu.memory_space<vmem>>, %arg10: memref<256x1x64xf32, #tpu.memory_space<vmem>>, %arg11: memref<512xf32, #tpu.memory_space<vmem>>, %arg12: memref<!tpu.dma_semaphore, #tpu.memory_space<semaphore_mem>>) attributes {dimension_semantics = [#tpu.dimension_semantics<core_parallel>, #tpu.dimension_semantics<subcore_parallel>], iteration_bounds = array<i64: 2, 16>, scalar_prefetch = 0 : i64, scratch_operands = 6 : i64, tpu.core_type = #tpu.core_type<sc_vector_subcore>, window_params = [{transform_indices = #map}, {transform_indices = #map}, {transform_indices = #map1}, {transform_indices = #map1}, {transform_indices = #map}]} {
    %mul3A = arith.constant 2 : i32
    %mul3A_0 = arith.muli %arg1, %mul3A : i32
    %add3A = arith.addi %mul3A_0, %arg0 : i32
    %mul3A_1 = arith.constant 512 : i32
    %mul3A_2 = arith.muli %add3A, %mul3A_1 : i32
    "tpu.region"() ({
      %run_scoped3A = tpu.sem_alloc : memref<!tpu.dma_semaphore, #tpu.memory_space<semaphore_mem>>
      %dma_start3A = tpu.memref_slice %arg2[%mul3A_2] : memref<16384xi32, #tpu.memory_space<hbm>> -> memref<512xi32, #tpu.memory_space<hbm>>
      %dma_start3A_7 = tpu.memref_slice %arg2[%mul3A_2] : memref<16384xi32, #tpu.memory_space<hbm>> -> memref<512xi32, #tpu.memory_space<hbm>>
      tpu.enqueue_dma source(%dma_start3A_7 : memref<512xi32, #tpu.memory_space<hbm>>) target(%arg7 : memref<512xi32, #tpu.memory_space<vmem>>) target_semaphore(%run_scoped3A : memref<!tpu.dma_semaphore, #tpu.memory_space<semaphore_mem>>)
      %dma_wait3A = tpu.memref_slice %arg2[%mul3A_2] : memref<16384xi32, #tpu.memory_space<hbm>> -> memref<512xi32, #tpu.memory_space<hbm>>
      %dma_wait3A_8 = tpu.memref_slice %arg2[%mul3A_2] : memref<16384xi32, #tpu.memory_space<hbm>> -> memref<512xi32, #tpu.memory_space<hbm>>
      tpu.wait_dma2 semaphore(%run_scoped3A : memref<!tpu.dma_semaphore, #tpu.memory_space<semaphore_mem>>) src(%dma_wait3A_8 : memref<512xi32, #tpu.memory_space<hbm>>) dst(%arg7 : memref<512xi32, #tpu.memory_space<vmem>>)
      tpu.yield
    }) : () -> ()
    "tpu.region"() ({
      %run_scoped3A = tpu.sem_alloc : memref<!tpu.dma_semaphore, #tpu.memory_space<semaphore_mem>>
      %dma_start3A = tpu.memref_slice %arg3[%mul3A_2] : memref<16384xi32, #tpu.memory_space<hbm>> -> memref<512xi32, #tpu.memory_space<hbm>>
      %dma_start3A_7 = tpu.memref_slice %arg3[%mul3A_2] : memref<16384xi32, #tpu.memory_space<hbm>> -> memref<512xi32, #tpu.memory_space<hbm>>
      tpu.enqueue_dma source(%dma_start3A_7 : memref<512xi32, #tpu.memory_space<hbm>>) target(%arg8 : memref<512xi32, #tpu.memory_space<vmem>>) target_semaphore(%run_scoped3A : memref<!tpu.dma_semaphore, #tpu.memory_space<semaphore_mem>>)
      %dma_wait3A = tpu.memref_slice %arg3[%mul3A_2] : memref<16384xi32, #tpu.memory_space<hbm>> -> memref<512xi32, #tpu.memory_space<hbm>>
      %dma_wait3A_8 = tpu.memref_slice %arg3[%mul3A_2] : memref<16384xi32, #tpu.memory_space<hbm>> -> memref<512xi32, #tpu.memory_space<hbm>>
      tpu.wait_dma2 semaphore(%run_scoped3A : memref<!tpu.dma_semaphore, #tpu.memory_space<semaphore_mem>>) src(%dma_wait3A_8 : memref<512xi32, #tpu.memory_space<hbm>>) dst(%arg8 : memref<512xi32, #tpu.memory_space<vmem>>)
      tpu.yield
    }) : () -> ()
    %iota3A = tpu.iota {dimensions = array<i32: 0>} : vector<16xi32>
    %scan3A = arith.constant 0 : i32
    %scan3A_3 = arith.constant 2 : i32
    %scan3A_4 = arith.addi %scan3A, %scan3A_3 : i32
    %scan3A_5 = arith.constant 1 : i32
    scf.for %scan3A_7 = %scan3A to %scan3A_4 step %scan3A_5  : i32 {
      %mul3A_8 = arith.constant 256 : i32
      %mul3A_9 = arith.muli %scan3A_7, %mul3A_8 : i32
      %scan3A_10 = arith.constant 0 : i32
      %scan3A_11 = arith.constant 16 : i32
      %scan3A_12 = arith.addi %scan3A_10, %scan3A_11 : i32
      %scan3A_13 = arith.constant 1 : i32
      scf.for %scan3A_25 = %scan3A_10 to %scan3A_12 step %scan3A_13  : i32 {
        %mul3A_26 = arith.constant 16 : i32
        %mul3A_27 = arith.muli %scan3A_25, %mul3A_26 : i32
        %add3A_28 = arith.addi %mul3A_9, %mul3A_27 : i32
        %get3A = arith.index_cast %add3A_28 : i32 to index
        %get3A_29 = tpu.vector_load %arg7[%get3A] {strides = array<i32>} : memref<512xi32, #tpu.memory_space<vmem>>, vector<16xi32>,
        %mul3A_30 = arith.constant 16 : i32
        %mul3A_31 = arith.muli %scan3A_25, %mul3A_30 : i32
        %add3A_32 = arith.addi %mul3A_9, %mul3A_31 : i32
        %get3A_33 = arith.index_cast %add3A_32 : i32 to index
        %get3A_34 = tpu.vector_load %arg8[%get3A_33] {strides = array<i32>} : memref<512xi32, #tpu.memory_space<vmem>>, vector<16xi32>,
        %mul3A_35 = arith.constant 16 : i32
        %mul3A_36 = arith.muli %scan3A_25, %mul3A_35 : i32
        %add3A_37 = arith.constant 0 : i32
        %add3A_38 = arith.addi %mul3A_36, %add3A_37 : i32
        %slice3A = vector.extract_strided_slice %get3A_29 {offsets = [0], sizes = [1], strides = [1]} : vector<16xi32> to vector<1xi32>
        %squeeze3A = vector.extract %slice3A[0] : i32 from vector<1xi32>
        %dma_start3A = arith.constant 0 : i32
        %dma_start3A_39 = arith.constant 0 : i32
        %dma_start3A_40 = tpu.memref_slice %arg9[%add3A_38, %dma_start3A, %dma_start3A_39] : memref<256x1x64xf32, #tpu.memory_space<vmem>> -> memref<1x1x64xf32, #tpu.memory_space<vmem>>
        %dma_start3A_41 = tpu.memref_squeeze %dma_start3A_40 : memref<1x1x64xf32, #tpu.memory_space<vmem>> -> memref<64xf32, #tpu.memory_space<vmem>>
        %dma_start3A_42 = arith.constant 0 : i32
        %dma_start3A_43 = tpu.memref_slice %arg4[%squeeze3A, %dma_start3A_42] : memref<1000000x64xf32, #tpu.memory_space<hbm>> -> memref<1x64xf32, #tpu.memory_space<hbm>>
        %dma_start3A_44 = tpu.memref_squeeze %dma_start3A_43 : memref<1x64xf32, #tpu.memory_space<hbm>> -> memref<64xf32, #tpu.memory_space<hbm>>
        %dma_start3A_45 = arith.constant 0 : i32
        %dma_start3A_46 = tpu.memref_slice %arg9[%add3A_38, %dma_start3A, %dma_start3A_45] : memref<256x1x64xf32, #tpu.memory_space<vmem>> -> memref<1x1x64xf32, #tpu.memory_space<vmem>>
        %dma_start3A_47 = tpu.memref_squeeze %dma_start3A_46 : memref<1x1x64xf32, #tpu.memory_space<vmem>> -> memref<64xf32, #tpu.memory_space<vmem>>
        %dma_start3A_48 = arith.constant 0 : i32
        %dma_start3A_49 = tpu.memref_slice %arg4[%squeeze3A, %dma_start3A_48] : memref<1000000x64xf32, #tpu.memory_space<hbm>> -> memref<1x64xf32, #tpu.memory_space<hbm>>
        %dma_start3A_50 = tpu.memref_squeeze %dma_start3A_49 : memref<1x64xf32, #tpu.memory_space<hbm>> -> memref<64xf32, #tpu.memory_space<hbm>>
        tpu.enqueue_dma source(%dma_start3A_50 : memref<64xf32, #tpu.memory_space<hbm>>) target(%dma_start3A_47 : memref<64xf32, #tpu.memory_space<vmem>>) target_semaphore(%arg12 : memref<!tpu.dma_semaphore, #tpu.memory_space<semaphore_mem>>)
        %slice3A_51 = vector.extract_strided_slice %get3A_34 {offsets = [0], sizes = [1], strides = [1]} : vector<16xi32> to vector<1xi32>
        %squeeze3A_52 = vector.extract %slice3A_51[0] : i32 from vector<1xi32>
        %dma_start3A_53 = arith.constant 0 : i32
        %dma_start3A_54 = arith.constant 0 : i32
        %dma_start3A_55 = tpu.memref_slice %arg10[%add3A_38, %dma_start3A_53, %dma_start3A_54] : memref<256x1x64xf32, #tpu.memory_space<vmem>> -> memref<1x1x64xf32, #tpu.memory_space<vmem>>
        %dma_start3A_56 = tpu.memref_squeeze %dma_start3A_55 : memref<1x1x64xf32, #tpu.memory_space<vmem>> -> memref<64xf32, #tpu.memory_space<vmem>>
        %dma_start3A_57 = arith.constant 0 : i32
        %dma_start3A_58 = tpu.memref_slice %arg5[%squeeze3A_52, %dma_start3A_57] : memref<1000000x64xf32, #tpu.memory_space<hbm>> -> memref<1x64xf32, #tpu.memory_space<hbm>>
        %dma_start3A_59 = tpu.memref_squeeze %dma_start3A_58 : memref<1x64xf32, #tpu.memory_space<hbm>> -> memref<64xf32, #tpu.memory_space<hbm>>
        %dma_start3A_60 = arith.constant 0 : i32
        %dma_start3A_61 = tpu.memref_slice %arg10[%add3A_38, %dma_start3A_53, %dma_start3A_60] : memref<256x1x64xf32, #tpu.memory_space<vmem>> -> memref<1x1x64xf32, #tpu.memory_space<vmem>>
        %dma_start3A_62 = tpu.memref_squeeze %dma_start3A_61 : memref<1x1x64xf32, #tpu.memory_space<vmem>> -> memref<64xf32, #tpu.memory_space<vmem>>
        %dma_start3A_63 = arith.constant 0 : i32
        %dma_start3A_64 = tpu.memref_slice %arg5[%squeeze3A_52, %dma_start3A_63] : memref<1000000x64xf32, #tpu.memory_space<hbm>> -> memref<1x64xf32, #tpu.memory_space<hbm>>
        %dma_start3A_65 = tpu.memref_squeeze %dma_start3A_64 : memref<1x64xf32, #tpu.memory_space<hbm>> -> memref<64xf32, #tpu.memory_space<hbm>>
        tpu.enqueue_dma source(%dma_start3A_65 : memref<64xf32, #tpu.memory_space<hbm>>) target(%dma_start3A_62 : memref<64xf32, #tpu.memory_space<vmem>>) target_semaphore(%arg12 : memref<!tpu.dma_semaphore, #tpu.memory_space<semaphore_mem>>)
        %mul3A_66 = arith.constant 16 : i32
        %mul3A_67 = arith.muli %scan3A_25, %mul3A_66 : i32
        %add3A_68 = arith.constant 1 : i32
        %add3A_69 = arith.addi %mul3A_67, %add3A_68 : i32
        %slice3A_70 = vector.extract_strided_slice %get3A_29 {offsets = [1], sizes = [1], strides = [1]} : vector<16xi32> to vector<1xi32>
        %squeeze3A_71 = vector.extract %slice3A_70[0] : i32 from vector<1xi32>
        %dma_start3A_72 = arith.constant 0 : i32
        %dma_start3A_73 = arith.constant 0 : i32
        %dma_start3A_74 = tpu.memref_slice %arg9[%add3A_69, %dma_start3A_72, %dma_start3A_73] : memref<256x1x64xf32, #tpu.memory_space<vmem>> -> memref<1x1x64xf32, #tpu.memory_space<vmem>>
        %dma_start3A_75 = tpu.memref_squeeze %dma_start3A_74 : memref<1x1x64xf32, #tpu.memory_space<vmem>> -> memref<64xf32, #tpu.memory_space<vmem>>
        %dma_start3A_76 = arith.constant 0 : i32
        %dma_start3A_77 = tpu.memref_slice %arg4[%squeeze3A_71, %dma_start3A_76] : memref<1000000x64xf32, #tpu.memory_space<hbm>> -> memref<1x64xf32, #tpu.memory_space<hbm>>
        %dma_start3A_78 = tpu.memref_squeeze %dma_start3A_77 : memref<1x64xf32, #tpu.memory_space<hbm>> -> memref<64xf32, #tpu.memory_space<hbm>>
        %dma_start3A_79 = arith.constant 0 : i32
        %dma_start3A_80 = tpu.memref_slice %arg9[%add3A_69, %dma_start3A_72, %dma_start3A_79] : memref<256x1x64xf32, #tpu.memory_space<vmem>> -> memref<1x1x64xf32, #tpu.memory_space<vmem>>
        %dma_start3A_81 = tpu.memref_squeeze %dma_start3A_80 : memref<1x1x64xf32, #tpu.memory_space<vmem>> -> memref<64xf32, #tpu.memory_space<vmem>>
        %dma_start3A_82 = arith.constant 0 : i32
        %dma_start3A_83 = tpu.memref_slice %arg4[%squeeze3A_71, %dma_start3A_82] : memref<1000000x64xf32, #tpu.memory_space<hbm>> -> memref<1x64xf32, #tpu.memory_space<hbm>>
        %dma_start3A_84 = tpu.memref_squeeze %dma_start3A_83 : memref<1x64xf32, #tpu.memory_space<hbm>> -> memref<64xf32, #tpu.memory_space<hbm>>
        tpu.enqueue_dma source(%dma_start3A_84 : memref<64xf32, #tpu.memory_space<hbm>>) target(%dma_start3A_81 : memref<64xf32, #tpu.memory_space<vmem>>) target_semaphore(%arg12 : memref<!tpu.dma_semaphore, #tpu.memory_space<semaphore_mem>>)
        %slice3A_85 = vector.extract_strided_slice %get3A_34 {offsets = [1], sizes = [1], strides = [1]} : vector<16xi32> to vector<1xi32>
        %squeeze3A_86 = vector.extract %slice3A_85[0] : i32 from vector<1xi32>
        %dma_start3A_87 = arith.constant 0 : i32
        %dma_start3A_88 = arith.constant 0 : i32
        %dma_start3A_89 = tpu.memref_slice %arg10[%add3A_69, %dma_start3A_87, %dma_start3A_88] : memref<256x1x64xf32, #tpu.memory_space<vmem>> -> memref<1x1x64xf32, #tpu.memory_space<vmem>>
        %dma_start3A_90 = tpu.memref_squeeze %dma_start3A_89 : memref<1x1x64xf32, #tpu.memory_space<vmem>> -> memref<64xf32, #tpu.memory_space<vmem>>
        %dma_start3A_91 = arith.constant 0 : i32
        %dma_start3A_92 = tpu.memref_slice %arg5[%squeeze3A_86, %dma_start3A_91] : memref<1000000x64xf32, #tpu.memory_space<hbm>> -> memref<1x64xf32, #tpu.memory_space<hbm>>
        %dma_start3A_93 = tpu.memref_squeeze %dma_start3A_92 : memref<1x64xf32, #tpu.memory_space<hbm>> -> memref<64xf32, #tpu.memory_space<hbm>>
        %dma_start3A_94 = arith.constant 0 : i32
        %dma_start3A_95 = tpu.memref_slice %arg10[%add3A_69, %dma_start3A_87, %dma_start3A_94] : memref<256x1x64xf32, #tpu.memory_space<vmem>> -> memref<1x1x64xf32, #tpu.memory_space<vmem>>
        %dma_start3A_96 = tpu.memref_squeeze %dma_start3A_95 : memref<1x1x64xf32, #tpu.memory_space<vmem>> -> memref<64xf32, #tpu.memory_space<vmem>>
        %dma_start3A_97 = arith.constant 0 : i32
        %dma_start3A_98 = tpu.memref_slice %arg5[%squeeze3A_86, %dma_start3A_97] : memref<1000000x64xf32, #tpu.memory_space<hbm>> -> memref<1x64xf32, #tpu.memory_space<hbm>>
        %dma_start3A_99 = tpu.memref_squeeze %dma_start3A_98 : memref<1x64xf32, #tpu.memory_space<hbm>> -> memref<64xf32, #tpu.memory_space<hbm>>
        tpu.enqueue_dma source(%dma_start3A_99 : memref<64xf32, #tpu.memory_space<hbm>>) target(%dma_start3A_96 : memref<64xf32, #tpu.memory_space<vmem>>) target_semaphore(%arg12 : memref<!tpu.dma_semaphore, #tpu.memory_space<semaphore_mem>>)
        %mul3A_100 = arith.constant 16 : i32
        %mul3A_101 = arith.muli %scan3A_25, %mul3A_100 : i32
        %add3A_102 = arith.constant 2 : i32
        %add3A_103 = arith.addi %mul3A_101, %add3A_102 : i32
        %slice3A_104 = vector.extract_strided_slice %get3A_29 {offsets = [2], sizes = [1], strides = [1]} : vector<16xi32> to vector<1xi32>
        %squeeze3A_105 = vector.extract %slice3A_104[0] : i32 from vector<1xi32>
        %dma_start3A_106 = arith.constant 0 : i32
        %dma_start3A_107 = arith.constant 0 : i32
        %dma_start3A_108 = tpu.memref_slice %arg9[%add3A_103, %dma_start3A_106, %dma_start3A_107] : memref<256x1x64xf32, #tpu.memory_space<vmem>> -> memref<1x1x64xf32, #tpu.memory_space<vmem>>
        %dma_start3A_109 = tpu.memref_squeeze %dma_start3A_108 : memref<1x1x64xf32, #tpu.memory_space<vmem>> -> memref<64xf32, #tpu.memory_space<vmem>>
        %dma_start3A_110 = arith.constant 0 : i32
        %dma_start3A_111 = tpu.memref_slice %arg4[%squeeze3A_105, %dma_start3A_110] : memref<1000000x64xf32, #tpu.memory_space<hbm>> -> memref<1x64xf32, #tpu.memory_space<hbm>>
        %dma_start3A_112 = tpu.memref_squeeze %dma_start3A_111 : memref<1x64xf32, #tpu.memory_space<hbm>> -> memref<64xf32, #tpu.memory_space<hbm>>
        %dma_start3A_113 = arith.constant 0 : i32
        %dma_start3A_114 = tpu.memref_slice %arg9[%add3A_103, %dma_start3A_106, %dma_start3A_113] : memref<256x1x64xf32, #tpu.memory_space<vmem>> -> memref<1x1x64xf32, #tpu.memory_space<vmem>>
        %dma_start3A_115 = tpu.memref_squeeze %dma_start3A_114 : memref<1x1x64xf32, #tpu.memory_space<vmem>> -> memref<64xf32, #tpu.memory_space<vmem>>
        %dma_start3A_116 = arith.constant 0 : i32
        %dma_start3A_117 = tpu.memref_slice %arg4[%squeeze3A_105, %dma_start3A_116] : memref<1000000x64xf32, #tpu.memory_space<hbm>> -> memref<1x64xf32, #tpu.memory_space<hbm>>
        %dma_start3A_118 = tpu.memref_squeeze %dma_start3A_117 : memref<1x64xf32, #tpu.memory_space<hbm>> -> memref<64xf32, #tpu.memory_space<hbm>>
        tpu.enqueue_dma source(%dma_start3A_118 : memref<64xf32, #tpu.memory_space<hbm>>) target(%dma_start3A_115 : memref<64xf32, #tpu.memory_space<vmem>>) target_semaphore(%arg12 : memref<!tpu.dma_semaphore, #tpu.memory_space<semaphore_mem>>)
        %slice3A_119 = vector.extract_strided_slice %get3A_34 {offsets = [2], sizes = [1], strides = [1]} : vector<16xi32> to vector<1xi32>
        %squeeze3A_120 = vector.extract %slice3A_119[0] : i32 from vector<1xi32>
        %dma_start3A_121 = arith.constant 0 : i32
        %dma_start3A_122 = arith.constant 0 : i32
        %dma_start3A_123 = tpu.memref_slice %arg10[%add3A_103, %dma_start3A_121, %dma_start3A_122] : memref<256x1x64xf32, #tpu.memory_space<vmem>> -> memref<1x1x64xf32, #tpu.memory_space<vmem>>
        %dma_start3A_124 = tpu.memref_squeeze %dma_start3A_123 : memref<1x1x64xf32, #tpu.memory_space<vmem>> -> memref<64xf32, #tpu.memory_space<vmem>>
        %dma_start3A_125 = arith.constant 0 : i32
        %dma_start3A_126 = tpu.memref_slice %arg5[%squeeze3A_120, %dma_start3A_125] : memref<1000000x64xf32, #tpu.memory_space<hbm>> -> memref<1x64xf32, #tpu.memory_space<hbm>>
        %dma_start3A_127 = tpu.memref_squeeze %dma_start3A_126 : memref<1x64xf32, #tpu.memory_space<hbm>> -> memref<64xf32, #tpu.memory_space<hbm>>
        %dma_start3A_128 = arith.constant 0 : i32
        %dma_start3A_129 = tpu.memref_slice %arg10[%add3A_103, %dma_start3A_121, %dma_start3A_128] : memref<256x1x64xf32, #tpu.memory_space<vmem>> -> memref<1x1x64xf32, #tpu.memory_space<vmem>>
        %dma_start3A_130 = tpu.memref_squeeze %dma_start3A_129 : memref<1x1x64xf32, #tpu.memory_space<vmem>> -> memref<64xf32, #tpu.memory_space<vmem>>
        %dma_start3A_131 = arith.constant 0 : i32
        %dma_start3A_132 = tpu.memref_slice %arg5[%squeeze3A_120, %dma_start3A_131] : memref<1000000x64xf32, #tpu.memory_space<hbm>> -> memref<1x64xf32, #tpu.memory_space<hbm>>
        %dma_start3A_133 = tpu.memref_squeeze %dma_start3A_132 : memref<1x64xf32, #tpu.memory_space<hbm>> -> memref<64xf32, #tpu.memory_space<hbm>>
        tpu.enqueue_dma source(%dma_start3A_133 : memref<64xf32, #tpu.memory_space<hbm>>) target(%dma_start3A_130 : memref<64xf32, #tpu.memory_space<vmem>>) target_semaphore(%arg12 : memref<!tpu.dma_semaphore, #tpu.memory_space<semaphore_mem>>)
        %mul3A_134 = arith.constant 16 : i32
        %mul3A_135 = arith.muli %scan3A_25, %mul3A_134 : i32
        %add3A_136 = arith.constant 3 : i32
        %add3A_137 = arith.addi %mul3A_135, %add3A_136 : i32
        %slice3A_138 = vector.extract_strided_slice %get3A_29 {offsets = [3], sizes = [1], strides = [1]} : vector<16xi32> to vector<1xi32>
        %squeeze3A_139 = vector.extract %slice3A_138[0] : i32 from vector<1xi32>
        %dma_start3A_140 = arith.constant 0 : i32
        %dma_start3A_141 = arith.constant 0 : i32
        %dma_start3A_142 = tpu.memref_slice %arg9[%add3A_137, %dma_start3A_140, %dma_start3A_141] : memref<256x1x64xf32, #tpu.memory_space<vmem>> -> memref<1x1x64xf32, #tpu.memory_space<vmem>>
        %dma_start3A_143 = tpu.memref_squeeze %dma_start3A_142 : memref<1x1x64xf32, #tpu.memory_space<vmem>> -> memref<64xf32, #tpu.memory_space<vmem>>
        %dma_start3A_144 = arith.constant 0 : i32
        %dma_start3A_145 = tpu.memref_slice %arg4[%squeeze3A_139, %dma_start3A_144] : memref<1000000x64xf32, #tpu.memory_space<hbm>> -> memref<1x64xf32, #tpu.memory_space<hbm>>
        %dma_start3A_146 = tpu.memref_squeeze %dma_start3A_145 : memref<1x64xf32, #tpu.memory_space<hbm>> -> memref<64xf32, #tpu.memory_space<hbm>>
        %dma_start3A_147 = arith.constant 0 : i32
        %dma_start3A_148 = tpu.memref_slice %arg9[%add3A_137, %dma_start3A_140, %dma_start3A_147] : memref<256x1x64xf32, #tpu.memory_space<vmem>> -> memref<1x1x64xf32, #tpu.memory_space<vmem>>
        %dma_start3A_149 = tpu.memref_squeeze %dma_start3A_148 : memref<1x1x64xf32, #tpu.memory_space<vmem>> -> memref<64xf32, #tpu.memory_space<vmem>>
        %dma_start3A_150 = arith.constant 0 : i32
        %dma_start3A_151 = tpu.memref_slice %arg4[%squeeze3A_139, %dma_start3A_150] : memref<1000000x64xf32, #tpu.memory_space<hbm>> -> memref<1x64xf32, #tpu.memory_space<hbm>>
        %dma_start3A_152 = tpu.memref_squeeze %dma_start3A_151 : memref<1x64xf32, #tpu.memory_space<hbm>> -> memref<64xf32, #tpu.memory_space<hbm>>
        tpu.enqueue_dma source(%dma_start3A_152 : memref<64xf32, #tpu.memory_space<hbm>>) target(%dma_start3A_149 : memref<64xf32, #tpu.memory_space<vmem>>) target_semaphore(%arg12 : memref<!tpu.dma_semaphore, #tpu.memory_space<semaphore_mem>>)
        %slice3A_153 = vector.extract_strided_slice %get3A_34 {offsets = [3], sizes = [1], strides = [1]} : vector<16xi32> to vector<1xi32>
        %squeeze3A_154 = vector.extract %slice3A_153[0] : i32 from vector<1xi32>
        %dma_start3A_155 = arith.constant 0 : i32
        %dma_start3A_156 = arith.constant 0 : i32
        %dma_start3A_157 = tpu.memref_slice %arg10[%add3A_137, %dma_start3A_155, %dma_start3A_156] : memref<256x1x64xf32, #tpu.memory_space<vmem>> -> memref<1x1x64xf32, #tpu.memory_space<vmem>>
        %dma_start3A_158 = tpu.memref_squeeze %dma_start3A_157 : memref<1x1x64xf32, #tpu.memory_space<vmem>> -> memref<64xf32, #tpu.memory_space<vmem>>
        %dma_start3A_159 = arith.constant 0 : i32
        %dma_start3A_160 = tpu.memref_slice %arg5[%squeeze3A_154, %dma_start3A_159] : memref<1000000x64xf32, #tpu.memory_space<hbm>> -> memref<1x64xf32, #tpu.memory_space<hbm>>
        %dma_start3A_161 = tpu.memref_squeeze %dma_start3A_160 : memref<1x64xf32, #tpu.memory_space<hbm>> -> memref<64xf32, #tpu.memory_space<hbm>>
        %dma_start3A_162 = arith.constant 0 : i32
        %dma_start3A_163 = tpu.memref_slice %arg10[%add3A_137, %dma_start3A_155, %dma_start3A_162] : memref<256x1x64xf32, #tpu.memory_space<vmem>> -> memref<1x1x64xf32, #tpu.memory_space<vmem>>
        %dma_start3A_164 = tpu.memref_squeeze %dma_start3A_163 : memref<1x1x64xf32, #tpu.memory_space<vmem>> -> memref<64xf32, #tpu.memory_space<vmem>>
        %dma_start3A_165 = arith.constant 0 : i32
        %dma_start3A_166 = tpu.memref_slice %arg5[%squeeze3A_154, %dma_start3A_165] : memref<1000000x64xf32, #tpu.memory_space<hbm>> -> memref<1x64xf32, #tpu.memory_space<hbm>>
        %dma_start3A_167 = tpu.memref_squeeze %dma_start3A_166 : memref<1x64xf32, #tpu.memory_space<hbm>> -> memref<64xf32, #tpu.memory_space<hbm>>
        tpu.enqueue_dma source(%dma_start3A_167 : memref<64xf32, #tpu.memory_space<hbm>>) target(%dma_start3A_164 : memref<64xf32, #tpu.memory_space<vmem>>) target_semaphore(%arg12 : memref<!tpu.dma_semaphore, #tpu.memory_space<semaphore_mem>>)
        %mul3A_168 = arith.constant 16 : i32
        %mul3A_169 = arith.muli %scan3A_25, %mul3A_168 : i32
        %add3A_170 = arith.constant 4 : i32
        %add3A_171 = arith.addi %mul3A_169, %add3A_170 : i32
        %slice3A_172 = vector.extract_strided_slice %get3A_29 {offsets = [4], sizes = [1], strides = [1]} : vector<16xi32> to vector<1xi32>
        %squeeze3A_173 = vector.extract %slice3A_172[0] : i32 from vector<1xi32>
        %dma_start3A_174 = arith.constant 0 : i32
        %dma_start3A_175 = arith.constant 0 : i32
        %dma_start3A_176 = tpu.memref_slice %arg9[%add3A_171, %dma_start3A_174, %dma_start3A_175] : memref<256x1x64xf32, #tpu.memory_space<vmem>> -> memref<1x1x64xf32, #tpu.memory_space<vmem>>
        %dma_start3A_177 = tpu.memref_squeeze %dma_start3A_176 : memref<1x1x64xf32, #tpu.memory_space<vmem>> -> memref<64xf32, #tpu.memory_space<vmem>>
        %dma_start3A_178 = arith.constant 0 : i32
        %dma_start3A_179 = tpu.memref_slice %arg4[%squeeze3A_173, %dma_start3A_178] : memref<1000000x64xf32, #tpu.memory_space<hbm>> -> memref<1x64xf32, #tpu.memory_space<hbm>>
        %dma_start3A_180 = tpu.memref_squeeze %dma_start3A_179 : memref<1x64xf32, #tpu.memory_space<hbm>> -> memref<64xf32, #tpu.memory_space<hbm>>
        %dma_start3A_181 = arith.constant 0 : i32
        %dma_start3A_182 = tpu.memref_slice %arg9[%add3A_171, %dma_start3A_174, %dma_start3A_181] : memref<256x1x64xf32, #tpu.memory_space<vmem>> -> memref<1x1x64xf32, #tpu.memory_space<vmem>>
        %dma_start3A_183 = tpu.memref_squeeze %dma_start3A_182 : memref<1x1x64xf32, #tpu.memory_space<vmem>> -> memref<64xf32, #tpu.memory_space<vmem>>
        %dma_start3A_184 = arith.constant 0 : i32
        %dma_start3A_185 = tpu.memref_slice %arg4[%squeeze3A_173, %dma_start3A_184] : memref<1000000x64xf32, #tpu.memory_space<hbm>> -> memref<1x64xf32, #tpu.memory_space<hbm>>
        %dma_start3A_186 = tpu.memref_squeeze %dma_start3A_185 : memref<1x64xf32, #tpu.memory_space<hbm>> -> memref<64xf32, #tpu.memory_space<hbm>>
        tpu.enqueue_dma source(%dma_start3A_186 : memref<64xf32, #tpu.memory_space<hbm>>) target(%dma_start3A_183 : memref<64xf32, #tpu.memory_space<vmem>>) target_semaphore(%arg12 : memref<!tpu.dma_semaphore, #tpu.memory_space<semaphore_mem>>)
        %slice3A_187 = vector.extract_strided_slice %get3A_34 {offsets = [4], sizes = [1], strides = [1]} : vector<16xi32> to vector<1xi32>
        %squeeze3A_188 = vector.extract %slice3A_187[0] : i32 from vector<1xi32>
        %dma_start3A_189 = arith.constant 0 : i32
        %dma_start3A_190 = arith.constant 0 : i32
        %dma_start3A_191 = tpu.memref_slice %arg10[%add3A_171, %dma_start3A_189, %dma_start3A_190] : memref<256x1x64xf32, #tpu.memory_space<vmem>> -> memref<1x1x64xf32, #tpu.memory_space<vmem>>
        %dma_start3A_192 = tpu.memref_squeeze %dma_start3A_191 : memref<1x1x64xf32, #tpu.memory_space<vmem>> -> memref<64xf32, #tpu.memory_space<vmem>>
        %dma_start3A_193 = arith.constant 0 : i32
        %dma_start3A_194 = tpu.memref_slice %arg5[%squeeze3A_188, %dma_start3A_193] : memref<1000000x64xf32, #tpu.memory_space<hbm>> -> memref<1x64xf32, #tpu.memory_space<hbm>>
        %dma_start3A_195 = tpu.memref_squeeze %dma_start3A_194 : memref<1x64xf32, #tpu.memory_space<hbm>> -> memref<64xf32, #tpu.memory_space<hbm>>
        %dma_start3A_196 = arith.constant 0 : i32
        %dma_start3A_197 = tpu.memref_slice %arg10[%add3A_171, %dma_start3A_189, %dma_start3A_196] : memref<256x1x64xf32, #tpu.memory_space<vmem>> -> memref<1x1x64xf32, #tpu.memory_space<vmem>>
        %dma_start3A_198 = tpu.memref_squeeze %dma_start3A_197 : memref<1x1x64xf32, #tpu.memory_space<vmem>> -> memref<64xf32, #tpu.memory_space<vmem>>
        %dma_start3A_199 = arith.constant 0 : i32
        %dma_start3A_200 = tpu.memref_slice %arg5[%squeeze3A_188, %dma_start3A_199] : memref<1000000x64xf32, #tpu.memory_space<hbm>> -> memref<1x64xf32, #tpu.memory_space<hbm>>
        %dma_start3A_201 = tpu.memref_squeeze %dma_start3A_200 : memref<1x64xf32, #tpu.memory_space<hbm>> -> memref<64xf32, #tpu.memory_space<hbm>>
        tpu.enqueue_dma source(%dma_start3A_201 : memref<64xf32, #tpu.memory_space<hbm>>) target(%dma_start3A_198 : memref<64xf32, #tpu.memory_space<vmem>>) target_semaphore(%arg12 : memref<!tpu.dma_semaphore, #tpu.memory_space<semaphore_mem>>)
        %mul3A_202 = arith.constant 16 : i32
        %mul3A_203 = arith.muli %scan3A_25, %mul3A_202 : i32
        %add3A_204 = arith.constant 5 : i32
        %add3A_205 = arith.addi %mul3A_203, %add3A_204 : i32
        %slice3A_206 = vector.extract_strided_slice %get3A_29 {offsets = [5], sizes = [1], strides = [1]} : vector<16xi32> to vector<1xi32>
        %squeeze3A_207 = vector.extract %slice3A_206[0] : i32 from vector<1xi32>
        %dma_start3A_208 = arith.constant 0 : i32
        %dma_start3A_209 = arith.constant 0 : i32
        %dma_start3A_210 = tpu.memref_slice %arg9[%add3A_205, %dma_start3A_208, %dma_start3A_209] : memref<256x1x64xf32, #tpu.memory_space<vmem>> -> memref<1x1x64xf32, #tpu.memory_space<vmem>>
        %dma_start3A_211 = tpu.memref_squeeze %dma_start3A_210 : memref<1x1x64xf32, #tpu.memory_space<vmem>> -> memref<64xf32, #tpu.memory_space<vmem>>
        %dma_start3A_212 = arith.constant 0 : i32
        %dma_start3A_213 = tpu.memref_slice %arg4[%squeeze3A_207, %dma_start3A_212] : memref<1000000x64xf32, #tpu.memory_space<hbm>> -> memref<1x64xf32, #tpu.memory_space<hbm>>
        %dma_start3A_214 = tpu.memref_squeeze %dma_start3A_213 : memref<1x64xf32, #tpu.memory_space<hbm>> -> memref<64xf32, #tpu.memory_space<hbm>>
        %dma_start3A_215 = arith.constant 0 : i32
        %dma_start3A_216 = tpu.memref_slice %arg9[%add3A_205, %dma_start3A_208, %dma_start3A_215] : memref<256x1x64xf32, #tpu.memory_space<vmem>> -> memref<1x1x64xf32, #tpu.memory_space<vmem>>
        %dma_start3A_217 = tpu.memref_squeeze %dma_start3A_216 : memref<1x1x64xf32, #tpu.memory_space<vmem>> -> memref<64xf32, #tpu.memory_space<vmem>>
        %dma_start3A_218 = arith.constant 0 : i32
        %dma_start3A_219 = tpu.memref_slice %arg4[%squeeze3A_207, %dma_start3A_218] : memref<1000000x64xf32, #tpu.memory_space<hbm>> -> memref<1x64xf32, #tpu.memory_space<hbm>>
        %dma_start3A_220 = tpu.memref_squeeze %dma_start3A_219 : memref<1x64xf32, #tpu.memory_space<hbm>> -> memref<64xf32, #tpu.memory_space<hbm>>
        tpu.enqueue_dma source(%dma_start3A_220 : memref<64xf32, #tpu.memory_space<hbm>>) target(%dma_start3A_217 : memref<64xf32, #tpu.memory_space<vmem>>) target_semaphore(%arg12 : memref<!tpu.dma_semaphore, #tpu.memory_space<semaphore_mem>>)
        %slice3A_221 = vector.extract_strided_slice %get3A_34 {offsets = [5], sizes = [1], strides = [1]} : vector<16xi32> to vector<1xi32>
        %squeeze3A_222 = vector.extract %slice3A_221[0] : i32 from vector<1xi32>
        %dma_start3A_223 = arith.constant 0 : i32
        %dma_start3A_224 = arith.constant 0 : i32
        %dma_start3A_225 = tpu.memref_slice %arg10[%add3A_205, %dma_start3A_223, %dma_start3A_224] : memref<256x1x64xf32, #tpu.memory_space<vmem>> -> memref<1x1x64xf32, #tpu.memory_space<vmem>>
        %dma_start3A_226 = tpu.memref_squeeze %dma_start3A_225 : memref<1x1x64xf32, #tpu.memory_space<vmem>> -> memref<64xf32, #tpu.memory_space<vmem>>
        %dma_start3A_227 = arith.constant 0 : i32
        %dma_start3A_228 = tpu.memref_slice %arg5[%squeeze3A_222, %dma_start3A_227] : memref<1000000x64xf32, #tpu.memory_space<hbm>> -> memref<1x64xf32, #tpu.memory_space<hbm>>
        %dma_start3A_229 = tpu.memref_squeeze %dma_start3A_228 : memref<1x64xf32, #tpu.memory_space<hbm>> -> memref<64xf32, #tpu.memory_space<hbm>>
        %dma_start3A_230 = arith.constant 0 : i32
        %dma_start3A_231 = tpu.memref_slice %arg10[%add3A_205, %dma_start3A_223, %dma_start3A_230] : memref<256x1x64xf32, #tpu.memory_space<vmem>> -> memref<1x1x64xf32, #tpu.memory_space<vmem>>
        %dma_start3A_232 = tpu.memref_squeeze %dma_start3A_231 : memref<1x1x64xf32, #tpu.memory_space<vmem>> -> memref<64xf32, #tpu.memory_space<vmem>>
        %dma_start3A_233 = arith.constant 0 : i32
        %dma_start3A_234 = tpu.memref_slice %arg5[%squeeze3A_222, %dma_start3A_233] : memref<1000000x64xf32, #tpu.memory_space<hbm>> -> memref<1x64xf32, #tpu.memory_space<hbm>>
        %dma_start3A_235 = tpu.memref_squeeze %dma_start3A_234 : memref<1x64xf32, #tpu.memory_space<hbm>> -> memref<64xf32, #tpu.memory_space<hbm>>
        tpu.enqueue_dma source(%dma_start3A_235 : memref<64xf32, #tpu.memory_space<hbm>>) target(%dma_start3A_232 : memref<64xf32, #tpu.memory_space<vmem>>) target_semaphore(%arg12 : memref<!tpu.dma_semaphore, #tpu.memory_space<semaphore_mem>>)
        %mul3A_236 = arith.constant 16 : i32
        %mul3A_237 = arith.muli %scan3A_25, %mul3A_236 : i32
        %add3A_238 = arith.constant 6 : i32
        %add3A_239 = arith.addi %mul3A_237, %add3A_238 : i32
        %slice3A_240 = vector.extract_strided_slice %get3A_29 {offsets = [6], sizes = [1], strides = [1]} : vector<16xi32> to vector<1xi32>
        %squeeze3A_241 = vector.extract %slice3A_240[0] : i32 from vector<1xi32>
        %dma_start3A_242 = arith.constant 0 : i32
        %dma_start3A_243 = arith.constant 0 : i32
        %dma_start3A_244 = tpu.memref_slice %arg9[%add3A_239, %dma_start3A_242, %dma_start3A_243] : memref<256x1x64xf32, #tpu.memory_space<vmem>> -> memref<1x1x64xf32, #tpu.memory_space<vmem>>
        %dma_start3A_245 = tpu.memref_squeeze %dma_start3A_244 : memref<1x1x64xf32, #tpu.memory_space<vmem>> -> memref<64xf32, #tpu.memory_space<vmem>>
        %dma_start3A_246 = arith.constant 0 : i32
        %dma_start3A_247 = tpu.memref_slice %arg4[%squeeze3A_241, %dma_start3A_246] : memref<1000000x64xf32, #tpu.memory_space<hbm>> -> memref<1x64xf32, #tpu.memory_space<hbm>>
        %dma_start3A_248 = tpu.memref_squeeze %dma_start3A_247 : memref<1x64xf32, #tpu.memory_space<hbm>> -> memref<64xf32, #tpu.memory_space<hbm>>
        %dma_start3A_249 = arith.constant 0 : i32
        %dma_start3A_250 = tpu.memref_slice %arg9[%add3A_239, %dma_start3A_242, %dma_start3A_249] : memref<256x1x64xf32, #tpu.memory_space<vmem>> -> memref<1x1x64xf32, #tpu.memory_space<vmem>>
        %dma_start3A_251 = tpu.memref_squeeze %dma_start3A_250 : memref<1x1x64xf32, #tpu.memory_space<vmem>> -> memref<64xf32, #tpu.memory_space<vmem>>
        %dma_start3A_252 = arith.constant 0 : i32
        %dma_start3A_253 = tpu.memref_slice %arg4[%squeeze3A_241, %dma_start3A_252] : memref<1000000x64xf32, #tpu.memory_space<hbm>> -> memref<1x64xf32, #tpu.memory_space<hbm>>
        %dma_start3A_254 = tpu.memref_squeeze %dma_start3A_253 : memref<1x64xf32, #tpu.memory_space<hbm>> -> memref<64xf32, #tpu.memory_space<hbm>>
        tpu.enqueue_dma source(%dma_start3A_254 : memref<64xf32, #tpu.memory_space<hbm>>) target(%dma_start3A_251 : memref<64xf32, #tpu.memory_space<vmem>>) target_semaphore(%arg12 : memref<!tpu.dma_semaphore, #tpu.memory_space<semaphore_mem>>)
        %slice3A_255 = vector.extract_strided_slice %get3A_34 {offsets = [6], sizes = [1], strides = [1]} : vector<16xi32> to vector<1xi32>
        %squeeze3A_256 = vector.extract %slice3A_255[0] : i32 from vector<1xi32>
        %dma_start3A_257 = arith.constant 0 : i32
        %dma_start3A_258 = arith.constant 0 : i32
        %dma_start3A_259 = tpu.memref_slice %arg10[%add3A_239, %dma_start3A_257, %dma_start3A_258] : memref<256x1x64xf32, #tpu.memory_space<vmem>> -> memref<1x1x64xf32, #tpu.memory_space<vmem>>
        %dma_start3A_260 = tpu.memref_squeeze %dma_start3A_259 : memref<1x1x64xf32, #tpu.memory_space<vmem>> -> memref<64xf32, #tpu.memory_space<vmem>>
        %dma_start3A_261 = arith.constant 0 : i32
        %dma_start3A_262 = tpu.memref_slice %arg5[%squeeze3A_256, %dma_start3A_261] : memref<1000000x64xf32, #tpu.memory_space<hbm>> -> memref<1x64xf32, #tpu.memory_space<hbm>>
        %dma_start3A_263 = tpu.memref_squeeze %dma_start3A_262 : memref<1x64xf32, #tpu.memory_space<hbm>> -> memref<64xf32, #tpu.memory_space<hbm>>
        %dma_start3A_264 = arith.constant 0 : i32
        %dma_start3A_265 = tpu.memref_slice %arg10[%add3A_239, %dma_start3A_257, %dma_start3A_264] : memref<256x1x64xf32, #tpu.memory_space<vmem>> -> memref<1x1x64xf32, #tpu.memory_space<vmem>>
        %dma_start3A_266 = tpu.memref_squeeze %dma_start3A_265 : memref<1x1x64xf32, #tpu.memory_space<vmem>> -> memref<64xf32, #tpu.memory_space<vmem>>
        %dma_start3A_267 = arith.constant 0 : i32
        %dma_start3A_268 = tpu.memref_slice %arg5[%squeeze3A_256, %dma_start3A_267] : memref<1000000x64xf32, #tpu.memory_space<hbm>> -> memref<1x64xf32, #tpu.memory_space<hbm>>
        %dma_start3A_269 = tpu.memref_squeeze %dma_start3A_268 : memref<1x64xf32, #tpu.memory_space<hbm>> -> memref<64xf32, #tpu.memory_space<hbm>>
        tpu.enqueue_dma source(%dma_start3A_269 : memref<64xf32, #tpu.memory_space<hbm>>) target(%dma_start3A_266 : memref<64xf32, #tpu.memory_space<vmem>>) target_semaphore(%arg12 : memref<!tpu.dma_semaphore, #tpu.memory_space<semaphore_mem>>)
        %mul3A_270 = arith.constant 16 : i32
        %mul3A_271 = arith.muli %scan3A_25, %mul3A_270 : i32
        %add3A_272 = arith.constant 7 : i32
        %add3A_273 = arith.addi %mul3A_271, %add3A_272 : i32
        %slice3A_274 = vector.extract_strided_slice %get3A_29 {offsets = [7], sizes = [1], strides = [1]} : vector<16xi32> to vector<1xi32>
        %squeeze3A_275 = vector.extract %slice3A_274[0] : i32 from vector<1xi32>
        %dma_start3A_276 = arith.constant 0 : i32
        %dma_start3A_277 = arith.constant 0 : i32
        %dma_start3A_278 = tpu.memref_slice %arg9[%add3A_273, %dma_start3A_276, %dma_start3A_277] : memref<256x1x64xf32, #tpu.memory_space<vmem>> -> memref<1x1x64xf32, #tpu.memory_space<vmem>>
        %dma_start3A_279 = tpu.memref_squeeze %dma_start3A_278 : memref<1x1x64xf32, #tpu.memory_space<vmem>> -> memref<64xf32, #tpu.memory_space<vmem>>
        %dma_start3A_280 = arith.constant 0 : i32
        %dma_start3A_281 = tpu.memref_slice %arg4[%squeeze3A_275, %dma_start3A_280] : memref<1000000x64xf32, #tpu.memory_space<hbm>> -> memref<1x64xf32, #tpu.memory_space<hbm>>
        %dma_start3A_282 = tpu.memref_squeeze %dma_start3A_281 : memref<1x64xf32, #tpu.memory_space<hbm>> -> memref<64xf32, #tpu.memory_space<hbm>>
        %dma_start3A_283 = arith.constant 0 : i32
        %dma_start3A_284 = tpu.memref_slice %arg9[%add3A_273, %dma_start3A_276, %dma_start3A_283] : memref<256x1x64xf32, #tpu.memory_space<vmem>> -> memref<1x1x64xf32, #tpu.memory_space<vmem>>
        %dma_start3A_285 = tpu.memref_squeeze %dma_start3A_284 : memref<1x1x64xf32, #tpu.memory_space<vmem>> -> memref<64xf32, #tpu.memory_space<vmem>>
        %dma_start3A_286 = arith.constant 0 : i32
        %dma_start3A_287 = tpu.memref_slice %arg4[%squeeze3A_275, %dma_start3A_286] : memref<1000000x64xf32, #tpu.memory_space<hbm>> -> memref<1x64xf32, #tpu.memory_space<hbm>>
        %dma_start3A_288 = tpu.memref_squeeze %dma_start3A_287 : memref<1x64xf32, #tpu.memory_space<hbm>> -> memref<64xf32, #tpu.memory_space<hbm>>
        tpu.enqueue_dma source(%dma_start3A_288 : memref<64xf32, #tpu.memory_space<hbm>>) target(%dma_start3A_285 : memref<64xf32, #tpu.memory_space<vmem>>) target_semaphore(%arg12 : memref<!tpu.dma_semaphore, #tpu.memory_space<semaphore_mem>>)
        %slice3A_289 = vector.extract_strided_slice %get3A_34 {offsets = [7], sizes = [1], strides = [1]} : vector<16xi32> to vector<1xi32>
        %squeeze3A_290 = vector.extract %slice3A_289[0] : i32 from vector<1xi32>
        %dma_start3A_291 = arith.constant 0 : i32
        %dma_start3A_292 = arith.constant 0 : i32
        %dma_start3A_293 = tpu.memref_slice %arg10[%add3A_273, %dma_start3A_291, %dma_start3A_292] : memref<256x1x64xf32, #tpu.memory_space<vmem>> -> memref<1x1x64xf32, #tpu.memory_space<vmem>>
        %dma_start3A_294 = tpu.memref_squeeze %dma_start3A_293 : memref<1x1x64xf32, #tpu.memory_space<vmem>> -> memref<64xf32, #tpu.memory_space<vmem>>
        %dma_start3A_295 = arith.constant 0 : i32
        %dma_start3A_296 = tpu.memref_slice %arg5[%squeeze3A_290, %dma_start3A_295] : memref<1000000x64xf32, #tpu.memory_space<hbm>> -> memref<1x64xf32, #tpu.memory_space<hbm>>
        %dma_start3A_297 = tpu.memref_squeeze %dma_start3A_296 : memref<1x64xf32, #tpu.memory_space<hbm>> -> memref<64xf32, #tpu.memory_space<hbm>>
        %dma_start3A_298 = arith.constant 0 : i32
        %dma_start3A_299 = tpu.memref_slice %arg10[%add3A_273, %dma_start3A_291, %dma_start3A_298] : memref<256x1x64xf32, #tpu.memory_space<vmem>> -> memref<1x1x64xf32, #tpu.memory_space<vmem>>
        %dma_start3A_300 = tpu.memref_squeeze %dma_start3A_299 : memref<1x1x64xf32, #tpu.memory_space<vmem>> -> memref<64xf32, #tpu.memory_space<vmem>>
        %dma_start3A_301 = arith.constant 0 : i32
        %dma_start3A_302 = tpu.memref_slice %arg5[%squeeze3A_290, %dma_start3A_301] : memref<1000000x64xf32, #tpu.memory_space<hbm>> -> memref<1x64xf32, #tpu.memory_space<hbm>>
        %dma_start3A_303 = tpu.memref_squeeze %dma_start3A_302 : memref<1x64xf32, #tpu.memory_space<hbm>> -> memref<64xf32, #tpu.memory_space<hbm>>
        tpu.enqueue_dma source(%dma_start3A_303 : memref<64xf32, #tpu.memory_space<hbm>>) target(%dma_start3A_300 : memref<64xf32, #tpu.memory_space<vmem>>) target_semaphore(%arg12 : memref<!tpu.dma_semaphore, #tpu.memory_space<semaphore_mem>>)
        %mul3A_304 = arith.constant 16 : i32
        %mul3A_305 = arith.muli %scan3A_25, %mul3A_304 : i32
        %add3A_306 = arith.constant 8 : i32
        %add3A_307 = arith.addi %mul3A_305, %add3A_306 : i32
        %slice3A_308 = vector.extract_strided_slice %get3A_29 {offsets = [8], sizes = [1], strides = [1]} : vector<16xi32> to vector<1xi32>
        %squeeze3A_309 = vector.extract %slice3A_308[0] : i32 from vector<1xi32>
        %dma_start3A_310 = arith.constant 0 : i32
        %dma_start3A_311 = arith.constant 0 : i32
        %dma_start3A_312 = tpu.memref_slice %arg9[%add3A_307, %dma_start3A_310, %dma_start3A_311] : memref<256x1x64xf32, #tpu.memory_space<vmem>> -> memref<1x1x64xf32, #tpu.memory_space<vmem>>
        %dma_start3A_313 = tpu.memref_squeeze %dma_start3A_312 : memref<1x1x64xf32, #tpu.memory_space<vmem>> -> memref<64xf32, #tpu.memory_space<vmem>>
        %dma_start3A_314 = arith.constant 0 : i32
        %dma_start3A_315 = tpu.memref_slice %arg4[%squeeze3A_309, %dma_start3A_314] : memref<1000000x64xf32, #tpu.memory_space<hbm>> -> memref<1x64xf32, #tpu.memory_space<hbm>>
        %dma_start3A_316 = tpu.memref_squeeze %dma_start3A_315 : memref<1x64xf32, #tpu.memory_space<hbm>> -> memref<64xf32, #tpu.memory_space<hbm>>
        %dma_start3A_317 = arith.constant 0 : i32
        %dma_start3A_318 = tpu.memref_slice %arg9[%add3A_307, %dma_start3A_310, %dma_start3A_317] : memref<256x1x64xf32, #tpu.memory_space<vmem>> -> memref<1x1x64xf32, #tpu.memory_space<vmem>>
        %dma_start3A_319 = tpu.memref_squeeze %dma_start3A_318 : memref<1x1x64xf32, #tpu.memory_space<vmem>> -> memref<64xf32, #tpu.memory_space<vmem>>
        %dma_start3A_320 = arith.constant 0 : i32
        %dma_start3A_321 = tpu.memref_slice %arg4[%squeeze3A_309, %dma_start3A_320] : memref<1000000x64xf32, #tpu.memory_space<hbm>> -> memref<1x64xf32, #tpu.memory_space<hbm>>
        %dma_start3A_322 = tpu.memref_squeeze %dma_start3A_321 : memref<1x64xf32, #tpu.memory_space<hbm>> -> memref<64xf32, #tpu.memory_space<hbm>>
        tpu.enqueue_dma source(%dma_start3A_322 : memref<64xf32, #tpu.memory_space<hbm>>) target(%dma_start3A_319 : memref<64xf32, #tpu.memory_space<vmem>>) target_semaphore(%arg12 : memref<!tpu.dma_semaphore, #tpu.memory_space<semaphore_mem>>)
        %slice3A_323 = vector.extract_strided_slice %get3A_34 {offsets = [8], sizes = [1], strides = [1]} : vector<16xi32> to vector<1xi32>
        %squeeze3A_324 = vector.extract %slice3A_323[0] : i32 from vector<1xi32>
        %dma_start3A_325 = arith.constant 0 : i32
        %dma_start3A_326 = arith.constant 0 : i32
        %dma_start3A_327 = tpu.memref_slice %arg10[%add3A_307, %dma_start3A_325, %dma_start3A_326] : memref<256x1x64xf32, #tpu.memory_space<vmem>> -> memref<1x1x64xf32, #tpu.memory_space<vmem>>
        %dma_start3A_328 = tpu.memref_squeeze %dma_start3A_327 : memref<1x1x64xf32, #tpu.memory_space<vmem>> -> memref<64xf32, #tpu.memory_space<vmem>>
        %dma_start3A_329 = arith.constant 0 : i32
        %dma_start3A_330 = tpu.memref_slice %arg5[%squeeze3A_324, %dma_start3A_329] : memref<1000000x64xf32, #tpu.memory_space<hbm>> -> memref<1x64xf32, #tpu.memory_space<hbm>>
        %dma_start3A_331 = tpu.memref_squeeze %dma_start3A_330 : memref<1x64xf32, #tpu.memory_space<hbm>> -> memref<64xf32, #tpu.memory_space<hbm>>
        %dma_start3A_332 = arith.constant 0 : i32
        %dma_start3A_333 = tpu.memref_slice %arg10[%add3A_307, %dma_start3A_325, %dma_start3A_332] : memref<256x1x64xf32, #tpu.memory_space<vmem>> -> memref<1x1x64xf32, #tpu.memory_space<vmem>>
        %dma_start3A_334 = tpu.memref_squeeze %dma_start3A_333 : memref<1x1x64xf32, #tpu.memory_space<vmem>> -> memref<64xf32, #tpu.memory_space<vmem>>
        %dma_start3A_335 = arith.constant 0 : i32
        %dma_start3A_336 = tpu.memref_slice %arg5[%squeeze3A_324, %dma_start3A_335] : memref<1000000x64xf32, #tpu.memory_space<hbm>> -> memref<1x64xf32, #tpu.memory_space<hbm>>
        %dma_start3A_337 = tpu.memref_squeeze %dma_start3A_336 : memref<1x64xf32, #tpu.memory_space<hbm>> -> memref<64xf32, #tpu.memory_space<hbm>>
        tpu.enqueue_dma source(%dma_start3A_337 : memref<64xf32, #tpu.memory_space<hbm>>) target(%dma_start3A_334 : memref<64xf32, #tpu.memory_space<vmem>>) target_semaphore(%arg12 : memref<!tpu.dma_semaphore, #tpu.memory_space<semaphore_mem>>)
        %mul3A_338 = arith.constant 16 : i32
        %mul3A_339 = arith.muli %scan3A_25, %mul3A_338 : i32
        %add3A_340 = arith.constant 9 : i32
        %add3A_341 = arith.addi %mul3A_339, %add3A_340 : i32
        %slice3A_342 = vector.extract_strided_slice %get3A_29 {offsets = [9], sizes = [1], strides = [1]} : vector<16xi32> to vector<1xi32>
        %squeeze3A_343 = vector.extract %slice3A_342[0] : i32 from vector<1xi32>
        %dma_start3A_344 = arith.constant 0 : i32
        %dma_start3A_345 = arith.constant 0 : i32
        %dma_start3A_346 = tpu.memref_slice %arg9[%add3A_341, %dma_start3A_344, %dma_start3A_345] : memref<256x1x64xf32, #tpu.memory_space<vmem>> -> memref<1x1x64xf32, #tpu.memory_space<vmem>>
        %dma_start3A_347 = tpu.memref_squeeze %dma_start3A_346 : memref<1x1x64xf32, #tpu.memory_space<vmem>> -> memref<64xf32, #tpu.memory_space<vmem>>
        %dma_start3A_348 = arith.constant 0 : i32
        %dma_start3A_349 = tpu.memref_slice %arg4[%squeeze3A_343, %dma_start3A_348] : memref<1000000x64xf32, #tpu.memory_space<hbm>> -> memref<1x64xf32, #tpu.memory_space<hbm>>
        %dma_start3A_350 = tpu.memref_squeeze %dma_start3A_349 : memref<1x64xf32, #tpu.memory_space<hbm>> -> memref<64xf32, #tpu.memory_space<hbm>>
        %dma_start3A_351 = arith.constant 0 : i32
        %dma_start3A_352 = tpu.memref_slice %arg9[%add3A_341, %dma_start3A_344, %dma_start3A_351] : memref<256x1x64xf32, #tpu.memory_space<vmem>> -> memref<1x1x64xf32, #tpu.memory_space<vmem>>
        %dma_start3A_353 = tpu.memref_squeeze %dma_start3A_352 : memref<1x1x64xf32, #tpu.memory_space<vmem>> -> memref<64xf32, #tpu.memory_space<vmem>>
        %dma_start3A_354 = arith.constant 0 : i32
        %dma_start3A_355 = tpu.memref_slice %arg4[%squeeze3A_343, %dma_start3A_354] : memref<1000000x64xf32, #tpu.memory_space<hbm>> -> memref<1x64xf32, #tpu.memory_space<hbm>>
        %dma_start3A_356 = tpu.memref_squeeze %dma_start3A_355 : memref<1x64xf32, #tpu.memory_space<hbm>> -> memref<64xf32, #tpu.memory_space<hbm>>
        tpu.enqueue_dma source(%dma_start3A_356 : memref<64xf32, #tpu.memory_space<hbm>>) target(%dma_start3A_353 : memref<64xf32, #tpu.memory_space<vmem>>) target_semaphore(%arg12 : memref<!tpu.dma_semaphore, #tpu.memory_space<semaphore_mem>>)
        %slice3A_357 = vector.extract_strided_slice %get3A_34 {offsets = [9], sizes = [1], strides = [1]} : vector<16xi32> to vector<1xi32>
        %squeeze3A_358 = vector.extract %slice3A_357[0] : i32 from vector<1xi32>
        %dma_start3A_359 = arith.constant 0 : i32
        %dma_start3A_360 = arith.constant 0 : i32
        %dma_start3A_361 = tpu.memref_slice %arg10[%add3A_341, %dma_start3A_359, %dma_start3A_360] : memref<256x1x64xf32, #tpu.memory_space<vmem>> -> memref<1x1x64xf32, #tpu.memory_space<vmem>>
        %dma_start3A_362 = tpu.memref_squeeze %dma_start3A_361 : memref<1x1x64xf32, #tpu.memory_space<vmem>> -> memref<64xf32, #tpu.memory_space<vmem>>
        %dma_start3A_363 = arith.constant 0 : i32
        %dma_start3A_364 = tpu.memref_slice %arg5[%squeeze3A_358, %dma_start3A_363] : memref<1000000x64xf32, #tpu.memory_space<hbm>> -> memref<1x64xf32, #tpu.memory_space<hbm>>
        %dma_start3A_365 = tpu.memref_squeeze %dma_start3A_364 : memref<1x64xf32, #tpu.memory_space<hbm>> -> memref<64xf32, #tpu.memory_space<hbm>>
        %dma_start3A_366 = arith.constant 0 : i32
        %dma_start3A_367 = tpu.memref_slice %arg10[%add3A_341, %dma_start3A_359, %dma_start3A_366] : memref<256x1x64xf32, #tpu.memory_space<vmem>> -> memref<1x1x64xf32, #tpu.memory_space<vmem>>
        %dma_start3A_368 = tpu.memref_squeeze %dma_start3A_367 : memref<1x1x64xf32, #tpu.memory_space<vmem>> -> memref<64xf32, #tpu.memory_space<vmem>>
        %dma_start3A_369 = arith.constant 0 : i32
        %dma_start3A_370 = tpu.memref_slice %arg5[%squeeze3A_358, %dma_start3A_369] : memref<1000000x64xf32, #tpu.memory_space<hbm>> -> memref<1x64xf32, #tpu.memory_space<hbm>>
        %dma_start3A_371 = tpu.memref_squeeze %dma_start3A_370 : memref<1x64xf32, #tpu.memory_space<hbm>> -> memref<64xf32, #tpu.memory_space<hbm>>
        tpu.enqueue_dma source(%dma_start3A_371 : memref<64xf32, #tpu.memory_space<hbm>>) target(%dma_start3A_368 : memref<64xf32, #tpu.memory_space<vmem>>) target_semaphore(%arg12 : memref<!tpu.dma_semaphore, #tpu.memory_space<semaphore_mem>>)
        %mul3A_372 = arith.constant 16 : i32
        %mul3A_373 = arith.muli %scan3A_25, %mul3A_372 : i32
        %add3A_374 = arith.constant 10 : i32
        %add3A_375 = arith.addi %mul3A_373, %add3A_374 : i32
        %slice3A_376 = vector.extract_strided_slice %get3A_29 {offsets = [10], sizes = [1], strides = [1]} : vector<16xi32> to vector<1xi32>
        %squeeze3A_377 = vector.extract %slice3A_376[0] : i32 from vector<1xi32>
        %dma_start3A_378 = arith.constant 0 : i32
        %dma_start3A_379 = arith.constant 0 : i32
        %dma_start3A_380 = tpu.memref_slice %arg9[%add3A_375, %dma_start3A_378, %dma_start3A_379] : memref<256x1x64xf32, #tpu.memory_space<vmem>> -> memref<1x1x64xf32, #tpu.memory_space<vmem>>
        %dma_start3A_381 = tpu.memref_squeeze %dma_start3A_380 : memref<1x1x64xf32, #tpu.memory_space<vmem>> -> memref<64xf32, #tpu.memory_space<vmem>>
        %dma_start3A_382 = arith.constant 0 : i32
        %dma_start3A_383 = tpu.memref_slice %arg4[%squeeze3A_377, %dma_start3A_382] : memref<1000000x64xf32, #tpu.memory_space<hbm>> -> memref<1x64xf32, #tpu.memory_space<hbm>>
        %dma_start3A_384 = tpu.memref_squeeze %dma_start3A_383 : memref<1x64xf32, #tpu.memory_space<hbm>> -> memref<64xf32, #tpu.memory_space<hbm>>
        %dma_start3A_385 = arith.constant 0 : i32
        %dma_start3A_386 = tpu.memref_slice %arg9[%add3A_375, %dma_start3A_378, %dma_start3A_385] : memref<256x1x64xf32, #tpu.memory_space<vmem>> -> memref<1x1x64xf32, #tpu.memory_space<vmem>>
        %dma_start3A_387 = tpu.memref_squeeze %dma_start3A_386 : memref<1x1x64xf32, #tpu.memory_space<vmem>> -> memref<64xf32, #tpu.memory_space<vmem>>
        %dma_start3A_388 = arith.constant 0 : i32
        %dma_start3A_389 = tpu.memref_slice %arg4[%squeeze3A_377, %dma_start3A_388] : memref<1000000x64xf32, #tpu.memory_space<hbm>> -> memref<1x64xf32, #tpu.memory_space<hbm>>
        %dma_start3A_390 = tpu.memref_squeeze %dma_start3A_389 : memref<1x64xf32, #tpu.memory_space<hbm>> -> memref<64xf32, #tpu.memory_space<hbm>>
        tpu.enqueue_dma source(%dma_start3A_390 : memref<64xf32, #tpu.memory_space<hbm>>) target(%dma_start3A_387 : memref<64xf32, #tpu.memory_space<vmem>>) target_semaphore(%arg12 : memref<!tpu.dma_semaphore, #tpu.memory_space<semaphore_mem>>)
        %slice3A_391 = vector.extract_strided_slice %get3A_34 {offsets = [10], sizes = [1], strides = [1]} : vector<16xi32> to vector<1xi32>
        %squeeze3A_392 = vector.extract %slice3A_391[0] : i32 from vector<1xi32>
        %dma_start3A_393 = arith.constant 0 : i32
        %dma_start3A_394 = arith.constant 0 : i32
        %dma_start3A_395 = tpu.memref_slice %arg10[%add3A_375, %dma_start3A_393, %dma_start3A_394] : memref<256x1x64xf32, #tpu.memory_space<vmem>> -> memref<1x1x64xf32, #tpu.memory_space<vmem>>
        %dma_start3A_396 = tpu.memref_squeeze %dma_start3A_395 : memref<1x1x64xf32, #tpu.memory_space<vmem>> -> memref<64xf32, #tpu.memory_space<vmem>>
        %dma_start3A_397 = arith.constant 0 : i32
        %dma_start3A_398 = tpu.memref_slice %arg5[%squeeze3A_392, %dma_start3A_397] : memref<1000000x64xf32, #tpu.memory_space<hbm>> -> memref<1x64xf32, #tpu.memory_space<hbm>>
        %dma_start3A_399 = tpu.memref_squeeze %dma_start3A_398 : memref<1x64xf32, #tpu.memory_space<hbm>> -> memref<64xf32, #tpu.memory_space<hbm>>
        %dma_start3A_400 = arith.constant 0 : i32
        %dma_start3A_401 = tpu.memref_slice %arg10[%add3A_375, %dma_start3A_393, %dma_start3A_400] : memref<256x1x64xf32, #tpu.memory_space<vmem>> -> memref<1x1x64xf32, #tpu.memory_space<vmem>>
        %dma_start3A_402 = tpu.memref_squeeze %dma_start3A_401 : memref<1x1x64xf32, #tpu.memory_space<vmem>> -> memref<64xf32, #tpu.memory_space<vmem>>
        %dma_start3A_403 = arith.constant 0 : i32
        %dma_start3A_404 = tpu.memref_slice %arg5[%squeeze3A_392, %dma_start3A_403] : memref<1000000x64xf32, #tpu.memory_space<hbm>> -> memref<1x64xf32, #tpu.memory_space<hbm>>
        %dma_start3A_405 = tpu.memref_squeeze %dma_start3A_404 : memref<1x64xf32, #tpu.memory_space<hbm>> -> memref<64xf32, #tpu.memory_space<hbm>>
        tpu.enqueue_dma source(%dma_start3A_405 : memref<64xf32, #tpu.memory_space<hbm>>) target(%dma_start3A_402 : memref<64xf32, #tpu.memory_space<vmem>>) target_semaphore(%arg12 : memref<!tpu.dma_semaphore, #tpu.memory_space<semaphore_mem>>)
        %mul3A_406 = arith.constant 16 : i32
        %mul3A_407 = arith.muli %scan3A_25, %mul3A_406 : i32
        %add3A_408 = arith.constant 11 : i32
        %add3A_409 = arith.addi %mul3A_407, %add3A_408 : i32
        %slice3A_410 = vector.extract_strided_slice %get3A_29 {offsets = [11], sizes = [1], strides = [1]} : vector<16xi32> to vector<1xi32>
        %squeeze3A_411 = vector.extract %slice3A_410[0] : i32 from vector<1xi32>
        %dma_start3A_412 = arith.constant 0 : i32
        %dma_start3A_413 = arith.constant 0 : i32
        %dma_start3A_414 = tpu.memref_slice %arg9[%add3A_409, %dma_start3A_412, %dma_start3A_413] : memref<256x1x64xf32, #tpu.memory_space<vmem>> -> memref<1x1x64xf32, #tpu.memory_space<vmem>>
        %dma_start3A_415 = tpu.memref_squeeze %dma_start3A_414 : memref<1x1x64xf32, #tpu.memory_space<vmem>> -> memref<64xf32, #tpu.memory_space<vmem>>
        %dma_start3A_416 = arith.constant 0 : i32
        %dma_start3A_417 = tpu.memref_slice %arg4[%squeeze3A_411, %dma_start3A_416] : memref<1000000x64xf32, #tpu.memory_space<hbm>> -> memref<1x64xf32, #tpu.memory_space<hbm>>
        %dma_start3A_418 = tpu.memref_squeeze %dma_start3A_417 : memref<1x64xf32, #tpu.memory_space<hbm>> -> memref<64xf32, #tpu.memory_space<hbm>>
        %dma_start3A_419 = arith.constant 0 : i32
        %dma_start3A_420 = tpu.memref_slice %arg9[%add3A_409, %dma_start3A_412, %dma_start3A_419] : memref<256x1x64xf32, #tpu.memory_space<vmem>> -> memref<1x1x64xf32, #tpu.memory_space<vmem>>
        %dma_start3A_421 = tpu.memref_squeeze %dma_start3A_420 : memref<1x1x64xf32, #tpu.memory_space<vmem>> -> memref<64xf32, #tpu.memory_space<vmem>>
        %dma_start3A_422 = arith.constant 0 : i32
        %dma_start3A_423 = tpu.memref_slice %arg4[%squeeze3A_411, %dma_start3A_422] : memref<1000000x64xf32, #tpu.memory_space<hbm>> -> memref<1x64xf32, #tpu.memory_space<hbm>>
        %dma_start3A_424 = tpu.memref_squeeze %dma_start3A_423 : memref<1x64xf32, #tpu.memory_space<hbm>> -> memref<64xf32, #tpu.memory_space<hbm>>
        tpu.enqueue_dma source(%dma_start3A_424 : memref<64xf32, #tpu.memory_space<hbm>>) target(%dma_start3A_421 : memref<64xf32, #tpu.memory_space<vmem>>) target_semaphore(%arg12 : memref<!tpu.dma_semaphore, #tpu.memory_space<semaphore_mem>>)
        %slice3A_425 = vector.extract_strided_slice %get3A_34 {offsets = [11], sizes = [1], strides = [1]} : vector<16xi32> to vector<1xi32>
        %squeeze3A_426 = vector.extract %slice3A_425[0] : i32 from vector<1xi32>
        %dma_start3A_427 = arith.constant 0 : i32
        %dma_start3A_428 = arith.constant 0 : i32
        %dma_start3A_429 = tpu.memref_slice %arg10[%add3A_409, %dma_start3A_427, %dma_start3A_428] : memref<256x1x64xf32, #tpu.memory_space<vmem>> -> memref<1x1x64xf32, #tpu.memory_space<vmem>>
        %dma_start3A_430 = tpu.memref_squeeze %dma_start3A_429 : memref<1x1x64xf32, #tpu.memory_space<vmem>> -> memref<64xf32, #tpu.memory_space<vmem>>
        %dma_start3A_431 = arith.constant 0 : i32
        %dma_start3A_432 = tpu.memref_slice %arg5[%squeeze3A_426, %dma_start3A_431] : memref<1000000x64xf32, #tpu.memory_space<hbm>> -> memref<1x64xf32, #tpu.memory_space<hbm>>
        %dma_start3A_433 = tpu.memref_squeeze %dma_start3A_432 : memref<1x64xf32, #tpu.memory_space<hbm>> -> memref<64xf32, #tpu.memory_space<hbm>>
        %dma_start3A_434 = arith.constant 0 : i32
        %dma_start3A_435 = tpu.memref_slice %arg10[%add3A_409, %dma_start3A_427, %dma_start3A_434] : memref<256x1x64xf32, #tpu.memory_space<vmem>> -> memref<1x1x64xf32, #tpu.memory_space<vmem>>
        %dma_start3A_436 = tpu.memref_squeeze %dma_start3A_435 : memref<1x1x64xf32, #tpu.memory_space<vmem>> -> memref<64xf32, #tpu.memory_space<vmem>>
        %dma_start3A_437 = arith.constant 0 : i32
        %dma_start3A_438 = tpu.memref_slice %arg5[%squeeze3A_426, %dma_start3A_437] : memref<1000000x64xf32, #tpu.memory_space<hbm>> -> memref<1x64xf32, #tpu.memory_space<hbm>>
        %dma_start3A_439 = tpu.memref_squeeze %dma_start3A_438 : memref<1x64xf32, #tpu.memory_space<hbm>> -> memref<64xf32, #tpu.memory_space<hbm>>
        tpu.enqueue_dma source(%dma_start3A_439 : memref<64xf32, #tpu.memory_space<hbm>>) target(%dma_start3A_436 : memref<64xf32, #tpu.memory_space<vmem>>) target_semaphore(%arg12 : memref<!tpu.dma_semaphore, #tpu.memory_space<semaphore_mem>>)
        %mul3A_440 = arith.constant 16 : i32
        %mul3A_441 = arith.muli %scan3A_25, %mul3A_440 : i32
        %add3A_442 = arith.constant 12 : i32
        %add3A_443 = arith.addi %mul3A_441, %add3A_442 : i32
        %slice3A_444 = vector.extract_strided_slice %get3A_29 {offsets = [12], sizes = [1], strides = [1]} : vector<16xi32> to vector<1xi32>
        %squeeze3A_445 = vector.extract %slice3A_444[0] : i32 from vector<1xi32>
        %dma_start3A_446 = arith.constant 0 : i32
        %dma_start3A_447 = arith.constant 0 : i32
        %dma_start3A_448 = tpu.memref_slice %arg9[%add3A_443, %dma_start3A_446, %dma_start3A_447] : memref<256x1x64xf32, #tpu.memory_space<vmem>> -> memref<1x1x64xf32, #tpu.memory_space<vmem>>
        %dma_start3A_449 = tpu.memref_squeeze %dma_start3A_448 : memref<1x1x64xf32, #tpu.memory_space<vmem>> -> memref<64xf32, #tpu.memory_space<vmem>>
        %dma_start3A_450 = arith.constant 0 : i32
        %dma_start3A_451 = tpu.memref_slice %arg4[%squeeze3A_445, %dma_start3A_450] : memref<1000000x64xf32, #tpu.memory_space<hbm>> -> memref<1x64xf32, #tpu.memory_space<hbm>>
        %dma_start3A_452 = tpu.memref_squeeze %dma_start3A_451 : memref<1x64xf32, #tpu.memory_space<hbm>> -> memref<64xf32, #tpu.memory_space<hbm>>
        %dma_start3A_453 = arith.constant 0 : i32
        %dma_start3A_454 = tpu.memref_slice %arg9[%add3A_443, %dma_start3A_446, %dma_start3A_453] : memref<256x1x64xf32, #tpu.memory_space<vmem>> -> memref<1x1x64xf32, #tpu.memory_space<vmem>>
        %dma_start3A_455 = tpu.memref_squeeze %dma_start3A_454 : memref<1x1x64xf32, #tpu.memory_space<vmem>> -> memref<64xf32, #tpu.memory_space<vmem>>
        %dma_start3A_456 = arith.constant 0 : i32
        %dma_start3A_457 = tpu.memref_slice %arg4[%squeeze3A_445, %dma_start3A_456] : memref<1000000x64xf32, #tpu.memory_space<hbm>> -> memref<1x64xf32, #tpu.memory_space<hbm>>
        %dma_start3A_458 = tpu.memref_squeeze %dma_start3A_457 : memref<1x64xf32, #tpu.memory_space<hbm>> -> memref<64xf32, #tpu.memory_space<hbm>>
        tpu.enqueue_dma source(%dma_start3A_458 : memref<64xf32, #tpu.memory_space<hbm>>) target(%dma_start3A_455 : memref<64xf32, #tpu.memory_space<vmem>>) target_semaphore(%arg12 : memref<!tpu.dma_semaphore, #tpu.memory_space<semaphore_mem>>)
        %slice3A_459 = vector.extract_strided_slice %get3A_34 {offsets = [12], sizes = [1], strides = [1]} : vector<16xi32> to vector<1xi32>
        %squeeze3A_460 = vector.extract %slice3A_459[0] : i32 from vector<1xi32>
        %dma_start3A_461 = arith.constant 0 : i32
        %dma_start3A_462 = arith.constant 0 : i32
        %dma_start3A_463 = tpu.memref_slice %arg10[%add3A_443, %dma_start3A_461, %dma_start3A_462] : memref<256x1x64xf32, #tpu.memory_space<vmem>> -> memref<1x1x64xf32, #tpu.memory_space<vmem>>
        %dma_start3A_464 = tpu.memref_squeeze %dma_start3A_463 : memref<1x1x64xf32, #tpu.memory_space<vmem>> -> memref<64xf32, #tpu.memory_space<vmem>>
        %dma_start3A_465 = arith.constant 0 : i32
        %dma_start3A_466 = tpu.memref_slice %arg5[%squeeze3A_460, %dma_start3A_465] : memref<1000000x64xf32, #tpu.memory_space<hbm>> -> memref<1x64xf32, #tpu.memory_space<hbm>>
        %dma_start3A_467 = tpu.memref_squeeze %dma_start3A_466 : memref<1x64xf32, #tpu.memory_space<hbm>> -> memref<64xf32, #tpu.memory_space<hbm>>
        %dma_start3A_468 = arith.constant 0 : i32
        %dma_start3A_469 = tpu.memref_slice %arg10[%add3A_443, %dma_start3A_461, %dma_start3A_468] : memref<256x1x64xf32, #tpu.memory_space<vmem>> -> memref<1x1x64xf32, #tpu.memory_space<vmem>>
        %dma_start3A_470 = tpu.memref_squeeze %dma_start3A_469 : memref<1x1x64xf32, #tpu.memory_space<vmem>> -> memref<64xf32, #tpu.memory_space<vmem>>
        %dma_start3A_471 = arith.constant 0 : i32
        %dma_start3A_472 = tpu.memref_slice %arg5[%squeeze3A_460, %dma_start3A_471] : memref<1000000x64xf32, #tpu.memory_space<hbm>> -> memref<1x64xf32, #tpu.memory_space<hbm>>
        %dma_start3A_473 = tpu.memref_squeeze %dma_start3A_472 : memref<1x64xf32, #tpu.memory_space<hbm>> -> memref<64xf32, #tpu.memory_space<hbm>>
        tpu.enqueue_dma source(%dma_start3A_473 : memref<64xf32, #tpu.memory_space<hbm>>) target(%dma_start3A_470 : memref<64xf32, #tpu.memory_space<vmem>>) target_semaphore(%arg12 : memref<!tpu.dma_semaphore, #tpu.memory_space<semaphore_mem>>)
        %mul3A_474 = arith.constant 16 : i32
        %mul3A_475 = arith.muli %scan3A_25, %mul3A_474 : i32
        %add3A_476 = arith.constant 13 : i32
        %add3A_477 = arith.addi %mul3A_475, %add3A_476 : i32
        %slice3A_478 = vector.extract_strided_slice %get3A_29 {offsets = [13], sizes = [1], strides = [1]} : vector<16xi32> to vector<1xi32>
        %squeeze3A_479 = vector.extract %slice3A_478[0] : i32 from vector<1xi32>
        %dma_start3A_480 = arith.constant 0 : i32
        %dma_start3A_481 = arith.constant 0 : i32
        %dma_start3A_482 = tpu.memref_slice %arg9[%add3A_477, %dma_start3A_480, %dma_start3A_481] : memref<256x1x64xf32, #tpu.memory_space<vmem>> -> memref<1x1x64xf32, #tpu.memory_space<vmem>>
        %dma_start3A_483 = tpu.memref_squeeze %dma_start3A_482 : memref<1x1x64xf32, #tpu.memory_space<vmem>> -> memref<64xf32, #tpu.memory_space<vmem>>
        %dma_start3A_484 = arith.constant 0 : i32
        %dma_start3A_485 = tpu.memref_slice %arg4[%squeeze3A_479, %dma_start3A_484] : memref<1000000x64xf32, #tpu.memory_space<hbm>> -> memref<1x64xf32, #tpu.memory_space<hbm>>
        %dma_start3A_486 = tpu.memref_squeeze %dma_start3A_485 : memref<1x64xf32, #tpu.memory_space<hbm>> -> memref<64xf32, #tpu.memory_space<hbm>>
        %dma_start3A_487 = arith.constant 0 : i32
        %dma_start3A_488 = tpu.memref_slice %arg9[%add3A_477, %dma_start3A_480, %dma_start3A_487] : memref<256x1x64xf32, #tpu.memory_space<vmem>> -> memref<1x1x64xf32, #tpu.memory_space<vmem>>
        %dma_start3A_489 = tpu.memref_squeeze %dma_start3A_488 : memref<1x1x64xf32, #tpu.memory_space<vmem>> -> memref<64xf32, #tpu.memory_space<vmem>>
        %dma_start3A_490 = arith.constant 0 : i32
        %dma_start3A_491 = tpu.memref_slice %arg4[%squeeze3A_479, %dma_start3A_490] : memref<1000000x64xf32, #tpu.memory_space<hbm>> -> memref<1x64xf32, #tpu.memory_space<hbm>>
        %dma_start3A_492 = tpu.memref_squeeze %dma_start3A_491 : memref<1x64xf32, #tpu.memory_space<hbm>> -> memref<64xf32, #tpu.memory_space<hbm>>
        tpu.enqueue_dma source(%dma_start3A_492 : memref<64xf32, #tpu.memory_space<hbm>>) target(%dma_start3A_489 : memref<64xf32, #tpu.memory_space<vmem>>) target_semaphore(%arg12 : memref<!tpu.dma_semaphore, #tpu.memory_space<semaphore_mem>>)
        %slice3A_493 = vector.extract_strided_slice %get3A_34 {offsets = [13], sizes = [1], strides = [1]} : vector<16xi32> to vector<1xi32>
        %squeeze3A_494 = vector.extract %slice3A_493[0] : i32 from vector<1xi32>
        %dma_start3A_495 = arith.constant 0 : i32
        %dma_start3A_496 = arith.constant 0 : i32
        %dma_start3A_497 = tpu.memref_slice %arg10[%add3A_477, %dma_start3A_495, %dma_start3A_496] : memref<256x1x64xf32, #tpu.memory_space<vmem>> -> memref<1x1x64xf32, #tpu.memory_space<vmem>>
        %dma_start3A_498 = tpu.memref_squeeze %dma_start3A_497 : memref<1x1x64xf32, #tpu.memory_space<vmem>> -> memref<64xf32, #tpu.memory_space<vmem>>
        %dma_start3A_499 = arith.constant 0 : i32
        %dma_start3A_500 = tpu.memref_slice %arg5[%squeeze3A_494, %dma_start3A_499] : memref<1000000x64xf32, #tpu.memory_space<hbm>> -> memref<1x64xf32, #tpu.memory_space<hbm>>
        %dma_start3A_501 = tpu.memref_squeeze %dma_start3A_500 : memref<1x64xf32, #tpu.memory_space<hbm>> -> memref<64xf32, #tpu.memory_space<hbm>>
        %dma_start3A_502 = arith.constant 0 : i32
        %dma_start3A_503 = tpu.memref_slice %arg10[%add3A_477, %dma_start3A_495, %dma_start3A_502] : memref<256x1x64xf32, #tpu.memory_space<vmem>> -> memref<1x1x64xf32, #tpu.memory_space<vmem>>
        %dma_start3A_504 = tpu.memref_squeeze %dma_start3A_503 : memref<1x1x64xf32, #tpu.memory_space<vmem>> -> memref<64xf32, #tpu.memory_space<vmem>>
        %dma_start3A_505 = arith.constant 0 : i32
        %dma_start3A_506 = tpu.memref_slice %arg5[%squeeze3A_494, %dma_start3A_505] : memref<1000000x64xf32, #tpu.memory_space<hbm>> -> memref<1x64xf32, #tpu.memory_space<hbm>>
        %dma_start3A_507 = tpu.memref_squeeze %dma_start3A_506 : memref<1x64xf32, #tpu.memory_space<hbm>> -> memref<64xf32, #tpu.memory_space<hbm>>
        tpu.enqueue_dma source(%dma_start3A_507 : memref<64xf32, #tpu.memory_space<hbm>>) target(%dma_start3A_504 : memref<64xf32, #tpu.memory_space<vmem>>) target_semaphore(%arg12 : memref<!tpu.dma_semaphore, #tpu.memory_space<semaphore_mem>>)
        %mul3A_508 = arith.constant 16 : i32
        %mul3A_509 = arith.muli %scan3A_25, %mul3A_508 : i32
        %add3A_510 = arith.constant 14 : i32
        %add3A_511 = arith.addi %mul3A_509, %add3A_510 : i32
        %slice3A_512 = vector.extract_strided_slice %get3A_29 {offsets = [14], sizes = [1], strides = [1]} : vector<16xi32> to vector<1xi32>
        %squeeze3A_513 = vector.extract %slice3A_512[0] : i32 from vector<1xi32>
        %dma_start3A_514 = arith.constant 0 : i32
        %dma_start3A_515 = arith.constant 0 : i32
        %dma_start3A_516 = tpu.memref_slice %arg9[%add3A_511, %dma_start3A_514, %dma_start3A_515] : memref<256x1x64xf32, #tpu.memory_space<vmem>> -> memref<1x1x64xf32, #tpu.memory_space<vmem>>
        %dma_start3A_517 = tpu.memref_squeeze %dma_start3A_516 : memref<1x1x64xf32, #tpu.memory_space<vmem>> -> memref<64xf32, #tpu.memory_space<vmem>>
        %dma_start3A_518 = arith.constant 0 : i32
        %dma_start3A_519 = tpu.memref_slice %arg4[%squeeze3A_513, %dma_start3A_518] : memref<1000000x64xf32, #tpu.memory_space<hbm>> -> memref<1x64xf32, #tpu.memory_space<hbm>>
        %dma_start3A_520 = tpu.memref_squeeze %dma_start3A_519 : memref<1x64xf32, #tpu.memory_space<hbm>> -> memref<64xf32, #tpu.memory_space<hbm>>
        %dma_start3A_521 = arith.constant 0 : i32
        %dma_start3A_522 = tpu.memref_slice %arg9[%add3A_511, %dma_start3A_514, %dma_start3A_521] : memref<256x1x64xf32, #tpu.memory_space<vmem>> -> memref<1x1x64xf32, #tpu.memory_space<vmem>>
        %dma_start3A_523 = tpu.memref_squeeze %dma_start3A_522 : memref<1x1x64xf32, #tpu.memory_space<vmem>> -> memref<64xf32, #tpu.memory_space<vmem>>
        %dma_start3A_524 = arith.constant 0 : i32
        %dma_start3A_525 = tpu.memref_slice %arg4[%squeeze3A_513, %dma_start3A_524] : memref<1000000x64xf32, #tpu.memory_space<hbm>> -> memref<1x64xf32, #tpu.memory_space<hbm>>
        %dma_start3A_526 = tpu.memref_squeeze %dma_start3A_525 : memref<1x64xf32, #tpu.memory_space<hbm>> -> memref<64xf32, #tpu.memory_space<hbm>>
        tpu.enqueue_dma source(%dma_start3A_526 : memref<64xf32, #tpu.memory_space<hbm>>) target(%dma_start3A_523 : memref<64xf32, #tpu.memory_space<vmem>>) target_semaphore(%arg12 : memref<!tpu.dma_semaphore, #tpu.memory_space<semaphore_mem>>)
        %slice3A_527 = vector.extract_strided_slice %get3A_34 {offsets = [14], sizes = [1], strides = [1]} : vector<16xi32> to vector<1xi32>
        %squeeze3A_528 = vector.extract %slice3A_527[0] : i32 from vector<1xi32>
        %dma_start3A_529 = arith.constant 0 : i32
        %dma_start3A_530 = arith.constant 0 : i32
        %dma_start3A_531 = tpu.memref_slice %arg10[%add3A_511, %dma_start3A_529, %dma_start3A_530] : memref<256x1x64xf32, #tpu.memory_space<vmem>> -> memref<1x1x64xf32, #tpu.memory_space<vmem>>
        %dma_start3A_532 = tpu.memref_squeeze %dma_start3A_531 : memref<1x1x64xf32, #tpu.memory_space<vmem>> -> memref<64xf32, #tpu.memory_space<vmem>>
        %dma_start3A_533 = arith.constant 0 : i32
        %dma_start3A_534 = tpu.memref_slice %arg5[%squeeze3A_528, %dma_start3A_533] : memref<1000000x64xf32, #tpu.memory_space<hbm>> -> memref<1x64xf32, #tpu.memory_space<hbm>>
        %dma_start3A_535 = tpu.memref_squeeze %dma_start3A_534 : memref<1x64xf32, #tpu.memory_space<hbm>> -> memref<64xf32, #tpu.memory_space<hbm>>
        %dma_start3A_536 = arith.constant 0 : i32
        %dma_start3A_537 = tpu.memref_slice %arg10[%add3A_511, %dma_start3A_529, %dma_start3A_536] : memref<256x1x64xf32, #tpu.memory_space<vmem>> -> memref<1x1x64xf32, #tpu.memory_space<vmem>>
        %dma_start3A_538 = tpu.memref_squeeze %dma_start3A_537 : memref<1x1x64xf32, #tpu.memory_space<vmem>> -> memref<64xf32, #tpu.memory_space<vmem>>
        %dma_start3A_539 = arith.constant 0 : i32
        %dma_start3A_540 = tpu.memref_slice %arg5[%squeeze3A_528, %dma_start3A_539] : memref<1000000x64xf32, #tpu.memory_space<hbm>> -> memref<1x64xf32, #tpu.memory_space<hbm>>
        %dma_start3A_541 = tpu.memref_squeeze %dma_start3A_540 : memref<1x64xf32, #tpu.memory_space<hbm>> -> memref<64xf32, #tpu.memory_space<hbm>>
        tpu.enqueue_dma source(%dma_start3A_541 : memref<64xf32, #tpu.memory_space<hbm>>) target(%dma_start3A_538 : memref<64xf32, #tpu.memory_space<vmem>>) target_semaphore(%arg12 : memref<!tpu.dma_semaphore, #tpu.memory_space<semaphore_mem>>)
        %mul3A_542 = arith.constant 16 : i32
        %mul3A_543 = arith.muli %scan3A_25, %mul3A_542 : i32
        %add3A_544 = arith.constant 15 : i32
        %add3A_545 = arith.addi %mul3A_543, %add3A_544 : i32
        %slice3A_546 = vector.extract_strided_slice %get3A_29 {offsets = [15], sizes = [1], strides = [1]} : vector<16xi32> to vector<1xi32>
        %squeeze3A_547 = vector.extract %slice3A_546[0] : i32 from vector<1xi32>
        %dma_start3A_548 = arith.constant 0 : i32
        %dma_start3A_549 = arith.constant 0 : i32
        %dma_start3A_550 = tpu.memref_slice %arg9[%add3A_545, %dma_start3A_548, %dma_start3A_549] : memref<256x1x64xf32, #tpu.memory_space<vmem>> -> memref<1x1x64xf32, #tpu.memory_space<vmem>>
        %dma_start3A_551 = tpu.memref_squeeze %dma_start3A_550 : memref<1x1x64xf32, #tpu.memory_space<vmem>> -> memref<64xf32, #tpu.memory_space<vmem>>
        %dma_start3A_552 = arith.constant 0 : i32
        %dma_start3A_553 = tpu.memref_slice %arg4[%squeeze3A_547, %dma_start3A_552] : memref<1000000x64xf32, #tpu.memory_space<hbm>> -> memref<1x64xf32, #tpu.memory_space<hbm>>
        %dma_start3A_554 = tpu.memref_squeeze %dma_start3A_553 : memref<1x64xf32, #tpu.memory_space<hbm>> -> memref<64xf32, #tpu.memory_space<hbm>>
        %dma_start3A_555 = arith.constant 0 : i32
        %dma_start3A_556 = tpu.memref_slice %arg9[%add3A_545, %dma_start3A_548, %dma_start3A_555] : memref<256x1x64xf32, #tpu.memory_space<vmem>> -> memref<1x1x64xf32, #tpu.memory_space<vmem>>
        %dma_start3A_557 = tpu.memref_squeeze %dma_start3A_556 : memref<1x1x64xf32, #tpu.memory_space<vmem>> -> memref<64xf32, #tpu.memory_space<vmem>>
        %dma_start3A_558 = arith.constant 0 : i32
        %dma_start3A_559 = tpu.memref_slice %arg4[%squeeze3A_547, %dma_start3A_558] : memref<1000000x64xf32, #tpu.memory_space<hbm>> -> memref<1x64xf32, #tpu.memory_space<hbm>>
        %dma_start3A_560 = tpu.memref_squeeze %dma_start3A_559 : memref<1x64xf32, #tpu.memory_space<hbm>> -> memref<64xf32, #tpu.memory_space<hbm>>
        tpu.enqueue_dma source(%dma_start3A_560 : memref<64xf32, #tpu.memory_space<hbm>>) target(%dma_start3A_557 : memref<64xf32, #tpu.memory_space<vmem>>) target_semaphore(%arg12 : memref<!tpu.dma_semaphore, #tpu.memory_space<semaphore_mem>>)
        %slice3A_561 = vector.extract_strided_slice %get3A_34 {offsets = [15], sizes = [1], strides = [1]} : vector<16xi32> to vector<1xi32>
        %squeeze3A_562 = vector.extract %slice3A_561[0] : i32 from vector<1xi32>
        %dma_start3A_563 = arith.constant 0 : i32
        %dma_start3A_564 = arith.constant 0 : i32
        %dma_start3A_565 = tpu.memref_slice %arg10[%add3A_545, %dma_start3A_563, %dma_start3A_564] : memref<256x1x64xf32, #tpu.memory_space<vmem>> -> memref<1x1x64xf32, #tpu.memory_space<vmem>>
        %dma_start3A_566 = tpu.memref_squeeze %dma_start3A_565 : memref<1x1x64xf32, #tpu.memory_space<vmem>> -> memref<64xf32, #tpu.memory_space<vmem>>
        %dma_start3A_567 = arith.constant 0 : i32
        %dma_start3A_568 = tpu.memref_slice %arg5[%squeeze3A_562, %dma_start3A_567] : memref<1000000x64xf32, #tpu.memory_space<hbm>> -> memref<1x64xf32, #tpu.memory_space<hbm>>
        %dma_start3A_569 = tpu.memref_squeeze %dma_start3A_568 : memref<1x64xf32, #tpu.memory_space<hbm>> -> memref<64xf32, #tpu.memory_space<hbm>>
        %dma_start3A_570 = arith.constant 0 : i32
        %dma_start3A_571 = tpu.memref_slice %arg10[%add3A_545, %dma_start3A_563, %dma_start3A_570] : memref<256x1x64xf32, #tpu.memory_space<vmem>> -> memref<1x1x64xf32, #tpu.memory_space<vmem>>
        %dma_start3A_572 = tpu.memref_squeeze %dma_start3A_571 : memref<1x1x64xf32, #tpu.memory_space<vmem>> -> memref<64xf32, #tpu.memory_space<vmem>>
        %dma_start3A_573 = arith.constant 0 : i32
        %dma_start3A_574 = tpu.memref_slice %arg5[%squeeze3A_562, %dma_start3A_573] : memref<1000000x64xf32, #tpu.memory_space<hbm>> -> memref<1x64xf32, #tpu.memory_space<hbm>>
        %dma_start3A_575 = tpu.memref_squeeze %dma_start3A_574 : memref<1x64xf32, #tpu.memory_space<hbm>> -> memref<64xf32, #tpu.memory_space<hbm>>
        tpu.enqueue_dma source(%dma_start3A_575 : memref<64xf32, #tpu.memory_space<hbm>>) target(%dma_start3A_572 : memref<64xf32, #tpu.memory_space<vmem>>) target_semaphore(%arg12 : memref<!tpu.dma_semaphore, #tpu.memory_space<semaphore_mem>>)
      }
      %scan3A_14 = arith.constant 16 : i32
      %scan3A_15 = arith.constant 0 : i32
      %scan3A_16 = arith.constant 256 : i32
      %scan3A_17 = arith.addi %scan3A_15, %scan3A_16 : i32
      %scan3A_18 = arith.constant 1 : i32
      scf.for %scan3A_25 = %scan3A_15 to %scan3A_17 step %scan3A_18  : i32 {
        %dma_wait3A = arith.constant 0 : i32
        %dma_wait3A_26 = arith.constant 0 : i32
        %dma_wait3A_27 = arith.constant 0 : i32
        %dma_wait3A_28 = tpu.memref_slice %arg9[%scan3A_25, %dma_wait3A_26, %dma_wait3A_27] : memref<256x1x64xf32, #tpu.memory_space<vmem>> -> memref<1x1x64xf32, #tpu.memory_space<vmem>>
        %dma_wait3A_29 = tpu.memref_squeeze %dma_wait3A_28 : memref<1x1x64xf32, #tpu.memory_space<vmem>> -> memref<64xf32, #tpu.memory_space<vmem>>
        %dma_wait3A_30 = arith.constant 0 : i32
        %dma_wait3A_31 = tpu.memref_slice %arg4[%dma_wait3A, %dma_wait3A_30] : memref<1000000x64xf32, #tpu.memory_space<hbm>> -> memref<1x64xf32, #tpu.memory_space<hbm>>
        %dma_wait3A_32 = tpu.memref_squeeze %dma_wait3A_31 : memref<1x64xf32, #tpu.memory_space<hbm>> -> memref<64xf32, #tpu.memory_space<hbm>>
        %dma_wait3A_33 = arith.constant 0 : i32
        %dma_wait3A_34 = tpu.memref_slice %arg9[%scan3A_25, %dma_wait3A_26, %dma_wait3A_33] : memref<256x1x64xf32, #tpu.memory_space<vmem>> -> memref<1x1x64xf32, #tpu.memory_space<vmem>>
        %dma_wait3A_35 = tpu.memref_squeeze %dma_wait3A_34 : memref<1x1x64xf32, #tpu.memory_space<vmem>> -> memref<64xf32, #tpu.memory_space<vmem>>
        %dma_wait3A_36 = arith.constant 0 : i32
        %dma_wait3A_37 = tpu.memref_slice %arg4[%dma_wait3A, %dma_wait3A_36] : memref<1000000x64xf32, #tpu.memory_space<hbm>> -> memref<1x64xf32, #tpu.memory_space<hbm>>
        %dma_wait3A_38 = tpu.memref_squeeze %dma_wait3A_37 : memref<1x64xf32, #tpu.memory_space<hbm>> -> memref<64xf32, #tpu.memory_space<hbm>>
        tpu.wait_dma2 semaphore(%arg12 : memref<!tpu.dma_semaphore, #tpu.memory_space<semaphore_mem>>) src(%dma_wait3A_38 : memref<64xf32, #tpu.memory_space<hbm>>) dst(%dma_wait3A_35 : memref<64xf32, #tpu.memory_space<vmem>>)
        %dma_wait3A_39 = arith.constant 0 : i32
        %dma_wait3A_40 = arith.constant 0 : i32
        %dma_wait3A_41 = arith.constant 0 : i32
        %dma_wait3A_42 = tpu.memref_slice %arg10[%scan3A_25, %dma_wait3A_40, %dma_wait3A_41] : memref<256x1x64xf32, #tpu.memory_space<vmem>> -> memref<1x1x64xf32, #tpu.memory_space<vmem>>
        %dma_wait3A_43 = tpu.memref_squeeze %dma_wait3A_42 : memref<1x1x64xf32, #tpu.memory_space<vmem>> -> memref<64xf32, #tpu.memory_space<vmem>>
        %dma_wait3A_44 = arith.constant 0 : i32
        %dma_wait3A_45 = tpu.memref_slice %arg5[%dma_wait3A_39, %dma_wait3A_44] : memref<1000000x64xf32, #tpu.memory_space<hbm>> -> memref<1x64xf32, #tpu.memory_space<hbm>>
        %dma_wait3A_46 = tpu.memref_squeeze %dma_wait3A_45 : memref<1x64xf32, #tpu.memory_space<hbm>> -> memref<64xf32, #tpu.memory_space<hbm>>
        %dma_wait3A_47 = arith.constant 0 : i32
        %dma_wait3A_48 = tpu.memref_slice %arg10[%scan3A_25, %dma_wait3A_40, %dma_wait3A_47] : memref<256x1x64xf32, #tpu.memory_space<vmem>> -> memref<1x1x64xf32, #tpu.memory_space<vmem>>
        %dma_wait3A_49 = tpu.memref_squeeze %dma_wait3A_48 : memref<1x1x64xf32, #tpu.memory_space<vmem>> -> memref<64xf32, #tpu.memory_space<vmem>>
        %dma_wait3A_50 = arith.constant 0 : i32
        %dma_wait3A_51 = tpu.memref_slice %arg5[%dma_wait3A_39, %dma_wait3A_50] : memref<1000000x64xf32, #tpu.memory_space<hbm>> -> memref<1x64xf32, #tpu.memory_space<hbm>>
        %dma_wait3A_52 = tpu.memref_squeeze %dma_wait3A_51 : memref<1x64xf32, #tpu.memory_space<hbm>> -> memref<64xf32, #tpu.memory_space<hbm>>
        tpu.wait_dma2 semaphore(%arg12 : memref<!tpu.dma_semaphore, #tpu.memory_space<semaphore_mem>>) src(%dma_wait3A_52 : memref<64xf32, #tpu.memory_space<hbm>>) dst(%dma_wait3A_49 : memref<64xf32, #tpu.memory_space<vmem>>)
      }
      %scan3A_19 = arith.constant 256 : i32
      %scan3A_20 = arith.constant 0 : i32
      %scan3A_21 = arith.constant 16 : i32
      %scan3A_22 = arith.addi %scan3A_20, %scan3A_21 : i32
      %scan3A_23 = arith.constant 1 : i32
      scf.for %scan3A_25 = %scan3A_20 to %scan3A_22 step %scan3A_23  : i32 {
        %broadcast_in_dim3A = arith.constant 0.000000e+00 : f32
        %broadcast_in_dim3A_26 = vector.broadcast %broadcast_in_dim3A : f32 to vector<16xf32>
        %mul3A_27 = arith.constant 16 : i32
        %mul3A_28 = arith.muli %scan3A_25, %mul3A_27 : i32
        %add3A_29 = arith.constant 0 : i32
        %add3A_30 = arith.addi %mul3A_28, %add3A_29 : i32
        %get3A = arith.constant 0 : i32
        %get3A_31 = arith.index_cast %add3A_30 : i32 to index
        %get3A_32 = arith.index_cast %get3A : i32 to index
        %get3A_33 = arith.constant 0 : index
        %get3A_34 = tpu.vector_load %arg9[%get3A_31, %get3A_32, %get3A_33] {strides = array<i32>} : memref<256x1x64xf32, #tpu.memory_space<vmem>>, vector<16xf32>,
        %get3A_35 = arith.constant 0 : i32
        %get3A_36 = arith.index_cast %add3A_30 : i32 to index
        %get3A_37 = arith.index_cast %get3A_35 : i32 to index
        %get3A_38 = arith.constant 0 : index
        %get3A_39 = tpu.vector_load %arg10[%get3A_36, %get3A_37, %get3A_38] {strides = array<i32>} : memref<256x1x64xf32, #tpu.memory_space<vmem>>, vector<16xf32>,
        %mul3A_40 = arith.mulf %get3A_34, %get3A_39 : vector<16xf32>
        %get3A_41 = arith.constant 0 : i32
        %get3A_42 = arith.index_cast %add3A_30 : i32 to index
        %get3A_43 = arith.index_cast %get3A_41 : i32 to index
        %get3A_44 = arith.constant 16 : index
        %get3A_45 = tpu.vector_load %arg9[%get3A_42, %get3A_43, %get3A_44] {strides = array<i32>} : memref<256x1x64xf32, #tpu.memory_space<vmem>>, vector<16xf32>,
        %get3A_46 = arith.constant 0 : i32
        %get3A_47 = arith.index_cast %add3A_30 : i32 to index
        %get3A_48 = arith.index_cast %get3A_46 : i32 to index
        %get3A_49 = arith.constant 16 : index
        %get3A_50 = tpu.vector_load %arg10[%get3A_47, %get3A_48, %get3A_49] {strides = array<i32>} : memref<256x1x64xf32, #tpu.memory_space<vmem>>, vector<16xf32>,
        %mul3A_51 = arith.mulf %get3A_45, %get3A_50 : vector<16xf32>
        %get3A_52 = arith.constant 0 : i32
        %get3A_53 = arith.index_cast %add3A_30 : i32 to index
        %get3A_54 = arith.index_cast %get3A_52 : i32 to index
        %get3A_55 = arith.constant 32 : index
        %get3A_56 = tpu.vector_load %arg9[%get3A_53, %get3A_54, %get3A_55] {strides = array<i32>} : memref<256x1x64xf32, #tpu.memory_space<vmem>>, vector<16xf32>,
        %get3A_57 = arith.constant 0 : i32
        %get3A_58 = arith.index_cast %add3A_30 : i32 to index
        %get3A_59 = arith.index_cast %get3A_57 : i32 to index
        %get3A_60 = arith.constant 32 : index
        %get3A_61 = tpu.vector_load %arg10[%get3A_58, %get3A_59, %get3A_60] {strides = array<i32>} : memref<256x1x64xf32, #tpu.memory_space<vmem>>, vector<16xf32>,
        %mul3A_62 = arith.mulf %get3A_56, %get3A_61 : vector<16xf32>
        %get3A_63 = arith.constant 0 : i32
        %get3A_64 = arith.index_cast %add3A_30 : i32 to index
        %get3A_65 = arith.index_cast %get3A_63 : i32 to index
        %get3A_66 = arith.constant 48 : index
        %get3A_67 = tpu.vector_load %arg9[%get3A_64, %get3A_65, %get3A_66] {strides = array<i32>} : memref<256x1x64xf32, #tpu.memory_space<vmem>>, vector<16xf32>,
        %get3A_68 = arith.constant 0 : i32
        %get3A_69 = arith.index_cast %add3A_30 : i32 to index
        %get3A_70 = arith.index_cast %get3A_68 : i32 to index
        %get3A_71 = arith.constant 48 : index
        %get3A_72 = tpu.vector_load %arg10[%get3A_69, %get3A_70, %get3A_71] {strides = array<i32>} : memref<256x1x64xf32, #tpu.memory_space<vmem>>, vector<16xf32>,
        %mul3A_73 = arith.mulf %get3A_67, %get3A_72 : vector<16xf32>
        %add3A_74 = arith.addf %mul3A_40, %mul3A_51 : vector<16xf32>
        %add3A_75 = arith.addf %mul3A_62, %mul3A_73 : vector<16xf32>
        %add3A_76 = arith.addf %add3A_74, %add3A_75 : vector<16xf32>
        %reduce_sum3A = arith.constant true
        %reduce_sum3A_77 = vector.broadcast %reduce_sum3A : i1 to vector<16xi1>
        %reduce_sum3A_78 = tpu.scan <sum>, %add3A_76 masked %reduce_sum3A_77 : vector<16xf32>, vector<16xi1> -> vector<16xf32>
        %reduce_sum3A_79 = vector.extract %reduce_sum3A_78[15] : f32 from vector<16xf32>
        %eq3A = arith.constant 0 : i32
        %eq3A_80 = vector.broadcast %eq3A : i32 to vector<16xi32>
        %eq3A_81 = arith.cmpi eq, %iota3A, %eq3A_80 : vector<16xi32>
        %broadcast_in_dim3A_82 = vector.broadcast %reduce_sum3A_79 : f32 to vector<16xf32>
        %select_n3A = arith.select %eq3A_81, %broadcast_in_dim3A_82, %broadcast_in_dim3A_26 : vector<16xi1>, vector<16xf32>
        %mul3A_83 = arith.constant 16 : i32
        %mul3A_84 = arith.muli %scan3A_25, %mul3A_83 : i32
        %add3A_85 = arith.constant 1 : i32
        %add3A_86 = arith.addi %mul3A_84, %add3A_85 : i32
        %get3A_87 = arith.constant 0 : i32
        %get3A_88 = arith.index_cast %add3A_86 : i32 to index
        %get3A_89 = arith.index_cast %get3A_87 : i32 to index
        %get3A_90 = arith.constant 0 : index
        %get3A_91 = tpu.vector_load %arg9[%get3A_88, %get3A_89, %get3A_90] {strides = array<i32>} : memref<256x1x64xf32, #tpu.memory_space<vmem>>, vector<16xf32>,
        %get3A_92 = arith.constant 0 : i32
        %get3A_93 = arith.index_cast %add3A_86 : i32 to index
        %get3A_94 = arith.index_cast %get3A_92 : i32 to index
        %get3A_95 = arith.constant 0 : index
        %get3A_96 = tpu.vector_load %arg10[%get3A_93, %get3A_94, %get3A_95] {strides = array<i32>} : memref<256x1x64xf32, #tpu.memory_space<vmem>>, vector<16xf32>,
        %mul3A_97 = arith.mulf %get3A_91, %get3A_96 : vector<16xf32>
        %get3A_98 = arith.constant 0 : i32
        %get3A_99 = arith.index_cast %add3A_86 : i32 to index
        %get3A_100 = arith.index_cast %get3A_98 : i32 to index
        %get3A_101 = arith.constant 16 : index
        %get3A_102 = tpu.vector_load %arg9[%get3A_99, %get3A_100, %get3A_101] {strides = array<i32>} : memref<256x1x64xf32, #tpu.memory_space<vmem>>, vector<16xf32>,
        %get3A_103 = arith.constant 0 : i32
        %get3A_104 = arith.index_cast %add3A_86 : i32 to index
        %get3A_105 = arith.index_cast %get3A_103 : i32 to index
        %get3A_106 = arith.constant 16 : index
        %get3A_107 = tpu.vector_load %arg10[%get3A_104, %get3A_105, %get3A_106] {strides = array<i32>} : memref<256x1x64xf32, #tpu.memory_space<vmem>>, vector<16xf32>,
        %mul3A_108 = arith.mulf %get3A_102, %get3A_107 : vector<16xf32>
        %get3A_109 = arith.constant 0 : i32
        %get3A_110 = arith.index_cast %add3A_86 : i32 to index
        %get3A_111 = arith.index_cast %get3A_109 : i32 to index
        %get3A_112 = arith.constant 32 : index
        %get3A_113 = tpu.vector_load %arg9[%get3A_110, %get3A_111, %get3A_112] {strides = array<i32>} : memref<256x1x64xf32, #tpu.memory_space<vmem>>, vector<16xf32>,
        %get3A_114 = arith.constant 0 : i32
        %get3A_115 = arith.index_cast %add3A_86 : i32 to index
        %get3A_116 = arith.index_cast %get3A_114 : i32 to index
        %get3A_117 = arith.constant 32 : index
        %get3A_118 = tpu.vector_load %arg10[%get3A_115, %get3A_116, %get3A_117] {strides = array<i32>} : memref<256x1x64xf32, #tpu.memory_space<vmem>>, vector<16xf32>,
        %mul3A_119 = arith.mulf %get3A_113, %get3A_118 : vector<16xf32>
        %get3A_120 = arith.constant 0 : i32
        %get3A_121 = arith.index_cast %add3A_86 : i32 to index
        %get3A_122 = arith.index_cast %get3A_120 : i32 to index
        %get3A_123 = arith.constant 48 : index
        %get3A_124 = tpu.vector_load %arg9[%get3A_121, %get3A_122, %get3A_123] {strides = array<i32>} : memref<256x1x64xf32, #tpu.memory_space<vmem>>, vector<16xf32>,
        %get3A_125 = arith.constant 0 : i32
        %get3A_126 = arith.index_cast %add3A_86 : i32 to index
        %get3A_127 = arith.index_cast %get3A_125 : i32 to index
        %get3A_128 = arith.constant 48 : index
        %get3A_129 = tpu.vector_load %arg10[%get3A_126, %get3A_127, %get3A_128] {strides = array<i32>} : memref<256x1x64xf32, #tpu.memory_space<vmem>>, vector<16xf32>,
        %mul3A_130 = arith.mulf %get3A_124, %get3A_129 : vector<16xf32>
        %add3A_131 = arith.addf %mul3A_97, %mul3A_108 : vector<16xf32>
        %add3A_132 = arith.addf %mul3A_119, %mul3A_130 : vector<16xf32>
        %add3A_133 = arith.addf %add3A_131, %add3A_132 : vector<16xf32>
        %reduce_sum3A_134 = arith.constant true
        %reduce_sum3A_135 = vector.broadcast %reduce_sum3A_134 : i1 to vector<16xi1>
        %reduce_sum3A_136 = tpu.scan <sum>, %add3A_133 masked %reduce_sum3A_135 : vector<16xf32>, vector<16xi1> -> vector<16xf32>
        %reduce_sum3A_137 = vector.extract %reduce_sum3A_136[15] : f32 from vector<16xf32>
        %eq3A_138 = arith.constant 1 : i32
        %eq3A_139 = vector.broadcast %eq3A_138 : i32 to vector<16xi32>
        %eq3A_140 = arith.cmpi eq, %iota3A, %eq3A_139 : vector<16xi32>
        %broadcast_in_dim3A_141 = vector.broadcast %reduce_sum3A_137 : f32 to vector<16xf32>
        %select_n3A_142 = arith.select %eq3A_140, %broadcast_in_dim3A_141, %select_n3A : vector<16xi1>, vector<16xf32>
        %mul3A_143 = arith.constant 16 : i32
        %mul3A_144 = arith.muli %scan3A_25, %mul3A_143 : i32
        %add3A_145 = arith.constant 2 : i32
        %add3A_146 = arith.addi %mul3A_144, %add3A_145 : i32
        %get3A_147 = arith.constant 0 : i32
        %get3A_148 = arith.index_cast %add3A_146 : i32 to index
        %get3A_149 = arith.index_cast %get3A_147 : i32 to index
        %get3A_150 = arith.constant 0 : index
        %get3A_151 = tpu.vector_load %arg9[%get3A_148, %get3A_149, %get3A_150] {strides = array<i32>} : memref<256x1x64xf32, #tpu.memory_space<vmem>>, vector<16xf32>,
        %get3A_152 = arith.constant 0 : i32
        %get3A_153 = arith.index_cast %add3A_146 : i32 to index
        %get3A_154 = arith.index_cast %get3A_152 : i32 to index
        %get3A_155 = arith.constant 0 : index
        %get3A_156 = tpu.vector_load %arg10[%get3A_153, %get3A_154, %get3A_155] {strides = array<i32>} : memref<256x1x64xf32, #tpu.memory_space<vmem>>, vector<16xf32>,
        %mul3A_157 = arith.mulf %get3A_151, %get3A_156 : vector<16xf32>
        %get3A_158 = arith.constant 0 : i32
        %get3A_159 = arith.index_cast %add3A_146 : i32 to index
        %get3A_160 = arith.index_cast %get3A_158 : i32 to index
        %get3A_161 = arith.constant 16 : index
        %get3A_162 = tpu.vector_load %arg9[%get3A_159, %get3A_160, %get3A_161] {strides = array<i32>} : memref<256x1x64xf32, #tpu.memory_space<vmem>>, vector<16xf32>,
        %get3A_163 = arith.constant 0 : i32
        %get3A_164 = arith.index_cast %add3A_146 : i32 to index
        %get3A_165 = arith.index_cast %get3A_163 : i32 to index
        %get3A_166 = arith.constant 16 : index
        %get3A_167 = tpu.vector_load %arg10[%get3A_164, %get3A_165, %get3A_166] {strides = array<i32>} : memref<256x1x64xf32, #tpu.memory_space<vmem>>, vector<16xf32>,
        %mul3A_168 = arith.mulf %get3A_162, %get3A_167 : vector<16xf32>
        %get3A_169 = arith.constant 0 : i32
        %get3A_170 = arith.index_cast %add3A_146 : i32 to index
        %get3A_171 = arith.index_cast %get3A_169 : i32 to index
        %get3A_172 = arith.constant 32 : index
        %get3A_173 = tpu.vector_load %arg9[%get3A_170, %get3A_171, %get3A_172] {strides = array<i32>} : memref<256x1x64xf32, #tpu.memory_space<vmem>>, vector<16xf32>,
        %get3A_174 = arith.constant 0 : i32
        %get3A_175 = arith.index_cast %add3A_146 : i32 to index
        %get3A_176 = arith.index_cast %get3A_174 : i32 to index
        %get3A_177 = arith.constant 32 : index
        %get3A_178 = tpu.vector_load %arg10[%get3A_175, %get3A_176, %get3A_177] {strides = array<i32>} : memref<256x1x64xf32, #tpu.memory_space<vmem>>, vector<16xf32>,
        %mul3A_179 = arith.mulf %get3A_173, %get3A_178 : vector<16xf32>
        %get3A_180 = arith.constant 0 : i32
        %get3A_181 = arith.index_cast %add3A_146 : i32 to index
        %get3A_182 = arith.index_cast %get3A_180 : i32 to index
        %get3A_183 = arith.constant 48 : index
        %get3A_184 = tpu.vector_load %arg9[%get3A_181, %get3A_182, %get3A_183] {strides = array<i32>} : memref<256x1x64xf32, #tpu.memory_space<vmem>>, vector<16xf32>,
        %get3A_185 = arith.constant 0 : i32
        %get3A_186 = arith.index_cast %add3A_146 : i32 to index
        %get3A_187 = arith.index_cast %get3A_185 : i32 to index
        %get3A_188 = arith.constant 48 : index
        %get3A_189 = tpu.vector_load %arg10[%get3A_186, %get3A_187, %get3A_188] {strides = array<i32>} : memref<256x1x64xf32, #tpu.memory_space<vmem>>, vector<16xf32>,
        %mul3A_190 = arith.mulf %get3A_184, %get3A_189 : vector<16xf32>
        %add3A_191 = arith.addf %mul3A_157, %mul3A_168 : vector<16xf32>
        %add3A_192 = arith.addf %mul3A_179, %mul3A_190 : vector<16xf32>
        %add3A_193 = arith.addf %add3A_191, %add3A_192 : vector<16xf32>
        %reduce_sum3A_194 = arith.constant true
        %reduce_sum3A_195 = vector.broadcast %reduce_sum3A_194 : i1 to vector<16xi1>
        %reduce_sum3A_196 = tpu.scan <sum>, %add3A_193 masked %reduce_sum3A_195 : vector<16xf32>, vector<16xi1> -> vector<16xf32>
        %reduce_sum3A_197 = vector.extract %reduce_sum3A_196[15] : f32 from vector<16xf32>
        %eq3A_198 = arith.constant 2 : i32
        %eq3A_199 = vector.broadcast %eq3A_198 : i32 to vector<16xi32>
        %eq3A_200 = arith.cmpi eq, %iota3A, %eq3A_199 : vector<16xi32>
        %broadcast_in_dim3A_201 = vector.broadcast %reduce_sum3A_197 : f32 to vector<16xf32>
        %select_n3A_202 = arith.select %eq3A_200, %broadcast_in_dim3A_201, %select_n3A_142 : vector<16xi1>, vector<16xf32>
        %mul3A_203 = arith.constant 16 : i32
        %mul3A_204 = arith.muli %scan3A_25, %mul3A_203 : i32
        %add3A_205 = arith.constant 3 : i32
        %add3A_206 = arith.addi %mul3A_204, %add3A_205 : i32
        %get3A_207 = arith.constant 0 : i32
        %get3A_208 = arith.index_cast %add3A_206 : i32 to index
        %get3A_209 = arith.index_cast %get3A_207 : i32 to index
        %get3A_210 = arith.constant 0 : index
        %get3A_211 = tpu.vector_load %arg9[%get3A_208, %get3A_209, %get3A_210] {strides = array<i32>} : memref<256x1x64xf32, #tpu.memory_space<vmem>>, vector<16xf32>,
        %get3A_212 = arith.constant 0 : i32
        %get3A_213 = arith.index_cast %add3A_206 : i32 to index
        %get3A_214 = arith.index_cast %get3A_212 : i32 to index
        %get3A_215 = arith.constant 0 : index
        %get3A_216 = tpu.vector_load %arg10[%get3A_213, %get3A_214, %get3A_215] {strides = array<i32>} : memref<256x1x64xf32, #tpu.memory_space<vmem>>, vector<16xf32>,
        %mul3A_217 = arith.mulf %get3A_211, %get3A_216 : vector<16xf32>
        %get3A_218 = arith.constant 0 : i32
        %get3A_219 = arith.index_cast %add3A_206 : i32 to index
        %get3A_220 = arith.index_cast %get3A_218 : i32 to index
        %get3A_221 = arith.constant 16 : index
        %get3A_222 = tpu.vector_load %arg9[%get3A_219, %get3A_220, %get3A_221] {strides = array<i32>} : memref<256x1x64xf32, #tpu.memory_space<vmem>>, vector<16xf32>,
        %get3A_223 = arith.constant 0 : i32
        %get3A_224 = arith.index_cast %add3A_206 : i32 to index
        %get3A_225 = arith.index_cast %get3A_223 : i32 to index
        %get3A_226 = arith.constant 16 : index
        %get3A_227 = tpu.vector_load %arg10[%get3A_224, %get3A_225, %get3A_226] {strides = array<i32>} : memref<256x1x64xf32, #tpu.memory_space<vmem>>, vector<16xf32>,
        %mul3A_228 = arith.mulf %get3A_222, %get3A_227 : vector<16xf32>
        %get3A_229 = arith.constant 0 : i32
        %get3A_230 = arith.index_cast %add3A_206 : i32 to index
        %get3A_231 = arith.index_cast %get3A_229 : i32 to index
        %get3A_232 = arith.constant 32 : index
        %get3A_233 = tpu.vector_load %arg9[%get3A_230, %get3A_231, %get3A_232] {strides = array<i32>} : memref<256x1x64xf32, #tpu.memory_space<vmem>>, vector<16xf32>,
        %get3A_234 = arith.constant 0 : i32
        %get3A_235 = arith.index_cast %add3A_206 : i32 to index
        %get3A_236 = arith.index_cast %get3A_234 : i32 to index
        %get3A_237 = arith.constant 32 : index
        %get3A_238 = tpu.vector_load %arg10[%get3A_235, %get3A_236, %get3A_237] {strides = array<i32>} : memref<256x1x64xf32, #tpu.memory_space<vmem>>, vector<16xf32>,
        %mul3A_239 = arith.mulf %get3A_233, %get3A_238 : vector<16xf32>
        %get3A_240 = arith.constant 0 : i32
        %get3A_241 = arith.index_cast %add3A_206 : i32 to index
        %get3A_242 = arith.index_cast %get3A_240 : i32 to index
        %get3A_243 = arith.constant 48 : index
        %get3A_244 = tpu.vector_load %arg9[%get3A_241, %get3A_242, %get3A_243] {strides = array<i32>} : memref<256x1x64xf32, #tpu.memory_space<vmem>>, vector<16xf32>,
        %get3A_245 = arith.constant 0 : i32
        %get3A_246 = arith.index_cast %add3A_206 : i32 to index
        %get3A_247 = arith.index_cast %get3A_245 : i32 to index
        %get3A_248 = arith.constant 48 : index
        %get3A_249 = tpu.vector_load %arg10[%get3A_246, %get3A_247, %get3A_248] {strides = array<i32>} : memref<256x1x64xf32, #tpu.memory_space<vmem>>, vector<16xf32>,
        %mul3A_250 = arith.mulf %get3A_244, %get3A_249 : vector<16xf32>
        %add3A_251 = arith.addf %mul3A_217, %mul3A_228 : vector<16xf32>
        %add3A_252 = arith.addf %mul3A_239, %mul3A_250 : vector<16xf32>
        %add3A_253 = arith.addf %add3A_251, %add3A_252 : vector<16xf32>
        %reduce_sum3A_254 = arith.constant true
        %reduce_sum3A_255 = vector.broadcast %reduce_sum3A_254 : i1 to vector<16xi1>
        %reduce_sum3A_256 = tpu.scan <sum>, %add3A_253 masked %reduce_sum3A_255 : vector<16xf32>, vector<16xi1> -> vector<16xf32>
        %reduce_sum3A_257 = vector.extract %reduce_sum3A_256[15] : f32 from vector<16xf32>
        %eq3A_258 = arith.constant 3 : i32
        %eq3A_259 = vector.broadcast %eq3A_258 : i32 to vector<16xi32>
        %eq3A_260 = arith.cmpi eq, %iota3A, %eq3A_259 : vector<16xi32>
        %broadcast_in_dim3A_261 = vector.broadcast %reduce_sum3A_257 : f32 to vector<16xf32>
        %select_n3A_262 = arith.select %eq3A_260, %broadcast_in_dim3A_261, %select_n3A_202 : vector<16xi1>, vector<16xf32>
        %mul3A_263 = arith.constant 16 : i32
        %mul3A_264 = arith.muli %scan3A_25, %mul3A_263 : i32
        %add3A_265 = arith.constant 4 : i32
        %add3A_266 = arith.addi %mul3A_264, %add3A_265 : i32
        %get3A_267 = arith.constant 0 : i32
        %get3A_268 = arith.index_cast %add3A_266 : i32 to index
        %get3A_269 = arith.index_cast %get3A_267 : i32 to index
        %get3A_270 = arith.constant 0 : index
        %get3A_271 = tpu.vector_load %arg9[%get3A_268, %get3A_269, %get3A_270] {strides = array<i32>} : memref<256x1x64xf32, #tpu.memory_space<vmem>>, vector<16xf32>,
        %get3A_272 = arith.constant 0 : i32
        %get3A_273 = arith.index_cast %add3A_266 : i32 to index
        %get3A_274 = arith.index_cast %get3A_272 : i32 to index
        %get3A_275 = arith.constant 0 : index
        %get3A_276 = tpu.vector_load %arg10[%get3A_273, %get3A_274, %get3A_275] {strides = array<i32>} : memref<256x1x64xf32, #tpu.memory_space<vmem>>, vector<16xf32>,
        %mul3A_277 = arith.mulf %get3A_271, %get3A_276 : vector<16xf32>
        %get3A_278 = arith.constant 0 : i32
        %get3A_279 = arith.index_cast %add3A_266 : i32 to index
        %get3A_280 = arith.index_cast %get3A_278 : i32 to index
        %get3A_281 = arith.constant 16 : index
        %get3A_282 = tpu.vector_load %arg9[%get3A_279, %get3A_280, %get3A_281] {strides = array<i32>} : memref<256x1x64xf32, #tpu.memory_space<vmem>>, vector<16xf32>,
        %get3A_283 = arith.constant 0 : i32
        %get3A_284 = arith.index_cast %add3A_266 : i32 to index
        %get3A_285 = arith.index_cast %get3A_283 : i32 to index
        %get3A_286 = arith.constant 16 : index
        %get3A_287 = tpu.vector_load %arg10[%get3A_284, %get3A_285, %get3A_286] {strides = array<i32>} : memref<256x1x64xf32, #tpu.memory_space<vmem>>, vector<16xf32>,
        %mul3A_288 = arith.mulf %get3A_282, %get3A_287 : vector<16xf32>
        %get3A_289 = arith.constant 0 : i32
        %get3A_290 = arith.index_cast %add3A_266 : i32 to index
        %get3A_291 = arith.index_cast %get3A_289 : i32 to index
        %get3A_292 = arith.constant 32 : index
        %get3A_293 = tpu.vector_load %arg9[%get3A_290, %get3A_291, %get3A_292] {strides = array<i32>} : memref<256x1x64xf32, #tpu.memory_space<vmem>>, vector<16xf32>,
        %get3A_294 = arith.constant 0 : i32
        %get3A_295 = arith.index_cast %add3A_266 : i32 to index
        %get3A_296 = arith.index_cast %get3A_294 : i32 to index
        %get3A_297 = arith.constant 32 : index
        %get3A_298 = tpu.vector_load %arg10[%get3A_295, %get3A_296, %get3A_297] {strides = array<i32>} : memref<256x1x64xf32, #tpu.memory_space<vmem>>, vector<16xf32>,
        %mul3A_299 = arith.mulf %get3A_293, %get3A_298 : vector<16xf32>
        %get3A_300 = arith.constant 0 : i32
        %get3A_301 = arith.index_cast %add3A_266 : i32 to index
        %get3A_302 = arith.index_cast %get3A_300 : i32 to index
        %get3A_303 = arith.constant 48 : index
        %get3A_304 = tpu.vector_load %arg9[%get3A_301, %get3A_302, %get3A_303] {strides = array<i32>} : memref<256x1x64xf32, #tpu.memory_space<vmem>>, vector<16xf32>,
        %get3A_305 = arith.constant 0 : i32
        %get3A_306 = arith.index_cast %add3A_266 : i32 to index
        %get3A_307 = arith.index_cast %get3A_305 : i32 to index
        %get3A_308 = arith.constant 48 : index
        %get3A_309 = tpu.vector_load %arg10[%get3A_306, %get3A_307, %get3A_308] {strides = array<i32>} : memref<256x1x64xf32, #tpu.memory_space<vmem>>, vector<16xf32>,
        %mul3A_310 = arith.mulf %get3A_304, %get3A_309 : vector<16xf32>
        %add3A_311 = arith.addf %mul3A_277, %mul3A_288 : vector<16xf32>
        %add3A_312 = arith.addf %mul3A_299, %mul3A_310 : vector<16xf32>
        %add3A_313 = arith.addf %add3A_311, %add3A_312 : vector<16xf32>
        %reduce_sum3A_314 = arith.constant true
        %reduce_sum3A_315 = vector.broadcast %reduce_sum3A_314 : i1 to vector<16xi1>
        %reduce_sum3A_316 = tpu.scan <sum>, %add3A_313 masked %reduce_sum3A_315 : vector<16xf32>, vector<16xi1> -> vector<16xf32>
        %reduce_sum3A_317 = vector.extract %reduce_sum3A_316[15] : f32 from vector<16xf32>
        %eq3A_318 = arith.constant 4 : i32
        %eq3A_319 = vector.broadcast %eq3A_318 : i32 to vector<16xi32>
        %eq3A_320 = arith.cmpi eq, %iota3A, %eq3A_319 : vector<16xi32>
        %broadcast_in_dim3A_321 = vector.broadcast %reduce_sum3A_317 : f32 to vector<16xf32>
        %select_n3A_322 = arith.select %eq3A_320, %broadcast_in_dim3A_321, %select_n3A_262 : vector<16xi1>, vector<16xf32>
        %mul3A_323 = arith.constant 16 : i32
        %mul3A_324 = arith.muli %scan3A_25, %mul3A_323 : i32
        %add3A_325 = arith.constant 5 : i32
        %add3A_326 = arith.addi %mul3A_324, %add3A_325 : i32
        %get3A_327 = arith.constant 0 : i32
        %get3A_328 = arith.index_cast %add3A_326 : i32 to index
        %get3A_329 = arith.index_cast %get3A_327 : i32 to index
        %get3A_330 = arith.constant 0 : index
        %get3A_331 = tpu.vector_load %arg9[%get3A_328, %get3A_329, %get3A_330] {strides = array<i32>} : memref<256x1x64xf32, #tpu.memory_space<vmem>>, vector<16xf32>,
        %get3A_332 = arith.constant 0 : i32
        %get3A_333 = arith.index_cast %add3A_326 : i32 to index
        %get3A_334 = arith.index_cast %get3A_332 : i32 to index
        %get3A_335 = arith.constant 0 : index
        %get3A_336 = tpu.vector_load %arg10[%get3A_333, %get3A_334, %get3A_335] {strides = array<i32>} : memref<256x1x64xf32, #tpu.memory_space<vmem>>, vector<16xf32>,
        %mul3A_337 = arith.mulf %get3A_331, %get3A_336 : vector<16xf32>
        %get3A_338 = arith.constant 0 : i32
        %get3A_339 = arith.index_cast %add3A_326 : i32 to index
        %get3A_340 = arith.index_cast %get3A_338 : i32 to index
        %get3A_341 = arith.constant 16 : index
        %get3A_342 = tpu.vector_load %arg9[%get3A_339, %get3A_340, %get3A_341] {strides = array<i32>} : memref<256x1x64xf32, #tpu.memory_space<vmem>>, vector<16xf32>,
        %get3A_343 = arith.constant 0 : i32
        %get3A_344 = arith.index_cast %add3A_326 : i32 to index
        %get3A_345 = arith.index_cast %get3A_343 : i32 to index
        %get3A_346 = arith.constant 16 : index
        %get3A_347 = tpu.vector_load %arg10[%get3A_344, %get3A_345, %get3A_346] {strides = array<i32>} : memref<256x1x64xf32, #tpu.memory_space<vmem>>, vector<16xf32>,
        %mul3A_348 = arith.mulf %get3A_342, %get3A_347 : vector<16xf32>
        %get3A_349 = arith.constant 0 : i32
        %get3A_350 = arith.index_cast %add3A_326 : i32 to index
        %get3A_351 = arith.index_cast %get3A_349 : i32 to index
        %get3A_352 = arith.constant 32 : index
        %get3A_353 = tpu.vector_load %arg9[%get3A_350, %get3A_351, %get3A_352] {strides = array<i32>} : memref<256x1x64xf32, #tpu.memory_space<vmem>>, vector<16xf32>,
        %get3A_354 = arith.constant 0 : i32
        %get3A_355 = arith.index_cast %add3A_326 : i32 to index
        %get3A_356 = arith.index_cast %get3A_354 : i32 to index
        %get3A_357 = arith.constant 32 : index
        %get3A_358 = tpu.vector_load %arg10[%get3A_355, %get3A_356, %get3A_357] {strides = array<i32>} : memref<256x1x64xf32, #tpu.memory_space<vmem>>, vector<16xf32>,
        %mul3A_359 = arith.mulf %get3A_353, %get3A_358 : vector<16xf32>
        %get3A_360 = arith.constant 0 : i32
        %get3A_361 = arith.index_cast %add3A_326 : i32 to index
        %get3A_362 = arith.index_cast %get3A_360 : i32 to index
        %get3A_363 = arith.constant 48 : index
        %get3A_364 = tpu.vector_load %arg9[%get3A_361, %get3A_362, %get3A_363] {strides = array<i32>} : memref<256x1x64xf32, #tpu.memory_space<vmem>>, vector<16xf32>,
        %get3A_365 = arith.constant 0 : i32
        %get3A_366 = arith.index_cast %add3A_326 : i32 to index
        %get3A_367 = arith.index_cast %get3A_365 : i32 to index
        %get3A_368 = arith.constant 48 : index
        %get3A_369 = tpu.vector_load %arg10[%get3A_366, %get3A_367, %get3A_368] {strides = array<i32>} : memref<256x1x64xf32, #tpu.memory_space<vmem>>, vector<16xf32>,
        %mul3A_370 = arith.mulf %get3A_364, %get3A_369 : vector<16xf32>
        %add3A_371 = arith.addf %mul3A_337, %mul3A_348 : vector<16xf32>
        %add3A_372 = arith.addf %mul3A_359, %mul3A_370 : vector<16xf32>
        %add3A_373 = arith.addf %add3A_371, %add3A_372 : vector<16xf32>
        %reduce_sum3A_374 = arith.constant true
        %reduce_sum3A_375 = vector.broadcast %reduce_sum3A_374 : i1 to vector<16xi1>
        %reduce_sum3A_376 = tpu.scan <sum>, %add3A_373 masked %reduce_sum3A_375 : vector<16xf32>, vector<16xi1> -> vector<16xf32>
        %reduce_sum3A_377 = vector.extract %reduce_sum3A_376[15] : f32 from vector<16xf32>
        %eq3A_378 = arith.constant 5 : i32
        %eq3A_379 = vector.broadcast %eq3A_378 : i32 to vector<16xi32>
        %eq3A_380 = arith.cmpi eq, %iota3A, %eq3A_379 : vector<16xi32>
        %broadcast_in_dim3A_381 = vector.broadcast %reduce_sum3A_377 : f32 to vector<16xf32>
        %select_n3A_382 = arith.select %eq3A_380, %broadcast_in_dim3A_381, %select_n3A_322 : vector<16xi1>, vector<16xf32>
        %mul3A_383 = arith.constant 16 : i32
        %mul3A_384 = arith.muli %scan3A_25, %mul3A_383 : i32
        %add3A_385 = arith.constant 6 : i32
        %add3A_386 = arith.addi %mul3A_384, %add3A_385 : i32
        %get3A_387 = arith.constant 0 : i32
        %get3A_388 = arith.index_cast %add3A_386 : i32 to index
        %get3A_389 = arith.index_cast %get3A_387 : i32 to index
        %get3A_390 = arith.constant 0 : index
        %get3A_391 = tpu.vector_load %arg9[%get3A_388, %get3A_389, %get3A_390] {strides = array<i32>} : memref<256x1x64xf32, #tpu.memory_space<vmem>>, vector<16xf32>,
        %get3A_392 = arith.constant 0 : i32
        %get3A_393 = arith.index_cast %add3A_386 : i32 to index
        %get3A_394 = arith.index_cast %get3A_392 : i32 to index
        %get3A_395 = arith.constant 0 : index
        %get3A_396 = tpu.vector_load %arg10[%get3A_393, %get3A_394, %get3A_395] {strides = array<i32>} : memref<256x1x64xf32, #tpu.memory_space<vmem>>, vector<16xf32>,
        %mul3A_397 = arith.mulf %get3A_391, %get3A_396 : vector<16xf32>
        %get3A_398 = arith.constant 0 : i32
        %get3A_399 = arith.index_cast %add3A_386 : i32 to index
        %get3A_400 = arith.index_cast %get3A_398 : i32 to index
        %get3A_401 = arith.constant 16 : index
        %get3A_402 = tpu.vector_load %arg9[%get3A_399, %get3A_400, %get3A_401] {strides = array<i32>} : memref<256x1x64xf32, #tpu.memory_space<vmem>>, vector<16xf32>,
        %get3A_403 = arith.constant 0 : i32
        %get3A_404 = arith.index_cast %add3A_386 : i32 to index
        %get3A_405 = arith.index_cast %get3A_403 : i32 to index
        %get3A_406 = arith.constant 16 : index
        %get3A_407 = tpu.vector_load %arg10[%get3A_404, %get3A_405, %get3A_406] {strides = array<i32>} : memref<256x1x64xf32, #tpu.memory_space<vmem>>, vector<16xf32>,
        %mul3A_408 = arith.mulf %get3A_402, %get3A_407 : vector<16xf32>
        %get3A_409 = arith.constant 0 : i32
        %get3A_410 = arith.index_cast %add3A_386 : i32 to index
        %get3A_411 = arith.index_cast %get3A_409 : i32 to index
        %get3A_412 = arith.constant 32 : index
        %get3A_413 = tpu.vector_load %arg9[%get3A_410, %get3A_411, %get3A_412] {strides = array<i32>} : memref<256x1x64xf32, #tpu.memory_space<vmem>>, vector<16xf32>,
        %get3A_414 = arith.constant 0 : i32
        %get3A_415 = arith.index_cast %add3A_386 : i32 to index
        %get3A_416 = arith.index_cast %get3A_414 : i32 to index
        %get3A_417 = arith.constant 32 : index
        %get3A_418 = tpu.vector_load %arg10[%get3A_415, %get3A_416, %get3A_417] {strides = array<i32>} : memref<256x1x64xf32, #tpu.memory_space<vmem>>, vector<16xf32>,
        %mul3A_419 = arith.mulf %get3A_413, %get3A_418 : vector<16xf32>
        %get3A_420 = arith.constant 0 : i32
        %get3A_421 = arith.index_cast %add3A_386 : i32 to index
        %get3A_422 = arith.index_cast %get3A_420 : i32 to index
        %get3A_423 = arith.constant 48 : index
        %get3A_424 = tpu.vector_load %arg9[%get3A_421, %get3A_422, %get3A_423] {strides = array<i32>} : memref<256x1x64xf32, #tpu.memory_space<vmem>>, vector<16xf32>,
        %get3A_425 = arith.constant 0 : i32
        %get3A_426 = arith.index_cast %add3A_386 : i32 to index
        %get3A_427 = arith.index_cast %get3A_425 : i32 to index
        %get3A_428 = arith.constant 48 : index
        %get3A_429 = tpu.vector_load %arg10[%get3A_426, %get3A_427, %get3A_428] {strides = array<i32>} : memref<256x1x64xf32, #tpu.memory_space<vmem>>, vector<16xf32>,
        %mul3A_430 = arith.mulf %get3A_424, %get3A_429 : vector<16xf32>
        %add3A_431 = arith.addf %mul3A_397, %mul3A_408 : vector<16xf32>
        %add3A_432 = arith.addf %mul3A_419, %mul3A_430 : vector<16xf32>
        %add3A_433 = arith.addf %add3A_431, %add3A_432 : vector<16xf32>
        %reduce_sum3A_434 = arith.constant true
        %reduce_sum3A_435 = vector.broadcast %reduce_sum3A_434 : i1 to vector<16xi1>
        %reduce_sum3A_436 = tpu.scan <sum>, %add3A_433 masked %reduce_sum3A_435 : vector<16xf32>, vector<16xi1> -> vector<16xf32>
        %reduce_sum3A_437 = vector.extract %reduce_sum3A_436[15] : f32 from vector<16xf32>
        %eq3A_438 = arith.constant 6 : i32
        %eq3A_439 = vector.broadcast %eq3A_438 : i32 to vector<16xi32>
        %eq3A_440 = arith.cmpi eq, %iota3A, %eq3A_439 : vector<16xi32>
        %broadcast_in_dim3A_441 = vector.broadcast %reduce_sum3A_437 : f32 to vector<16xf32>
        %select_n3A_442 = arith.select %eq3A_440, %broadcast_in_dim3A_441, %select_n3A_382 : vector<16xi1>, vector<16xf32>
        %mul3A_443 = arith.constant 16 : i32
        %mul3A_444 = arith.muli %scan3A_25, %mul3A_443 : i32
        %add3A_445 = arith.constant 7 : i32
        %add3A_446 = arith.addi %mul3A_444, %add3A_445 : i32
        %get3A_447 = arith.constant 0 : i32
        %get3A_448 = arith.index_cast %add3A_446 : i32 to index
        %get3A_449 = arith.index_cast %get3A_447 : i32 to index
        %get3A_450 = arith.constant 0 : index
        %get3A_451 = tpu.vector_load %arg9[%get3A_448, %get3A_449, %get3A_450] {strides = array<i32>} : memref<256x1x64xf32, #tpu.memory_space<vmem>>, vector<16xf32>,
        %get3A_452 = arith.constant 0 : i32
        %get3A_453 = arith.index_cast %add3A_446 : i32 to index
        %get3A_454 = arith.index_cast %get3A_452 : i32 to index
        %get3A_455 = arith.constant 0 : index
        %get3A_456 = tpu.vector_load %arg10[%get3A_453, %get3A_454, %get3A_455] {strides = array<i32>} : memref<256x1x64xf32, #tpu.memory_space<vmem>>, vector<16xf32>,
        %mul3A_457 = arith.mulf %get3A_451, %get3A_456 : vector<16xf32>
        %get3A_458 = arith.constant 0 : i32
        %get3A_459 = arith.index_cast %add3A_446 : i32 to index
        %get3A_460 = arith.index_cast %get3A_458 : i32 to index
        %get3A_461 = arith.constant 16 : index
        %get3A_462 = tpu.vector_load %arg9[%get3A_459, %get3A_460, %get3A_461] {strides = array<i32>} : memref<256x1x64xf32, #tpu.memory_space<vmem>>, vector<16xf32>,
        %get3A_463 = arith.constant 0 : i32
        %get3A_464 = arith.index_cast %add3A_446 : i32 to index
        %get3A_465 = arith.index_cast %get3A_463 : i32 to index
        %get3A_466 = arith.constant 16 : index
        %get3A_467 = tpu.vector_load %arg10[%get3A_464, %get3A_465, %get3A_466] {strides = array<i32>} : memref<256x1x64xf32, #tpu.memory_space<vmem>>, vector<16xf32>,
        %mul3A_468 = arith.mulf %get3A_462, %get3A_467 : vector<16xf32>
        %get3A_469 = arith.constant 0 : i32
        %get3A_470 = arith.index_cast %add3A_446 : i32 to index
        %get3A_471 = arith.index_cast %get3A_469 : i32 to index
        %get3A_472 = arith.constant 32 : index
        %get3A_473 = tpu.vector_load %arg9[%get3A_470, %get3A_471, %get3A_472] {strides = array<i32>} : memref<256x1x64xf32, #tpu.memory_space<vmem>>, vector<16xf32>,
        %get3A_474 = arith.constant 0 : i32
        %get3A_475 = arith.index_cast %add3A_446 : i32 to index
        %get3A_476 = arith.index_cast %get3A_474 : i32 to index
        %get3A_477 = arith.constant 32 : index
        %get3A_478 = tpu.vector_load %arg10[%get3A_475, %get3A_476, %get3A_477] {strides = array<i32>} : memref<256x1x64xf32, #tpu.memory_space<vmem>>, vector<16xf32>,
        %mul3A_479 = arith.mulf %get3A_473, %get3A_478 : vector<16xf32>
        %get3A_480 = arith.constant 0 : i32
        %get3A_481 = arith.index_cast %add3A_446 : i32 to index
        %get3A_482 = arith.index_cast %get3A_480 : i32 to index
        %get3A_483 = arith.constant 48 : index
        %get3A_484 = tpu.vector_load %arg9[%get3A_481, %get3A_482, %get3A_483] {strides = array<i32>} : memref<256x1x64xf32, #tpu.memory_space<vmem>>, vector<16xf32>,
        %get3A_485 = arith.constant 0 : i32
        %get3A_486 = arith.index_cast %add3A_446 : i32 to index
        %get3A_487 = arith.index_cast %get3A_485 : i32 to index
        %get3A_488 = arith.constant 48 : index
        %get3A_489 = tpu.vector_load %arg10[%get3A_486, %get3A_487, %get3A_488] {strides = array<i32>} : memref<256x1x64xf32, #tpu.memory_space<vmem>>, vector<16xf32>,
        %mul3A_490 = arith.mulf %get3A_484, %get3A_489 : vector<16xf32>
        %add3A_491 = arith.addf %mul3A_457, %mul3A_468 : vector<16xf32>
        %add3A_492 = arith.addf %mul3A_479, %mul3A_490 : vector<16xf32>
        %add3A_493 = arith.addf %add3A_491, %add3A_492 : vector<16xf32>
        %reduce_sum3A_494 = arith.constant true
        %reduce_sum3A_495 = vector.broadcast %reduce_sum3A_494 : i1 to vector<16xi1>
        %reduce_sum3A_496 = tpu.scan <sum>, %add3A_493 masked %reduce_sum3A_495 : vector<16xf32>, vector<16xi1> -> vector<16xf32>
        %reduce_sum3A_497 = vector.extract %reduce_sum3A_496[15] : f32 from vector<16xf32>
        %eq3A_498 = arith.constant 7 : i32
        %eq3A_499 = vector.broadcast %eq3A_498 : i32 to vector<16xi32>
        %eq3A_500 = arith.cmpi eq, %iota3A, %eq3A_499 : vector<16xi32>
        %broadcast_in_dim3A_501 = vector.broadcast %reduce_sum3A_497 : f32 to vector<16xf32>
        %select_n3A_502 = arith.select %eq3A_500, %broadcast_in_dim3A_501, %select_n3A_442 : vector<16xi1>, vector<16xf32>
        %mul3A_503 = arith.constant 16 : i32
        %mul3A_504 = arith.muli %scan3A_25, %mul3A_503 : i32
        %add3A_505 = arith.constant 8 : i32
        %add3A_506 = arith.addi %mul3A_504, %add3A_505 : i32
        %get3A_507 = arith.constant 0 : i32
        %get3A_508 = arith.index_cast %add3A_506 : i32 to index
        %get3A_509 = arith.index_cast %get3A_507 : i32 to index
        %get3A_510 = arith.constant 0 : index
        %get3A_511 = tpu.vector_load %arg9[%get3A_508, %get3A_509, %get3A_510] {strides = array<i32>} : memref<256x1x64xf32, #tpu.memory_space<vmem>>, vector<16xf32>,
        %get3A_512 = arith.constant 0 : i32
        %get3A_513 = arith.index_cast %add3A_506 : i32 to index
        %get3A_514 = arith.index_cast %get3A_512 : i32 to index
        %get3A_515 = arith.constant 0 : index
        %get3A_516 = tpu.vector_load %arg10[%get3A_513, %get3A_514, %get3A_515] {strides = array<i32>} : memref<256x1x64xf32, #tpu.memory_space<vmem>>, vector<16xf32>,
        %mul3A_517 = arith.mulf %get3A_511, %get3A_516 : vector<16xf32>
        %get3A_518 = arith.constant 0 : i32
        %get3A_519 = arith.index_cast %add3A_506 : i32 to index
        %get3A_520 = arith.index_cast %get3A_518 : i32 to index
        %get3A_521 = arith.constant 16 : index
        %get3A_522 = tpu.vector_load %arg9[%get3A_519, %get3A_520, %get3A_521] {strides = array<i32>} : memref<256x1x64xf32, #tpu.memory_space<vmem>>, vector<16xf32>,
        %get3A_523 = arith.constant 0 : i32
        %get3A_524 = arith.index_cast %add3A_506 : i32 to index
        %get3A_525 = arith.index_cast %get3A_523 : i32 to index
        %get3A_526 = arith.constant 16 : index
        %get3A_527 = tpu.vector_load %arg10[%get3A_524, %get3A_525, %get3A_526] {strides = array<i32>} : memref<256x1x64xf32, #tpu.memory_space<vmem>>, vector<16xf32>,
        %mul3A_528 = arith.mulf %get3A_522, %get3A_527 : vector<16xf32>
        %get3A_529 = arith.constant 0 : i32
        %get3A_530 = arith.index_cast %add3A_506 : i32 to index
        %get3A_531 = arith.index_cast %get3A_529 : i32 to index
        %get3A_532 = arith.constant 32 : index
        %get3A_533 = tpu.vector_load %arg9[%get3A_530, %get3A_531, %get3A_532] {strides = array<i32>} : memref<256x1x64xf32, #tpu.memory_space<vmem>>, vector<16xf32>,
        %get3A_534 = arith.constant 0 : i32
        %get3A_535 = arith.index_cast %add3A_506 : i32 to index
        %get3A_536 = arith.index_cast %get3A_534 : i32 to index
        %get3A_537 = arith.constant 32 : index
        %get3A_538 = tpu.vector_load %arg10[%get3A_535, %get3A_536, %get3A_537] {strides = array<i32>} : memref<256x1x64xf32, #tpu.memory_space<vmem>>, vector<16xf32>,
        %mul3A_539 = arith.mulf %get3A_533, %get3A_538 : vector<16xf32>
        %get3A_540 = arith.constant 0 : i32
        %get3A_541 = arith.index_cast %add3A_506 : i32 to index
        %get3A_542 = arith.index_cast %get3A_540 : i32 to index
        %get3A_543 = arith.constant 48 : index
        %get3A_544 = tpu.vector_load %arg9[%get3A_541, %get3A_542, %get3A_543] {strides = array<i32>} : memref<256x1x64xf32, #tpu.memory_space<vmem>>, vector<16xf32>,
        %get3A_545 = arith.constant 0 : i32
        %get3A_546 = arith.index_cast %add3A_506 : i32 to index
        %get3A_547 = arith.index_cast %get3A_545 : i32 to index
        %get3A_548 = arith.constant 48 : index
        %get3A_549 = tpu.vector_load %arg10[%get3A_546, %get3A_547, %get3A_548] {strides = array<i32>} : memref<256x1x64xf32, #tpu.memory_space<vmem>>, vector<16xf32>,
        %mul3A_550 = arith.mulf %get3A_544, %get3A_549 : vector<16xf32>
        %add3A_551 = arith.addf %mul3A_517, %mul3A_528 : vector<16xf32>
        %add3A_552 = arith.addf %mul3A_539, %mul3A_550 : vector<16xf32>
        %add3A_553 = arith.addf %add3A_551, %add3A_552 : vector<16xf32>
        %reduce_sum3A_554 = arith.constant true
        %reduce_sum3A_555 = vector.broadcast %reduce_sum3A_554 : i1 to vector<16xi1>
        %reduce_sum3A_556 = tpu.scan <sum>, %add3A_553 masked %reduce_sum3A_555 : vector<16xf32>, vector<16xi1> -> vector<16xf32>
        %reduce_sum3A_557 = vector.extract %reduce_sum3A_556[15] : f32 from vector<16xf32>
        %eq3A_558 = arith.constant 8 : i32
        %eq3A_559 = vector.broadcast %eq3A_558 : i32 to vector<16xi32>
        %eq3A_560 = arith.cmpi eq, %iota3A, %eq3A_559 : vector<16xi32>
        %broadcast_in_dim3A_561 = vector.broadcast %reduce_sum3A_557 : f32 to vector<16xf32>
        %select_n3A_562 = arith.select %eq3A_560, %broadcast_in_dim3A_561, %select_n3A_502 : vector<16xi1>, vector<16xf32>
        %mul3A_563 = arith.constant 16 : i32
        %mul3A_564 = arith.muli %scan3A_25, %mul3A_563 : i32
        %add3A_565 = arith.constant 9 : i32
        %add3A_566 = arith.addi %mul3A_564, %add3A_565 : i32
        %get3A_567 = arith.constant 0 : i32
        %get3A_568 = arith.index_cast %add3A_566 : i32 to index
        %get3A_569 = arith.index_cast %get3A_567 : i32 to index
        %get3A_570 = arith.constant 0 : index
        %get3A_571 = tpu.vector_load %arg9[%get3A_568, %get3A_569, %get3A_570] {strides = array<i32>} : memref<256x1x64xf32, #tpu.memory_space<vmem>>, vector<16xf32>,
        %get3A_572 = arith.constant 0 : i32
        %get3A_573 = arith.index_cast %add3A_566 : i32 to index
        %get3A_574 = arith.index_cast %get3A_572 : i32 to index
        %get3A_575 = arith.constant 0 : index
        %get3A_576 = tpu.vector_load %arg10[%get3A_573, %get3A_574, %get3A_575] {strides = array<i32>} : memref<256x1x64xf32, #tpu.memory_space<vmem>>, vector<16xf32>,
        %mul3A_577 = arith.mulf %get3A_571, %get3A_576 : vector<16xf32>
        %get3A_578 = arith.constant 0 : i32
        %get3A_579 = arith.index_cast %add3A_566 : i32 to index
        %get3A_580 = arith.index_cast %get3A_578 : i32 to index
        %get3A_581 = arith.constant 16 : index
        %get3A_582 = tpu.vector_load %arg9[%get3A_579, %get3A_580, %get3A_581] {strides = array<i32>} : memref<256x1x64xf32, #tpu.memory_space<vmem>>, vector<16xf32>,
        %get3A_583 = arith.constant 0 : i32
        %get3A_584 = arith.index_cast %add3A_566 : i32 to index
        %get3A_585 = arith.index_cast %get3A_583 : i32 to index
        %get3A_586 = arith.constant 16 : index
        %get3A_587 = tpu.vector_load %arg10[%get3A_584, %get3A_585, %get3A_586] {strides = array<i32>} : memref<256x1x64xf32, #tpu.memory_space<vmem>>, vector<16xf32>,
        %mul3A_588 = arith.mulf %get3A_582, %get3A_587 : vector<16xf32>
        %get3A_589 = arith.constant 0 : i32
        %get3A_590 = arith.index_cast %add3A_566 : i32 to index
        %get3A_591 = arith.index_cast %get3A_589 : i32 to index
        %get3A_592 = arith.constant 32 : index
        %get3A_593 = tpu.vector_load %arg9[%get3A_590, %get3A_591, %get3A_592] {strides = array<i32>} : memref<256x1x64xf32, #tpu.memory_space<vmem>>, vector<16xf32>,
        %get3A_594 = arith.constant 0 : i32
        %get3A_595 = arith.index_cast %add3A_566 : i32 to index
        %get3A_596 = arith.index_cast %get3A_594 : i32 to index
        %get3A_597 = arith.constant 32 : index
        %get3A_598 = tpu.vector_load %arg10[%get3A_595, %get3A_596, %get3A_597] {strides = array<i32>} : memref<256x1x64xf32, #tpu.memory_space<vmem>>, vector<16xf32>,
        %mul3A_599 = arith.mulf %get3A_593, %get3A_598 : vector<16xf32>
        %get3A_600 = arith.constant 0 : i32
        %get3A_601 = arith.index_cast %add3A_566 : i32 to index
        %get3A_602 = arith.index_cast %get3A_600 : i32 to index
        %get3A_603 = arith.constant 48 : index
        %get3A_604 = tpu.vector_load %arg9[%get3A_601, %get3A_602, %get3A_603] {strides = array<i32>} : memref<256x1x64xf32, #tpu.memory_space<vmem>>, vector<16xf32>,
        %get3A_605 = arith.constant 0 : i32
        %get3A_606 = arith.index_cast %add3A_566 : i32 to index
        %get3A_607 = arith.index_cast %get3A_605 : i32 to index
        %get3A_608 = arith.constant 48 : index
        %get3A_609 = tpu.vector_load %arg10[%get3A_606, %get3A_607, %get3A_608] {strides = array<i32>} : memref<256x1x64xf32, #tpu.memory_space<vmem>>, vector<16xf32>,
        %mul3A_610 = arith.mulf %get3A_604, %get3A_609 : vector<16xf32>
        %add3A_611 = arith.addf %mul3A_577, %mul3A_588 : vector<16xf32>
        %add3A_612 = arith.addf %mul3A_599, %mul3A_610 : vector<16xf32>
        %add3A_613 = arith.addf %add3A_611, %add3A_612 : vector<16xf32>
        %reduce_sum3A_614 = arith.constant true
        %reduce_sum3A_615 = vector.broadcast %reduce_sum3A_614 : i1 to vector<16xi1>
        %reduce_sum3A_616 = tpu.scan <sum>, %add3A_613 masked %reduce_sum3A_615 : vector<16xf32>, vector<16xi1> -> vector<16xf32>
        %reduce_sum3A_617 = vector.extract %reduce_sum3A_616[15] : f32 from vector<16xf32>
        %eq3A_618 = arith.constant 9 : i32
        %eq3A_619 = vector.broadcast %eq3A_618 : i32 to vector<16xi32>
        %eq3A_620 = arith.cmpi eq, %iota3A, %eq3A_619 : vector<16xi32>
        %broadcast_in_dim3A_621 = vector.broadcast %reduce_sum3A_617 : f32 to vector<16xf32>
        %select_n3A_622 = arith.select %eq3A_620, %broadcast_in_dim3A_621, %select_n3A_562 : vector<16xi1>, vector<16xf32>
        %mul3A_623 = arith.constant 16 : i32
        %mul3A_624 = arith.muli %scan3A_25, %mul3A_623 : i32
        %add3A_625 = arith.constant 10 : i32
        %add3A_626 = arith.addi %mul3A_624, %add3A_625 : i32
        %get3A_627 = arith.constant 0 : i32
        %get3A_628 = arith.index_cast %add3A_626 : i32 to index
        %get3A_629 = arith.index_cast %get3A_627 : i32 to index
        %get3A_630 = arith.constant 0 : index
        %get3A_631 = tpu.vector_load %arg9[%get3A_628, %get3A_629, %get3A_630] {strides = array<i32>} : memref<256x1x64xf32, #tpu.memory_space<vmem>>, vector<16xf32>,
        %get3A_632 = arith.constant 0 : i32
        %get3A_633 = arith.index_cast %add3A_626 : i32 to index
        %get3A_634 = arith.index_cast %get3A_632 : i32 to index
        %get3A_635 = arith.constant 0 : index
        %get3A_636 = tpu.vector_load %arg10[%get3A_633, %get3A_634, %get3A_635] {strides = array<i32>} : memref<256x1x64xf32, #tpu.memory_space<vmem>>, vector<16xf32>,
        %mul3A_637 = arith.mulf %get3A_631, %get3A_636 : vector<16xf32>
        %get3A_638 = arith.constant 0 : i32
        %get3A_639 = arith.index_cast %add3A_626 : i32 to index
        %get3A_640 = arith.index_cast %get3A_638 : i32 to index
        %get3A_641 = arith.constant 16 : index
        %get3A_642 = tpu.vector_load %arg9[%get3A_639, %get3A_640, %get3A_641] {strides = array<i32>} : memref<256x1x64xf32, #tpu.memory_space<vmem>>, vector<16xf32>,
        %get3A_643 = arith.constant 0 : i32
        %get3A_644 = arith.index_cast %add3A_626 : i32 to index
        %get3A_645 = arith.index_cast %get3A_643 : i32 to index
        %get3A_646 = arith.constant 16 : index
        %get3A_647 = tpu.vector_load %arg10[%get3A_644, %get3A_645, %get3A_646] {strides = array<i32>} : memref<256x1x64xf32, #tpu.memory_space<vmem>>, vector<16xf32>,
        %mul3A_648 = arith.mulf %get3A_642, %get3A_647 : vector<16xf32>
        %get3A_649 = arith.constant 0 : i32
        %get3A_650 = arith.index_cast %add3A_626 : i32 to index
        %get3A_651 = arith.index_cast %get3A_649 : i32 to index
        %get3A_652 = arith.constant 32 : index
        %get3A_653 = tpu.vector_load %arg9[%get3A_650, %get3A_651, %get3A_652] {strides = array<i32>} : memref<256x1x64xf32, #tpu.memory_space<vmem>>, vector<16xf32>,
        %get3A_654 = arith.constant 0 : i32
        %get3A_655 = arith.index_cast %add3A_626 : i32 to index
        %get3A_656 = arith.index_cast %get3A_654 : i32 to index
        %get3A_657 = arith.constant 32 : index
        %get3A_658 = tpu.vector_load %arg10[%get3A_655, %get3A_656, %get3A_657] {strides = array<i32>} : memref<256x1x64xf32, #tpu.memory_space<vmem>>, vector<16xf32>,
        %mul3A_659 = arith.mulf %get3A_653, %get3A_658 : vector<16xf32>
        %get3A_660 = arith.constant 0 : i32
        %get3A_661 = arith.index_cast %add3A_626 : i32 to index
        %get3A_662 = arith.index_cast %get3A_660 : i32 to index
        %get3A_663 = arith.constant 48 : index
        %get3A_664 = tpu.vector_load %arg9[%get3A_661, %get3A_662, %get3A_663] {strides = array<i32>} : memref<256x1x64xf32, #tpu.memory_space<vmem>>, vector<16xf32>,
        %get3A_665 = arith.constant 0 : i32
        %get3A_666 = arith.index_cast %add3A_626 : i32 to index
        %get3A_667 = arith.index_cast %get3A_665 : i32 to index
        %get3A_668 = arith.constant 48 : index
        %get3A_669 = tpu.vector_load %arg10[%get3A_666, %get3A_667, %get3A_668] {strides = array<i32>} : memref<256x1x64xf32, #tpu.memory_space<vmem>>, vector<16xf32>,
        %mul3A_670 = arith.mulf %get3A_664, %get3A_669 : vector<16xf32>
        %add3A_671 = arith.addf %mul3A_637, %mul3A_648 : vector<16xf32>
        %add3A_672 = arith.addf %mul3A_659, %mul3A_670 : vector<16xf32>
        %add3A_673 = arith.addf %add3A_671, %add3A_672 : vector<16xf32>
        %reduce_sum3A_674 = arith.constant true
        %reduce_sum3A_675 = vector.broadcast %reduce_sum3A_674 : i1 to vector<16xi1>
        %reduce_sum3A_676 = tpu.scan <sum>, %add3A_673 masked %reduce_sum3A_675 : vector<16xf32>, vector<16xi1> -> vector<16xf32>
        %reduce_sum3A_677 = vector.extract %reduce_sum3A_676[15] : f32 from vector<16xf32>
        %eq3A_678 = arith.constant 10 : i32
        %eq3A_679 = vector.broadcast %eq3A_678 : i32 to vector<16xi32>
        %eq3A_680 = arith.cmpi eq, %iota3A, %eq3A_679 : vector<16xi32>
        %broadcast_in_dim3A_681 = vector.broadcast %reduce_sum3A_677 : f32 to vector<16xf32>
        %select_n3A_682 = arith.select %eq3A_680, %broadcast_in_dim3A_681, %select_n3A_622 : vector<16xi1>, vector<16xf32>
        %mul3A_683 = arith.constant 16 : i32
        %mul3A_684 = arith.muli %scan3A_25, %mul3A_683 : i32
        %add3A_685 = arith.constant 11 : i32
        %add3A_686 = arith.addi %mul3A_684, %add3A_685 : i32
        %get3A_687 = arith.constant 0 : i32
        %get3A_688 = arith.index_cast %add3A_686 : i32 to index
        %get3A_689 = arith.index_cast %get3A_687 : i32 to index
        %get3A_690 = arith.constant 0 : index
        %get3A_691 = tpu.vector_load %arg9[%get3A_688, %get3A_689, %get3A_690] {strides = array<i32>} : memref<256x1x64xf32, #tpu.memory_space<vmem>>, vector<16xf32>,
        %get3A_692 = arith.constant 0 : i32
        %get3A_693 = arith.index_cast %add3A_686 : i32 to index
        %get3A_694 = arith.index_cast %get3A_692 : i32 to index
        %get3A_695 = arith.constant 0 : index
        %get3A_696 = tpu.vector_load %arg10[%get3A_693, %get3A_694, %get3A_695] {strides = array<i32>} : memref<256x1x64xf32, #tpu.memory_space<vmem>>, vector<16xf32>,
        %mul3A_697 = arith.mulf %get3A_691, %get3A_696 : vector<16xf32>
        %get3A_698 = arith.constant 0 : i32
        %get3A_699 = arith.index_cast %add3A_686 : i32 to index
        %get3A_700 = arith.index_cast %get3A_698 : i32 to index
        %get3A_701 = arith.constant 16 : index
        %get3A_702 = tpu.vector_load %arg9[%get3A_699, %get3A_700, %get3A_701] {strides = array<i32>} : memref<256x1x64xf32, #tpu.memory_space<vmem>>, vector<16xf32>,
        %get3A_703 = arith.constant 0 : i32
        %get3A_704 = arith.index_cast %add3A_686 : i32 to index
        %get3A_705 = arith.index_cast %get3A_703 : i32 to index
        %get3A_706 = arith.constant 16 : index
        %get3A_707 = tpu.vector_load %arg10[%get3A_704, %get3A_705, %get3A_706] {strides = array<i32>} : memref<256x1x64xf32, #tpu.memory_space<vmem>>, vector<16xf32>,
        %mul3A_708 = arith.mulf %get3A_702, %get3A_707 : vector<16xf32>
        %get3A_709 = arith.constant 0 : i32
        %get3A_710 = arith.index_cast %add3A_686 : i32 to index
        %get3A_711 = arith.index_cast %get3A_709 : i32 to index
        %get3A_712 = arith.constant 32 : index
        %get3A_713 = tpu.vector_load %arg9[%get3A_710, %get3A_711, %get3A_712] {strides = array<i32>} : memref<256x1x64xf32, #tpu.memory_space<vmem>>, vector<16xf32>,
        %get3A_714 = arith.constant 0 : i32
        %get3A_715 = arith.index_cast %add3A_686 : i32 to index
        %get3A_716 = arith.index_cast %get3A_714 : i32 to index
        %get3A_717 = arith.constant 32 : index
        %get3A_718 = tpu.vector_load %arg10[%get3A_715, %get3A_716, %get3A_717] {strides = array<i32>} : memref<256x1x64xf32, #tpu.memory_space<vmem>>, vector<16xf32>,
        %mul3A_719 = arith.mulf %get3A_713, %get3A_718 : vector<16xf32>
        %get3A_720 = arith.constant 0 : i32
        %get3A_721 = arith.index_cast %add3A_686 : i32 to index
        %get3A_722 = arith.index_cast %get3A_720 : i32 to index
        %get3A_723 = arith.constant 48 : index
        %get3A_724 = tpu.vector_load %arg9[%get3A_721, %get3A_722, %get3A_723] {strides = array<i32>} : memref<256x1x64xf32, #tpu.memory_space<vmem>>, vector<16xf32>,
        %get3A_725 = arith.constant 0 : i32
        %get3A_726 = arith.index_cast %add3A_686 : i32 to index
        %get3A_727 = arith.index_cast %get3A_725 : i32 to index
        %get3A_728 = arith.constant 48 : index
        %get3A_729 = tpu.vector_load %arg10[%get3A_726, %get3A_727, %get3A_728] {strides = array<i32>} : memref<256x1x64xf32, #tpu.memory_space<vmem>>, vector<16xf32>,
        %mul3A_730 = arith.mulf %get3A_724, %get3A_729 : vector<16xf32>
        %add3A_731 = arith.addf %mul3A_697, %mul3A_708 : vector<16xf32>
        %add3A_732 = arith.addf %mul3A_719, %mul3A_730 : vector<16xf32>
        %add3A_733 = arith.addf %add3A_731, %add3A_732 : vector<16xf32>
        %reduce_sum3A_734 = arith.constant true
        %reduce_sum3A_735 = vector.broadcast %reduce_sum3A_734 : i1 to vector<16xi1>
        %reduce_sum3A_736 = tpu.scan <sum>, %add3A_733 masked %reduce_sum3A_735 : vector<16xf32>, vector<16xi1> -> vector<16xf32>
        %reduce_sum3A_737 = vector.extract %reduce_sum3A_736[15] : f32 from vector<16xf32>
        %eq3A_738 = arith.constant 11 : i32
        %eq3A_739 = vector.broadcast %eq3A_738 : i32 to vector<16xi32>
        %eq3A_740 = arith.cmpi eq, %iota3A, %eq3A_739 : vector<16xi32>
        %broadcast_in_dim3A_741 = vector.broadcast %reduce_sum3A_737 : f32 to vector<16xf32>
        %select_n3A_742 = arith.select %eq3A_740, %broadcast_in_dim3A_741, %select_n3A_682 : vector<16xi1>, vector<16xf32>
        %mul3A_743 = arith.constant 16 : i32
        %mul3A_744 = arith.muli %scan3A_25, %mul3A_743 : i32
        %add3A_745 = arith.constant 12 : i32
        %add3A_746 = arith.addi %mul3A_744, %add3A_745 : i32
        %get3A_747 = arith.constant 0 : i32
        %get3A_748 = arith.index_cast %add3A_746 : i32 to index
        %get3A_749 = arith.index_cast %get3A_747 : i32 to index
        %get3A_750 = arith.constant 0 : index
        %get3A_751 = tpu.vector_load %arg9[%get3A_748, %get3A_749, %get3A_750] {strides = array<i32>} : memref<256x1x64xf32, #tpu.memory_space<vmem>>, vector<16xf32>,
        %get3A_752 = arith.constant 0 : i32
        %get3A_753 = arith.index_cast %add3A_746 : i32 to index
        %get3A_754 = arith.index_cast %get3A_752 : i32 to index
        %get3A_755 = arith.constant 0 : index
        %get3A_756 = tpu.vector_load %arg10[%get3A_753, %get3A_754, %get3A_755] {strides = array<i32>} : memref<256x1x64xf32, #tpu.memory_space<vmem>>, vector<16xf32>,
        %mul3A_757 = arith.mulf %get3A_751, %get3A_756 : vector<16xf32>
        %get3A_758 = arith.constant 0 : i32
        %get3A_759 = arith.index_cast %add3A_746 : i32 to index
        %get3A_760 = arith.index_cast %get3A_758 : i32 to index
        %get3A_761 = arith.constant 16 : index
        %get3A_762 = tpu.vector_load %arg9[%get3A_759, %get3A_760, %get3A_761] {strides = array<i32>} : memref<256x1x64xf32, #tpu.memory_space<vmem>>, vector<16xf32>,
        %get3A_763 = arith.constant 0 : i32
        %get3A_764 = arith.index_cast %add3A_746 : i32 to index
        %get3A_765 = arith.index_cast %get3A_763 : i32 to index
        %get3A_766 = arith.constant 16 : index
        %get3A_767 = tpu.vector_load %arg10[%get3A_764, %get3A_765, %get3A_766] {strides = array<i32>} : memref<256x1x64xf32, #tpu.memory_space<vmem>>, vector<16xf32>,
        %mul3A_768 = arith.mulf %get3A_762, %get3A_767 : vector<16xf32>
        %get3A_769 = arith.constant 0 : i32
        %get3A_770 = arith.index_cast %add3A_746 : i32 to index
        %get3A_771 = arith.index_cast %get3A_769 : i32 to index
        %get3A_772 = arith.constant 32 : index
        %get3A_773 = tpu.vector_load %arg9[%get3A_770, %get3A_771, %get3A_772] {strides = array<i32>} : memref<256x1x64xf32, #tpu.memory_space<vmem>>, vector<16xf32>,
        %get3A_774 = arith.constant 0 : i32
        %get3A_775 = arith.index_cast %add3A_746 : i32 to index
        %get3A_776 = arith.index_cast %get3A_774 : i32 to index
        %get3A_777 = arith.constant 32 : index
        %get3A_778 = tpu.vector_load %arg10[%get3A_775, %get3A_776, %get3A_777] {strides = array<i32>} : memref<256x1x64xf32, #tpu.memory_space<vmem>>, vector<16xf32>,
        %mul3A_779 = arith.mulf %get3A_773, %get3A_778 : vector<16xf32>
        %get3A_780 = arith.constant 0 : i32
        %get3A_781 = arith.index_cast %add3A_746 : i32 to index
        %get3A_782 = arith.index_cast %get3A_780 : i32 to index
        %get3A_783 = arith.constant 48 : index
        %get3A_784 = tpu.vector_load %arg9[%get3A_781, %get3A_782, %get3A_783] {strides = array<i32>} : memref<256x1x64xf32, #tpu.memory_space<vmem>>, vector<16xf32>,
        %get3A_785 = arith.constant 0 : i32
        %get3A_786 = arith.index_cast %add3A_746 : i32 to index
        %get3A_787 = arith.index_cast %get3A_785 : i32 to index
        %get3A_788 = arith.constant 48 : index
        %get3A_789 = tpu.vector_load %arg10[%get3A_786, %get3A_787, %get3A_788] {strides = array<i32>} : memref<256x1x64xf32, #tpu.memory_space<vmem>>, vector<16xf32>,
        %mul3A_790 = arith.mulf %get3A_784, %get3A_789 : vector<16xf32>
        %add3A_791 = arith.addf %mul3A_757, %mul3A_768 : vector<16xf32>
        %add3A_792 = arith.addf %mul3A_779, %mul3A_790 : vector<16xf32>
        %add3A_793 = arith.addf %add3A_791, %add3A_792 : vector<16xf32>
        %reduce_sum3A_794 = arith.constant true
        %reduce_sum3A_795 = vector.broadcast %reduce_sum3A_794 : i1 to vector<16xi1>
        %reduce_sum3A_796 = tpu.scan <sum>, %add3A_793 masked %reduce_sum3A_795 : vector<16xf32>, vector<16xi1> -> vector<16xf32>
        %reduce_sum3A_797 = vector.extract %reduce_sum3A_796[15] : f32 from vector<16xf32>
        %eq3A_798 = arith.constant 12 : i32
        %eq3A_799 = vector.broadcast %eq3A_798 : i32 to vector<16xi32>
        %eq3A_800 = arith.cmpi eq, %iota3A, %eq3A_799 : vector<16xi32>
        %broadcast_in_dim3A_801 = vector.broadcast %reduce_sum3A_797 : f32 to vector<16xf32>
        %select_n3A_802 = arith.select %eq3A_800, %broadcast_in_dim3A_801, %select_n3A_742 : vector<16xi1>, vector<16xf32>
        %mul3A_803 = arith.constant 16 : i32
        %mul3A_804 = arith.muli %scan3A_25, %mul3A_803 : i32
        %add3A_805 = arith.constant 13 : i32
        %add3A_806 = arith.addi %mul3A_804, %add3A_805 : i32
        %get3A_807 = arith.constant 0 : i32
        %get3A_808 = arith.index_cast %add3A_806 : i32 to index
        %get3A_809 = arith.index_cast %get3A_807 : i32 to index
        %get3A_810 = arith.constant 0 : index
        %get3A_811 = tpu.vector_load %arg9[%get3A_808, %get3A_809, %get3A_810] {strides = array<i32>} : memref<256x1x64xf32, #tpu.memory_space<vmem>>, vector<16xf32>,
        %get3A_812 = arith.constant 0 : i32
        %get3A_813 = arith.index_cast %add3A_806 : i32 to index
        %get3A_814 = arith.index_cast %get3A_812 : i32 to index
        %get3A_815 = arith.constant 0 : index
        %get3A_816 = tpu.vector_load %arg10[%get3A_813, %get3A_814, %get3A_815] {strides = array<i32>} : memref<256x1x64xf32, #tpu.memory_space<vmem>>, vector<16xf32>,
        %mul3A_817 = arith.mulf %get3A_811, %get3A_816 : vector<16xf32>
        %get3A_818 = arith.constant 0 : i32
        %get3A_819 = arith.index_cast %add3A_806 : i32 to index
        %get3A_820 = arith.index_cast %get3A_818 : i32 to index
        %get3A_821 = arith.constant 16 : index
        %get3A_822 = tpu.vector_load %arg9[%get3A_819, %get3A_820, %get3A_821] {strides = array<i32>} : memref<256x1x64xf32, #tpu.memory_space<vmem>>, vector<16xf32>,
        %get3A_823 = arith.constant 0 : i32
        %get3A_824 = arith.index_cast %add3A_806 : i32 to index
        %get3A_825 = arith.index_cast %get3A_823 : i32 to index
        %get3A_826 = arith.constant 16 : index
        %get3A_827 = tpu.vector_load %arg10[%get3A_824, %get3A_825, %get3A_826] {strides = array<i32>} : memref<256x1x64xf32, #tpu.memory_space<vmem>>, vector<16xf32>,
        %mul3A_828 = arith.mulf %get3A_822, %get3A_827 : vector<16xf32>
        %get3A_829 = arith.constant 0 : i32
        %get3A_830 = arith.index_cast %add3A_806 : i32 to index
        %get3A_831 = arith.index_cast %get3A_829 : i32 to index
        %get3A_832 = arith.constant 32 : index
        %get3A_833 = tpu.vector_load %arg9[%get3A_830, %get3A_831, %get3A_832] {strides = array<i32>} : memref<256x1x64xf32, #tpu.memory_space<vmem>>, vector<16xf32>,
        %get3A_834 = arith.constant 0 : i32
        %get3A_835 = arith.index_cast %add3A_806 : i32 to index
        %get3A_836 = arith.index_cast %get3A_834 : i32 to index
        %get3A_837 = arith.constant 32 : index
        %get3A_838 = tpu.vector_load %arg10[%get3A_835, %get3A_836, %get3A_837] {strides = array<i32>} : memref<256x1x64xf32, #tpu.memory_space<vmem>>, vector<16xf32>,
        %mul3A_839 = arith.mulf %get3A_833, %get3A_838 : vector<16xf32>
        %get3A_840 = arith.constant 0 : i32
        %get3A_841 = arith.index_cast %add3A_806 : i32 to index
        %get3A_842 = arith.index_cast %get3A_840 : i32 to index
        %get3A_843 = arith.constant 48 : index
        %get3A_844 = tpu.vector_load %arg9[%get3A_841, %get3A_842, %get3A_843] {strides = array<i32>} : memref<256x1x64xf32, #tpu.memory_space<vmem>>, vector<16xf32>,
        %get3A_845 = arith.constant 0 : i32
        %get3A_846 = arith.index_cast %add3A_806 : i32 to index
        %get3A_847 = arith.index_cast %get3A_845 : i32 to index
        %get3A_848 = arith.constant 48 : index
        %get3A_849 = tpu.vector_load %arg10[%get3A_846, %get3A_847, %get3A_848] {strides = array<i32>} : memref<256x1x64xf32, #tpu.memory_space<vmem>>, vector<16xf32>,
        %mul3A_850 = arith.mulf %get3A_844, %get3A_849 : vector<16xf32>
        %add3A_851 = arith.addf %mul3A_817, %mul3A_828 : vector<16xf32>
        %add3A_852 = arith.addf %mul3A_839, %mul3A_850 : vector<16xf32>
        %add3A_853 = arith.addf %add3A_851, %add3A_852 : vector<16xf32>
        %reduce_sum3A_854 = arith.constant true
        %reduce_sum3A_855 = vector.broadcast %reduce_sum3A_854 : i1 to vector<16xi1>
        %reduce_sum3A_856 = tpu.scan <sum>, %add3A_853 masked %reduce_sum3A_855 : vector<16xf32>, vector<16xi1> -> vector<16xf32>
        %reduce_sum3A_857 = vector.extract %reduce_sum3A_856[15] : f32 from vector<16xf32>
        %eq3A_858 = arith.constant 13 : i32
        %eq3A_859 = vector.broadcast %eq3A_858 : i32 to vector<16xi32>
        %eq3A_860 = arith.cmpi eq, %iota3A, %eq3A_859 : vector<16xi32>
        %broadcast_in_dim3A_861 = vector.broadcast %reduce_sum3A_857 : f32 to vector<16xf32>
        %select_n3A_862 = arith.select %eq3A_860, %broadcast_in_dim3A_861, %select_n3A_802 : vector<16xi1>, vector<16xf32>
        %mul3A_863 = arith.constant 16 : i32
        %mul3A_864 = arith.muli %scan3A_25, %mul3A_863 : i32
        %add3A_865 = arith.constant 14 : i32
        %add3A_866 = arith.addi %mul3A_864, %add3A_865 : i32
        %get3A_867 = arith.constant 0 : i32
        %get3A_868 = arith.index_cast %add3A_866 : i32 to index
        %get3A_869 = arith.index_cast %get3A_867 : i32 to index
        %get3A_870 = arith.constant 0 : index
        %get3A_871 = tpu.vector_load %arg9[%get3A_868, %get3A_869, %get3A_870] {strides = array<i32>} : memref<256x1x64xf32, #tpu.memory_space<vmem>>, vector<16xf32>,
        %get3A_872 = arith.constant 0 : i32
        %get3A_873 = arith.index_cast %add3A_866 : i32 to index
        %get3A_874 = arith.index_cast %get3A_872 : i32 to index
        %get3A_875 = arith.constant 0 : index
        %get3A_876 = tpu.vector_load %arg10[%get3A_873, %get3A_874, %get3A_875] {strides = array<i32>} : memref<256x1x64xf32, #tpu.memory_space<vmem>>, vector<16xf32>,
        %mul3A_877 = arith.mulf %get3A_871, %get3A_876 : vector<16xf32>
        %get3A_878 = arith.constant 0 : i32
        %get3A_879 = arith.index_cast %add3A_866 : i32 to index
        %get3A_880 = arith.index_cast %get3A_878 : i32 to index
        %get3A_881 = arith.constant 16 : index
        %get3A_882 = tpu.vector_load %arg9[%get3A_879, %get3A_880, %get3A_881] {strides = array<i32>} : memref<256x1x64xf32, #tpu.memory_space<vmem>>, vector<16xf32>,
        %get3A_883 = arith.constant 0 : i32
        %get3A_884 = arith.index_cast %add3A_866 : i32 to index
        %get3A_885 = arith.index_cast %get3A_883 : i32 to index
        %get3A_886 = arith.constant 16 : index
        %get3A_887 = tpu.vector_load %arg10[%get3A_884, %get3A_885, %get3A_886] {strides = array<i32>} : memref<256x1x64xf32, #tpu.memory_space<vmem>>, vector<16xf32>,
        %mul3A_888 = arith.mulf %get3A_882, %get3A_887 : vector<16xf32>
        %get3A_889 = arith.constant 0 : i32
        %get3A_890 = arith.index_cast %add3A_866 : i32 to index
        %get3A_891 = arith.index_cast %get3A_889 : i32 to index
        %get3A_892 = arith.constant 32 : index
        %get3A_893 = tpu.vector_load %arg9[%get3A_890, %get3A_891, %get3A_892] {strides = array<i32>} : memref<256x1x64xf32, #tpu.memory_space<vmem>>, vector<16xf32>,
        %get3A_894 = arith.constant 0 : i32
        %get3A_895 = arith.index_cast %add3A_866 : i32 to index
        %get3A_896 = arith.index_cast %get3A_894 : i32 to index
        %get3A_897 = arith.constant 32 : index
        %get3A_898 = tpu.vector_load %arg10[%get3A_895, %get3A_896, %get3A_897] {strides = array<i32>} : memref<256x1x64xf32, #tpu.memory_space<vmem>>, vector<16xf32>,
        %mul3A_899 = arith.mulf %get3A_893, %get3A_898 : vector<16xf32>
        %get3A_900 = arith.constant 0 : i32
        %get3A_901 = arith.index_cast %add3A_866 : i32 to index
        %get3A_902 = arith.index_cast %get3A_900 : i32 to index
        %get3A_903 = arith.constant 48 : index
        %get3A_904 = tpu.vector_load %arg9[%get3A_901, %get3A_902, %get3A_903] {strides = array<i32>} : memref<256x1x64xf32, #tpu.memory_space<vmem>>, vector<16xf32>,
        %get3A_905 = arith.constant 0 : i32
        %get3A_906 = arith.index_cast %add3A_866 : i32 to index
        %get3A_907 = arith.index_cast %get3A_905 : i32 to index
        %get3A_908 = arith.constant 48 : index
        %get3A_909 = tpu.vector_load %arg10[%get3A_906, %get3A_907, %get3A_908] {strides = array<i32>} : memref<256x1x64xf32, #tpu.memory_space<vmem>>, vector<16xf32>,
        %mul3A_910 = arith.mulf %get3A_904, %get3A_909 : vector<16xf32>
        %add3A_911 = arith.addf %mul3A_877, %mul3A_888 : vector<16xf32>
        %add3A_912 = arith.addf %mul3A_899, %mul3A_910 : vector<16xf32>
        %add3A_913 = arith.addf %add3A_911, %add3A_912 : vector<16xf32>
        %reduce_sum3A_914 = arith.constant true
        %reduce_sum3A_915 = vector.broadcast %reduce_sum3A_914 : i1 to vector<16xi1>
        %reduce_sum3A_916 = tpu.scan <sum>, %add3A_913 masked %reduce_sum3A_915 : vector<16xf32>, vector<16xi1> -> vector<16xf32>
        %reduce_sum3A_917 = vector.extract %reduce_sum3A_916[15] : f32 from vector<16xf32>
        %eq3A_918 = arith.constant 14 : i32
        %eq3A_919 = vector.broadcast %eq3A_918 : i32 to vector<16xi32>
        %eq3A_920 = arith.cmpi eq, %iota3A, %eq3A_919 : vector<16xi32>
        %broadcast_in_dim3A_921 = vector.broadcast %reduce_sum3A_917 : f32 to vector<16xf32>
        %select_n3A_922 = arith.select %eq3A_920, %broadcast_in_dim3A_921, %select_n3A_862 : vector<16xi1>, vector<16xf32>
        %mul3A_923 = arith.constant 16 : i32
        %mul3A_924 = arith.muli %scan3A_25, %mul3A_923 : i32
        %add3A_925 = arith.constant 15 : i32
        %add3A_926 = arith.addi %mul3A_924, %add3A_925 : i32
        %get3A_927 = arith.constant 0 : i32
        %get3A_928 = arith.index_cast %add3A_926 : i32 to index
        %get3A_929 = arith.index_cast %get3A_927 : i32 to index
        %get3A_930 = arith.constant 0 : index
        %get3A_931 = tpu.vector_load %arg9[%get3A_928, %get3A_929, %get3A_930] {strides = array<i32>} : memref<256x1x64xf32, #tpu.memory_space<vmem>>, vector<16xf32>,
        %get3A_932 = arith.constant 0 : i32
        %get3A_933 = arith.index_cast %add3A_926 : i32 to index
        %get3A_934 = arith.index_cast %get3A_932 : i32 to index
        %get3A_935 = arith.constant 0 : index
        %get3A_936 = tpu.vector_load %arg10[%get3A_933, %get3A_934, %get3A_935] {strides = array<i32>} : memref<256x1x64xf32, #tpu.memory_space<vmem>>, vector<16xf32>,
        %mul3A_937 = arith.mulf %get3A_931, %get3A_936 : vector<16xf32>
        %get3A_938 = arith.constant 0 : i32
        %get3A_939 = arith.index_cast %add3A_926 : i32 to index
        %get3A_940 = arith.index_cast %get3A_938 : i32 to index
        %get3A_941 = arith.constant 16 : index
        %get3A_942 = tpu.vector_load %arg9[%get3A_939, %get3A_940, %get3A_941] {strides = array<i32>} : memref<256x1x64xf32, #tpu.memory_space<vmem>>, vector<16xf32>,
        %get3A_943 = arith.constant 0 : i32
        %get3A_944 = arith.index_cast %add3A_926 : i32 to index
        %get3A_945 = arith.index_cast %get3A_943 : i32 to index
        %get3A_946 = arith.constant 16 : index
        %get3A_947 = tpu.vector_load %arg10[%get3A_944, %get3A_945, %get3A_946] {strides = array<i32>} : memref<256x1x64xf32, #tpu.memory_space<vmem>>, vector<16xf32>,
        %mul3A_948 = arith.mulf %get3A_942, %get3A_947 : vector<16xf32>
        %get3A_949 = arith.constant 0 : i32
        %get3A_950 = arith.index_cast %add3A_926 : i32 to index
        %get3A_951 = arith.index_cast %get3A_949 : i32 to index
        %get3A_952 = arith.constant 32 : index
        %get3A_953 = tpu.vector_load %arg9[%get3A_950, %get3A_951, %get3A_952] {strides = array<i32>} : memref<256x1x64xf32, #tpu.memory_space<vmem>>, vector<16xf32>,
        %get3A_954 = arith.constant 0 : i32
        %get3A_955 = arith.index_cast %add3A_926 : i32 to index
        %get3A_956 = arith.index_cast %get3A_954 : i32 to index
        %get3A_957 = arith.constant 32 : index
        %get3A_958 = tpu.vector_load %arg10[%get3A_955, %get3A_956, %get3A_957] {strides = array<i32>} : memref<256x1x64xf32, #tpu.memory_space<vmem>>, vector<16xf32>,
        %mul3A_959 = arith.mulf %get3A_953, %get3A_958 : vector<16xf32>
        %get3A_960 = arith.constant 0 : i32
        %get3A_961 = arith.index_cast %add3A_926 : i32 to index
        %get3A_962 = arith.index_cast %get3A_960 : i32 to index
        %get3A_963 = arith.constant 48 : index
        %get3A_964 = tpu.vector_load %arg9[%get3A_961, %get3A_962, %get3A_963] {strides = array<i32>} : memref<256x1x64xf32, #tpu.memory_space<vmem>>, vector<16xf32>,
        %get3A_965 = arith.constant 0 : i32
        %get3A_966 = arith.index_cast %add3A_926 : i32 to index
        %get3A_967 = arith.index_cast %get3A_965 : i32 to index
        %get3A_968 = arith.constant 48 : index
        %get3A_969 = tpu.vector_load %arg10[%get3A_966, %get3A_967, %get3A_968] {strides = array<i32>} : memref<256x1x64xf32, #tpu.memory_space<vmem>>, vector<16xf32>,
        %mul3A_970 = arith.mulf %get3A_964, %get3A_969 : vector<16xf32>
        %add3A_971 = arith.addf %mul3A_937, %mul3A_948 : vector<16xf32>
        %add3A_972 = arith.addf %mul3A_959, %mul3A_970 : vector<16xf32>
        %add3A_973 = arith.addf %add3A_971, %add3A_972 : vector<16xf32>
        %reduce_sum3A_974 = arith.constant true
        %reduce_sum3A_975 = vector.broadcast %reduce_sum3A_974 : i1 to vector<16xi1>
        %reduce_sum3A_976 = tpu.scan <sum>, %add3A_973 masked %reduce_sum3A_975 : vector<16xf32>, vector<16xi1> -> vector<16xf32>
        %reduce_sum3A_977 = vector.extract %reduce_sum3A_976[15] : f32 from vector<16xf32>
        %eq3A_978 = arith.constant 15 : i32
        %eq3A_979 = vector.broadcast %eq3A_978 : i32 to vector<16xi32>
        %eq3A_980 = arith.cmpi eq, %iota3A, %eq3A_979 : vector<16xi32>
        %broadcast_in_dim3A_981 = vector.broadcast %reduce_sum3A_977 : f32 to vector<16xf32>
        %select_n3A_982 = arith.select %eq3A_980, %broadcast_in_dim3A_981, %select_n3A_922 : vector<16xi1>, vector<16xf32>
        %mul3A_983 = arith.constant 16 : i32
        %mul3A_984 = arith.muli %scan3A_25, %mul3A_983 : i32
        %add3A_985 = arith.addi %mul3A_9, %mul3A_984 : i32
        %swap3A = arith.index_cast %add3A_985 : i32 to index
        %swap3A_986 = tpu.vector_load %arg11[%swap3A] {strides = array<i32>} : memref<512xf32, #tpu.memory_space<vmem>>, vector<16xf32>,
        tpu.vector_store %arg11[%swap3A], %select_n3A_982 {strides = array<i32>} : memref<512xf32, #tpu.memory_space<vmem>>, vector<16xf32>,
      }
      %scan3A_24 = arith.constant 16 : i32
    }
    %scan3A_6 = arith.constant 2 : i32
    "tpu.region"() ({
      %run_scoped3A = tpu.sem_alloc : memref<!tpu.dma_semaphore, #tpu.memory_space<semaphore_mem>>
      %dma_start3A = tpu.memref_slice %arg6[%mul3A_2] : memref<16384xf32, #tpu.memory_space<hbm>> -> memref<512xf32, #tpu.memory_space<hbm>>
      %dma_start3A_7 = tpu.memref_slice %arg6[%mul3A_2] : memref<16384xf32, #tpu.memory_space<hbm>> -> memref<512xf32, #tpu.memory_space<hbm>>
      tpu.enqueue_dma source(%arg11 : memref<512xf32, #tpu.memory_space<vmem>>) target(%dma_start3A_7 : memref<512xf32, #tpu.memory_space<hbm>>) target_semaphore(%run_scoped3A : memref<!tpu.dma_semaphore, #tpu.memory_space<semaphore_mem>>)
      %dma_wait3A = tpu.memref_slice %arg6[%mul3A_2] : memref<16384xf32, #tpu.memory_space<hbm>> -> memref<512xf32, #tpu.memory_space<hbm>>
      %dma_wait3A_8 = tpu.memref_slice %arg6[%mul3A_2] : memref<16384xf32, #tpu.memory_space<hbm>> -> memref<512xf32, #tpu.memory_space<hbm>>
      tpu.wait_dma2 semaphore(%run_scoped3A : memref<!tpu.dma_semaphore, #tpu.memory_space<semaphore_mem>>) src(%arg11 : memref<512xf32, #tpu.memory_space<vmem>>) dst(%dma_wait3A_8 : memref<512xf32, #tpu.memory_space<hbm>>)
      tpu.yield
    }) : () -> ()
    return
  }
}

</mosaic_0001>

<sc_bundles>
// kernel: kernel.3.cloned.1.call-start
scs
__scs_entry_jumppad:
0x0: {  	(pc) =	sbr.rel $0x88, $3  }
0x1: {  	(tag) =	ssettag $0x0;
	lr =	simm.s32 $0x1  }
0x2: {  	[smem:$0x3F9D] =	sst lr;
	_ =	strace $0xD0000000  }
0x3: {  	_ = 	snop  }
0x4: {  	_ = 	snop  }
0x5: {  	_ = 	snop  }
0x6: {  	_ = 	snop  }
0x7: {  	_ = 	snop  }
__scs_overlays_trampoline_lowered:
0x8: {  	[smem:$0x3FAC] =	sst s0  }
0x9: {  	[smem:$0x3FAD] =	sst s1  }
0xa: {  	[smem:$0x3FAE] =	sst s2  }
0xb: {  	[smem:$0x3FAF] =	sst s3  }
0xc: {  	[smem:$0x3FB0] =	sst s4  }
0xd: {  	[smem:$0x3FB1] =	sst s5  }
0xe: {  	[smem:$0x3FB2] =	sst s6  }
0xf: {  	[smem:$0x3FB3] =	sst s7  }
0x10: {  	[smem:$0x3FB4] =	sst s8  }
0x11: {  	[smem:$0x3FB5] =	sst s9;
	s0 =	simm.s32 @!p0 $0x0  }
0x12: {  	s1 =	sld [smem:$0x3F9B];
	s0 =	simm.s32 @p0 $0x1  }
0x13: {  	[smem:$0x3FB6] =	sst s0;
	s0 =	simm.s32 @!p1 $0x0  }
0x14: {  	s2 =	sld [smem:$0x3F9A];
	s0 =	simm.s32 @p1 $0x1  }
0x15: {  	[smem:$0x3FB7] =	sst s0;
	s0 =	simm.s32 @!p2 $0x0  }
0x16: {  	s3 =	sld [smem:$0x3FDB];
	s0 =	simm.s32 @p2 $0x1  }
0x17: {  	s4 =	simm.s32 $0x1BF5;
	[smem:$0x3FB9] =	sst s0  }
0x18: {  	s0 =	sld [smem:$0x3F9C];
	_ =	swait.ge [sflag:s4], $0x0  }
0x19: {  	s7 =	sld [smem:$0x3F9D]  }
0x1a: {  	s8 =	sadd.s32 $0xFFFFE003, lr  }
0x1b: {  	s9 =	sadd.s32 $0xFFFFFEF7, lr;
	s5 =	simm.s32 $0xFFFFFFFF;
	p2 =	slt.u32 s8, $0xFFFFF086  }
0x1c: {  	p1 =	slt.u32 s9, $0xF7A;
	s5 =	simm.s32 @!p2 $0x0  }
0x1d: {  	s5 =	simm.s32 @p1 $0x1;
	p0 =	seq.s32 s7, s2  }
0x1e: {  	s7 =	smul.u32 @!p0 $0xF7A, s2;
	p2 =	seq.s32 @!p0 s5, $0x0  }
0x1f: {  	s9 =	smul.u32 $0xF7A, s1;
	s8 =	simm.s32 @!p0 $0x1BF5;
	p2 =	por !p2, p0  }
0x20: {  	[sflag:s8] =	ssyncset.s32 @!p0 $0xFFFFF086;
	s6 =	sadd.s32 @!p0 s3, s7;
	s7 =	simm.s32 @!p0 $0x108  }
0x21: {  	s3 =	sadd.s32 s3, s9;
	s6 =	sadd.s32 @!p0 $0x88, s6;
	s7 =	simm.s32 @p2 $0x1082  }
0x22: {  	[simem:s7], [sflag:s8] =	dma.local @!p0 [hbm:s6], $0xF7A  }
0x23: {  	s9 =	sor.u32 $0xD0000000, s2;
	s6 =	simm.s32 $0x108;
	_ =	swait.ge @!p0 [sflag:s8], $0x0  }
0x24: {  	s3 =	sadd.s32 $0x88, s3;
	s6 =	simm.s32 @!p1 $0x1082;
	[sflag:s4] =	ssyncset.s32 $0xFFFFF086  }
0x25: {  	[simem:s6], [sflag:s4] =	dma.local [hbm:s3], $0xF7A  }
0x26: {  	[smem:$0x3F9D] =	sst s1;
	(tag) =	ssettag s2;
	_ =	strace s9  }
0x27: {  	s1 =	sld [smem:$0x3FAD]  }
0x28: {  	s2 =	sld [smem:$0x3FAE]  }
0x29: {  	s4 =	sld [smem:$0x3FB0]  }
0x2a: {  	p0 =	seq.s32 s5, $0x0;
	s5 =	sld [smem:$0x3FB1]  }
0x2b: {  	s6 =	sld [smem:$0x3FB2]  }
0x2c: {  	s7 =	sld [smem:$0x3FB3]  }
0x2d: {  	s3 =	simm.s32 $0x108;
	s8 =	sld [smem:$0x3FB4]  }
0x2e: {  	s3 =	simm.s32 @!p0 $0x1082;
	s9 =	sld [smem:$0x3FB5]  }
0x2f: {  	lr =	sadd.s32 s0, s3;
	s0 =	sld [smem:$0x3FAC]  }
0x30: {  	s3 =	sld [smem:$0x3FAF]  }
0x31: {  	[smem:$0x3FB8] =	sst s10  }
0x32: {  	s10 =	sld [smem:$0x3FB6];
	_ =	sdelay $0x3  }
0x33: {  	p0 =	seq.s32 s10, $0x1;
	s10 =	sld [smem:$0x3FB8];
	_ =	sdelay $0x3  }
0x34: {  	[smem:$0x3FB8] =	sst s10  }
0x35: {  	s10 =	sld [smem:$0x3FB7];
	_ =	sdelay $0x3  }
0x36: {  	p1 =	seq.s32 s10, $0x1;
	s10 =	sld [smem:$0x3FB8];
	_ =	sdelay $0x3  }
0x37: {  	[smem:$0x3FB8] =	sst s10  }
0x38: {  	s10 =	sld [smem:$0x3FB9]  }
0x39: {  	_ = 	snop;
	(pc) =	sbr.ind lr, $3  }
0x3a: {  	_ = 	snop  }
0x3b: {  	_ = 	snop  }
0x3c: {  	p2 =	seq.s32 s10, $0x1;
	s10 =	sld [smem:$0x3FB8]  }
0x3d: {  	_ =	shalt  }
0x3e: {  	_ =	shalt  }
0x3f: {  	_ =	shalt  }
0x40: {  	_ =	shalt  }
0x41: {  	_ =	shalt  }
0x42: {  	_ =	shalt  }
0x43: {  	_ =	shalt  }
0x44: {  	_ =	shalt  }
0x45: {  	_ =	shalt  }
0x46: {  	_ =	shalt  }
0x47: {  	_ =	shalt  }
0x48: {  	_ =	shalt  }
0x49: {  	_ =	shalt  }
0x4a: {  	_ =	shalt  }
0x4b: {  	_ =	shalt  }
0x4c: {  	_ =	shalt  }
0x4d: {  	_ =	shalt  }
0x4e: {  	_ =	shalt  }
0x4f: {  	_ =	shalt  }
0x50: {  	_ =	shalt  }
0x51: {  	_ =	shalt  }
0x52: {  	_ =	shalt  }
0x53: {  	_ =	shalt  }
0x54: {  	_ =	shalt  }
0x55: {  	_ =	shalt  }
0x56: {  	_ =	shalt  }
0x57: {  	_ =	shalt  }
0x58: {  	_ =	shalt  }
0x59: {  	_ =	shalt  }
0x5a: {  	_ =	shalt  }
0x5b: {  	_ =	shalt  }
0x5c: {  	_ =	shalt  }
0x5d: {  	_ =	shalt  }
0x5e: {  	_ =	shalt  }
0x5f: {  	_ =	shalt  }
0x60: {  	_ =	shalt  }
0x61: {  	_ =	shalt  }
0x62: {  	_ =	shalt  }
0x63: {  	_ =	shalt  }
0x64: {  	_ =	shalt  }
0x65: {  	_ =	shalt  }
0x66: {  	_ =	shalt  }
0x67: {  	_ =	shalt  }
0x68: {  	_ =	shalt  }
0x69: {  	_ =	shalt  }
0x6a: {  	_ =	shalt  }
0x6b: {  	_ =	shalt  }
0x6c: {  	_ =	shalt  }
0x6d: {  	_ =	shalt  }
0x6e: {  	_ =	shalt  }
0x6f: {  	_ =	shalt  }
0x70: {  	_ =	shalt  }
0x71: {  	_ =	shalt  }
0x72: {  	_ =	shalt  }
0x73: {  	_ =	shalt  }
0x74: {  	_ =	shalt  }
0x75: {  	_ =	shalt  }
0x76: {  	_ =	shalt  }
0x77: {  	_ =	shalt  }
0x78: {  	_ =	shalt  }
0x79: {  	_ =	shalt  }
0x7a: {  	_ =	shalt  }
0x7b: {  	_ =	shalt  }
0x7c: {  	_ =	shalt  }
0x7d: {  	_ =	shalt  }
0x7e: {  	_ =	shalt  }
0x7f: {  	_ =	shalt  }
0x80: {  	_ =	shalt  }
0x81: {  	_ =	shalt  }
0x82: {  	_ =	shalt  }
0x83: {  	_ =	shalt  }
0x84: {  	_ =	shalt  }
0x85: {  	_ =	shalt  }
0x86: {  	_ =	shalt  }
0x87: {  	_ =	shalt  }
.Lfunc_end0:
.L_simem_size_0:
called_computation_lowered:
.L_overlay_start_0:
0x88: {  	s2 =	sld [smem:$0x3FD9]  }
0x89: {  	s3 =	sld [smem:$0x3FFE];
	_ =	sdelay $0x1  }
0x8a: {  	s1 =	srdreg.scid  }
0x8b: {  	s0 =	sand.u32 $0x1, s1  }
0x8c: {  	s17 =	sshll.u32 s0, $0xA;
	s2 =	sadd.s32 s3, s2  }
0x8d: {  	s2 =	sadd.s32 s2, s17  }
0x8e: {  	[smem:$0x3FC4] =	sst s2  }
0x8f: {  	_ = 	snop  }
0x90: {  	s2 =	sld [smem:$0x3FC9]  }
0x91: {  	s18 =	sld [smem:$0x3FC8]  }
0x92: {  	s4 =	sld [smem:$0x3FD0];
	(tm) =	ssettm $0x1  }
0x93: {  	s5 =	sld [smem:$0x3FFB];
	_ =	sdelay $0x3  }
0x94: {  	_ =	strace s5  }
0x95: {  	s5 =	sld [smem:$0x3FFC];
	_ =	sdelay $0x3  }
0x96: {  	_ =	strace s5  }
0x97: {  	s5 =	sld [smem:$0x3FFD];
	_ =	sdelay $0x3  }
0x98: {  	_ =	strace s5  }
0x99: {  	_ =	strace $0x8FFFFFFF  }
0x9a: {  	s19 =	sld [smem:$0x3FDB];
	_ =	sdelay $0x1  }
0x9b: {  	s6 =	simm.s32 $_scs_section_size  }
0x9c: {  	s7 =	simm.s32 $_size__tile_overlayer_lowered;
	s8 =	simm.s32 $_tile_overlayer_lowered  }
0x9d: {  	s22 =	simm.s32 $0x1BFF;
	s21 =	sshll.u32 s8, $0x1;
	s5 =	sadd.s32 s6, s19  }
0x9e: {  	s9 =	simm.s32 $0x0;
	s20 =	sshll.u32 s7, $0x1;
	s7 =	sadd.s32 s21, s5  }
0x9f: {  	[timem:s9], [sflag:s22] =	dma.local [hbm:s7], s20  }
0xa0: {  	_ =	swait.ge [sflag:s22], s20  }
0xa1: {  	s6 =	ssub.s32 $0x0, s20;
	[sflag:s22] =	ssyncset.done $0x0  }
0xa2: {  	[sflag:s22] =	ssyncadd.s32 s6;
	_ =	sdelay $0x1  }
0xa3: {  	s23 =	simm.s32 $0x1B8B  }
0xa4: {  	_ =	swait.ge [sflag:s23], $0x1  }
0xa5: {  	[sflag:s23] =	ssyncset.done $0x0  }
0xa6: {  	s25 =	simm.s32 $0x1B8E;
	s24 =	sld [smem:$0x3FFE];
	[sflag:s23] =	ssyncadd.s32 $0xFFFFFFFF  }
0xa7: {  	s26 =	simm.s32 $execute0_lowered;
	[smem:$0x3FD2] =	sst s25  }
0xa8: {  	s7 =	sshll.u32 s26, $0x1;
	_ =	strace $0x80000046;
	[dreg:$0x1] =	wrdreg $0xFFFFFFFF  }
0xa9: {  	s28 =	simm.s32 $_size_execute0_lowered;
	s5 =	sadd.s32 s5, s7;
	[dreg:$0x0] =	wrdreg $0x0  }
0xaa: {  	s7 =	sshll.u32 s28, $0x1;
	[dreg:$0x2] =	wrdreg s5  }
0xab: {  	[dreg:$0x3] =	wrdreg s7  }
0xac: {  	[dreg:$0x4] =	wrdreg $0xC0  }
0xad: {  	_ =	task [dreg:s9], $0x5FFFF  }
0xae: {  	[dreg:$0x1] =	wrdreg $0xFFFFFFFF  }
0xaf: {  	[dreg:$0x0] =	wrdreg $0x60  }
0xb0: {  	[dreg:$0x2] =	wrdreg s2  }
0xb1: {  	[dreg:$0x3] =	wrdreg s18  }
0xb2: {  	[dreg:$0x4] =	wrdreg s24  }
0xb3: {  	[dreg:$0x5] =	wrdreg s4  }
0xb4: {  	[dreg:$0x6] =	wrdreg $0x9  }
0xb5: {  	_ =	task.clear_ibuf [dreg:s9], $0x7FFFF;
	_ =	strace $0x90000046  }
0xb6: {  	s29 =	simm.s32 $0x9;
	_ =	strace $0x80000048  }
0xb7: {  	_ =	swait.ge [sflag:s29], $0x1  }
0xb8: {  	[sflag:s29] =	ssyncadd.s32 $0xFFFFFFFF  }
0xb9: {  	_ =	strace $0x90000048  }
0xba: {  	_ =	sfence  }
0xbb: {  	s30 =	sld [smem:$0x0];
	_ =	sdelay $0x2  }
0xbc: {  	s31 =	sshll.u32 s1, $0xD;
	s1 =	sshrl.u32 s1, $0x2  }
0xbd: {  	s3 =	sand.u32 $0x4000, s31;
	s1 =	sadd.s32 s1, s30  }
0xbe: {  	s0 =	sor.u32 s3, s0;
	s1 =	sshll.u32 s1, $0x11  }
0xbf: {  	s0 =	sor.u32 s1, s0  }
0xc0: {  	s0 =	sadd.s32 $0x8F2B, s0  }
0xc1: {  	[sflag:s0] =	ssyncadd.remote.s32 $0x1  }
0xc2: {  	_ =	sfence.sel $0xFFFF  }
0xc3: {  	[dreg:$0x0] =	wrdreg $0xFFFFFFFF;
	(pc) =	sbr.abs _section_cstart, $3  }
0xc4: {  	[dreg:$0x1] =	wrdreg $0xFFFFFFFF  }
0xc5: {  	_ =	task.clear_ibuf [dreg:s9], $0x2FFFF;
	_ =	strace $0x9FFFFFFF  }
0xc6: {  	(tm) =	ssettm $0x7FFFFFFF  }
0xc7: {  	_ =	shalt  }
tec
execute0_lowered:
.L_overlay_start_1:
0x0: {  	(tag) =	ssettag $0x1  }
0x1: {  	s0 =	rddreg [dreg:$0x0]  }
0x2: {  	s2 =	rddreg [dreg:$0x1]  }
0x3: {  	s4 =	rddreg [dreg:$0x2]  }
0x4: {  	s5 =	rddreg [dreg:$0x3];
	s3 =	srdreg.scid  }
0x5: {  	s11 =	simm.s32 $0x0;
	s1 =	stileid.u32;
	s6 =	sand.u32 $0x1, s3  }
0x6: {  	s9 =	sshll.u32 s1, $0x7;
	s7 =	ssub.s32 $0x2, s6;
	s6 =	sshll.u32 s6, $0x6  }
0x7: {  	p2 =	por $0x0, $0x0;
	[smem:$0x7FF] =	sst s11;
	s6 =	sor.u32 s6, s9  }
0x8: {  	vm0 =	vmmov $0x1;
	vm1 =	vmmov $0x3;
	vm2 =	vmmov $0x7;
	s3 =	sadd.s32 $0x400, s4;
	_ =	strace $0x80000047;
	s0 =	sadd.s32 s0, s6  }
0x9: {  	vm3 =	vmmov $0xf;
	vm4 =	vmmov $0x1f;
	vm5 =	vmmov $0x3f;
	s8 =	sshrl.u32 s7, $0x1;
	s29 =	sadd.s32 s2, s6;
	[dreg:$0xe] =	wrdreg s0  }
0xa: {  	vm6 =	vmmov $0x7f;
	vm7 =	vmmov $0xff;
	vm8 =	vmmov $0x1ff;
	s7 =	ssub.s32 s7, s8;
	s30 =	sadd.s32 s5, s6;
	[dreg:$0xf] =	wrdreg s29  }
0xb: {  	vm9 =	vmmov $0x3ff;
	vm10 =	vmmov $0x7ff;
	vm11 =	vmmov $0xfff;
	s4 =	sadd.s32 $0xF42800, s4;
	[dreg:$0x10] =	wrdreg s30;
	s31 =	smax.u32 s7, $0x1  }
0xc: {  	vm12 =	vmmov $0x1fff;
	vm13 =	vmmov $0x3fff;
	vm14 =	vmmov $0x7fff;
	s1 =	simm.s32 $0x2;
	s2 =	simm.s32 $0x0;
	[dreg:$0x11] =	wrdreg s31  }
.LBB2_1:
0xd: {  	[dreg:$0x12] =	wrdreg s2  }
0xe: {  	s0 =	rddreg [dreg:$0xe]  }
0xf: {  	[tilespmem:s11], [sflag:$0x2] =	stream.linear.gather [hbm4b:s0+s11], $0x200, $0x38;
	[tilespmem:$0x10600] =	vst v63  }
0x10: {  	_ =	swait.ge [sflag:s1], $0x200  }
0x11: {  	[sflag:s1] =	ssyncset.done $0x0  }
0x12: {  	s31 =	simm.s32 $0x200;
	s30 =	rddreg [dreg:$0xf];
	[sflag:s1] =	ssyncadd.s32 $0xFFFFFE00  }
0x13: {  	[tilespmem:s31], [sflag:$0x2] =	stream.linear.gather [hbm4b:s30+s11], $0x200, $0x38;
	[tilespmem:$0x10600] =	vst v63  }
0x14: {  	_ =	swait.ge [sflag:s1], $0x200  }
0x15: {  	[sflag:s1] =	ssyncset.done $0x0  }
0x16: {  	p1 =	por $0x1, $0x1;
	s0 =	simm.s32 $0x0;
	[sflag:s1] =	ssyncadd.s32 $0xFFFFFE00  }
.LBB2_2:
0x17: {  	s20 =	sshll.u32 s0, $0x2  }
0x18: {  	s19 =	sshra.s32 s20, $0x2  }
0x19: {  	s20 =	sadd.s32 $0x200, s19;
	v0 =	vld [tilespmem:s19+$0x0]  }
0x1a: {  	v2 =	vld [tilespmem:s20+$0x0];
	_ =	sdelay $0x3  }
0x1b: {  	v1 =	vshll.u32 v0, $0x4  }
0x1c: {  	v63 =	vshll.u32 v2, $0x4;
	(v2sf) =	vpush v1, $0x0  }
0x1d: {  	(v2sf) =	vpush v63, $0x0  }
0x1e: {  	(v2sf) =	vpush v1, $0x1;
	_ =	sdelay $0x1  }
0x1f: {  	(v2sf) =	vpush v63, $0x1  }
0x20: {  	(v2sf) =	vpush v1, $0x2;
	_ =	sdelay $0x1  }
0x21: {  	(v2sf) =	vpush v63, $0x2  }
0x22: {  	(v2sf) =	vpush v1, $0x3;
	_ =	sdelay $0x1  }
0x23: {  	[dreg:$0x13] =	wrdreg s0;
	(v2sf) =	vpush v63, $0x3  }
0x24: {  	s16 =	simm.s32 $0x2000;
	s15 =	simm.s32 $0x0;
	s6 =	simm.s32 $0x8400  }
0x25: {  	s5 =	simm.s32 $0x680;
	s2 =	simm.s32 $0x880;
	s21 =	simm.s32 $0x400  }
0x26: {  	s8 =	simm.s32 $0x600;
	s0 =	simm.s32 $0x8900;
	s24 =	simm.s32 $0x480  }
0x27: {  	s26 =	simm.s32 $0x8480;
	s30 =	simm.s32 $0x500;
	s13 =	simm.s32 $0x580  }
0x28: {  	s18 =	simm.s32 $0x8580;
	p0 =	por p1, p1;
	s7 =	spop (v2sf)  }
0x29: {  	s19 =	sadd.s32 $0x10, s19;
	(v2sf) =	vpush v1, $0x4;
	s7 =	sand.u32 $0x1FFFFFF0, s7;
	s9 =	spop (v2sf)  }
0x2a: {  	s7 =	sadd.s32 s3, s7;
	s9 =	sand.u32 $0x1FFFFFF0, s9;
	s10 =	spop (v2sf)  }
0x2b: {  	[tilespmem:s21], [sflag:$0x1] =	stream.linear.gather [hbm4b:s7+s11], $0x80, $0x38;
	[tilespmem:$0x10600] =	vst v63  }
0x2c: {  	s20 =	sadd.s32 $0x10, s20;
	s22 =	sadd.s32 s4, s9;
	s25 =	spop (v2sf)  }
0x2d: {  	(v2sf) =	vpush v63, $0x4;
	s23 =	sand.u32 $0x1FFFFFF0, s10;
	s10 =	simm.s32 $0x8500;
	s28 =	spop (v2sf)  }
0x2e: {  	(v2sf) =	vpush v1, $0x5;
	[tilespmem:s6], [sflag:$0x1] =	stream.linear.gather [hbm4b:s22+s11], $0x80, $0x38;
	[tilespmem:$0x10600] =	vst v63  }
0x2f: {  	s9 =	sadd.s32 s3, s23;
	s7 =	sand.u32 $0x1FFFFFF0, s25;
	s29 =	spop (v2sf)  }
0x30: {  	(v2sf) =	vpush v63, $0x5;
	s25 =	simm.s32 $0x8600;
	s7 =	sadd.s32 s4, s7;
	s12 =	spop (v2sf)  }
0x31: {  	[tilespmem:s24], [sflag:$0x1] =	stream.linear.gather [hbm4b:s9+s11], $0x80, $0x38;
	[tilespmem:$0x10600] =	vst v63  }
0x32: {  	s1 =	sand.u32 $0x1FFFFFF0, s29;
	s9 =	sand.u32 $0x1FFFFFF0, s28;
	s14 =	spop (v2sf)  }
0x33: {  	(v2sf) =	vpush v1, $0x6;
	[tilespmem:s26], [sflag:$0x1] =	stream.linear.gather [hbm4b:s7+s11], $0x80, $0x38;
	[tilespmem:$0x10600] =	vst v63  }
0x34: {  	s31 =	sadd.s32 s3, s9;
	s9 =	sadd.s32 s4, s1;
	s7 =	sand.u32 $0x1FFFFFF0, s12  }
0x35: {  	(v2sf) =	vpush v63, $0x6;
	[tilespmem:s30], [sflag:$0x1] =	stream.linear.gather [hbm4b:s31+s11], $0x80, $0x38;
	[tilespmem:$0x10600] =	vst v63  }
0x36: {  	s12 =	simm.s32 $0xA80;
	s7 =	sadd.s32 s3, s7;
	s31 =	simm.s32 $0x8680  }
0x37: {  	(v2sf) =	vpush v1, $0x7;
	[tilespmem:s10], [sflag:$0x1] =	stream.linear.gather [hbm4b:s9+s11], $0x80, $0x38;
	[tilespmem:$0x10600] =	vst v63  }
0x38: {  	s9 =	sand.u32 $0x1FFFFFF0, s14;
	s10 =	simm.s32 $0x8A00;
	s17 =	spop (v2sf)  }
0x39: {  	[tilespmem:s13], [sflag:$0x1] =	stream.linear.gather [hbm4b:s7+s11], $0x80, $0x38;
	[tilespmem:$0x10600] =	vst v63  }
0x3a: {  	s14 =	simm.s32 $0x8700;
	s21 =	sadd.s32 s4, s9;
	s22 =	sand.u32 $0x1FFFFFF0, s17  }
0x3b: {  	(v2sf) =	vpush v63, $0x7;
	[tilespmem:s18], [sflag:$0x1] =	stream.linear.gather [hbm4b:s21+s11], $0x80, $0x38;
	[tilespmem:$0x10600] =	vst v63  }
0x3c: {  	s23 =	spop (v2sf);
	s24 =	sadd.s32 s3, s22;
	s21 =	simm.s32 $0x780  }
0x3d: {  	(v2sf) =	vpush v1, $0x8;
	s6 =	sand.u32 $0x1FFFFFF0, s23;
	s26 =	spop (v2sf);
	s23 =	simm.s32 $0x8780  }
0x3e: {  	(v2sf) =	vpush v63, $0x8;
	[tilespmem:s8], [sflag:$0x1] =	stream.linear.gather [hbm4b:s24+s11], $0x80, $0x38;
	[tilespmem:$0x10600] =	vst v63  }
0x3f: {  	s6 =	sadd.s32 s4, s6;
	s8 =	sand.u32 $0x1FFFFFF0, s26;
	s28 =	spop (v2sf)  }
0x40: {  	(v2sf) =	vpush v1, $0x9;
	s26 =	simm.s32 $0x800;
	s29 =	sadd.s32 s3, s8;
	s30 =	sand.u32 $0x1FFFFFF0, s28  }
0x41: {  	[tilespmem:s25], [sflag:$0x1] =	stream.linear.gather [hbm4b:s6+s11], $0x80, $0x38;
	[tilespmem:$0x10600] =	vst v63  }
0x42: {  	s1 =	spop (v2sf);
	(v2sf) =	vpush v63, $0x9;
	s8 =	simm.s32 $0x700;
	s7 =	sadd.s32 s4, s30  }
0x43: {  	[tilespmem:s5], [sflag:$0x1] =	stream.linear.gather [hbm4b:s29+s11], $0x80, $0x38;
	[tilespmem:$0x10600] =	vst v63  }
0x44: {  	(v2sf) =	vpush v1, $0xA;
	s6 =	sand.u32 $0x1FFFFFF0, s1;
	s9 =	spop (v2sf);
	s30 =	simm.s32 $0x8800  }
0x45: {  	[tilespmem:s31], [sflag:$0x1] =	stream.linear.gather [hbm4b:s7+s11], $0x80, $0x38;
	[tilespmem:$0x10600] =	vst v63  }
0x46: {  	s6 =	sadd.s32 s3, s6;
	s13 =	spop (v2sf);
	(v2sf) =	vpush v63, $0xA;
	s7 =	sand.u32 $0x1FFFFFF0, s9  }
0x47: {  	[tilespmem:s8], [sflag:$0x1] =	stream.linear.gather [hbm4b:s6+s11], $0x80, $0x38;
	[tilespmem:$0x10600] =	vst v63  }
0x48: {  	s1 =	simm.s32 $0x8980;
	s18 =	sand.u32 $0x1FFFFFF0, s13;
	s17 =	sadd.s32 s4, s7  }
0x49: {  	[tilespmem:s14], [sflag:$0x1] =	stream.linear.gather [hbm4b:s17+s11], $0x80, $0x38;
	[tilespmem:$0x10600] =	vst v63  }
0x4a: {  	s7 =	sadd.s32 s3, s18;
	s14 =	simm.s32 $0x8880;
	s22 =	spop (v2sf);
	(v2sf) =	vpush v1, $0xB  }
0x4b: {  	[tilespmem:s21], [sflag:$0x1] =	stream.linear.gather [hbm4b:s7+s11], $0x80, $0x38;
	[tilespmem:$0x10600] =	vst v63  }
0x4c: {  	s6 =	sand.u32 $0x1FFFFFF0, s22;
	s24 =	spop (v2sf);
	s21 =	simm.s32 $0x900  }
0x4d: {  	(v2sf) =	vpush v63, $0xB;
	s6 =	sadd.s32 s4, s6;
	s7 =	sand.u32 $0x1FFFFFF0, s24;
	s25 =	spop (v2sf)  }
0x4e: {  	(v2sf) =	vpush v1, $0xC;
	[tilespmem:s23], [sflag:$0x1] =	stream.linear.gather [hbm4b:s6+s11], $0x80, $0x38;
	[tilespmem:$0x10600] =	vst v63  }
0x4f: {  	s28 =	sadd.s32 s3, s7;
	s29 =	sand.u32 $0x1FFFFFF0, s25;
	s31 =	spop (v2sf)  }
0x50: {  	(v2sf) =	vpush v63, $0xC;
	[tilespmem:s26], [sflag:$0x1] =	stream.linear.gather [hbm4b:s28+s11], $0x80, $0x38;
	[tilespmem:$0x10600] =	vst v63  }
0x51: {  	s7 =	sadd.s32 s4, s29;
	s6 =	sand.u32 $0x1FFFFFF0, s31;
	s9 =	spop (v2sf)  }
0x52: {  	[tilespmem:s30], [sflag:$0x1] =	stream.linear.gather [hbm4b:s7+s11], $0x80, $0x38;
	[tilespmem:$0x10600] =	vst v63  }
0x53: {  	s6 =	sadd.s32 s3, s6;
	s13 =	spop (v2sf);
	s7 =	sand.u32 $0x1FFFFFF0, s9  }
0x54: {  	[tilespmem:s2], [sflag:$0x1] =	stream.linear.gather [hbm4b:s6+s11], $0x80, $0x38;
	[tilespmem:$0x10600] =	vst v63  }
0x55: {  	s18 =	sand.u32 $0x1FFFFFF0, s13;
	s22 =	spop (v2sf);
	s17 =	sadd.s32 s4, s7  }
0x56: {  	[tilespmem:s14], [sflag:$0x1] =	stream.linear.gather [hbm4b:s17+s11], $0x80, $0x38;
	[tilespmem:$0x10600] =	vst v63  }
0x57: {  	s26 =	simm.s32 $0x980;
	s7 =	sadd.s32 s3, s18;
	s23 =	sand.u32 $0x1FFFFFF0, s22  }
0x58: {  	[tilespmem:s21], [sflag:$0x1] =	stream.linear.gather [hbm4b:s7+s11], $0x80, $0x38;
	[tilespmem:$0x10600] =	vst v63  }
0x59: {  	s22 =	simm.s32 $0x8B00;
	s2 =	sadd.s32 s4, s23;
	s24 =	spop (v2sf)  }
0x5a: {  	[tilespmem:s0], [sflag:$0x1] =	stream.linear.gather [hbm4b:s2+s11], $0x80, $0x38;
	[tilespmem:$0x10600] =	vst v63  }
0x5b: {  	s23 =	simm.s32 $0xB00;
	s21 =	simm.s32 $0x8A80;
	(v2sf) =	vpush v1, $0xD;
	s6 =	sand.u32 $0x1FFFFFF0, s24  }
.Ltmp0:
0x5c: {  	s25 =	spop (v2sf);
	(v2sf) =	vpush v63, $0xD;
	s24 =	simm.s32 $0xA00;
	(pc) =	sbr.rel @p2 .LBB2_4-.Ltmp0, $4  }
0x5d: {  	s28 =	sadd.s32 s3, s6;
	s29 =	sand.u32 $0x1FFFFFF0, s25;
	(v2sf) =	vpush v1, $0xE;
	s31 =	spop (v2sf)  }
0x5e: {  	[tilespmem:s26], [sflag:$0x1] =	stream.linear.gather [hbm4b:s28+s11], $0x80, $0x38;
	(v2sf) =	vpush v63, $0xE;
	[tilespmem:$0x10600] =	vst v63  }
0x5f: {  	s30 =	sadd.s32 s4, s29;
	s0 =	sand.u32 $0x1FFFFFF0, s31;
	(v2sf) =	vpush v1, $0xF;
	s2 =	spop (v2sf)  }
0x60: {  	[tilespmem:s1], [sflag:$0x1] =	stream.linear.gather [hbm4b:s30+s11], $0x80, $0x38;
	(v2sf) =	vpush v63, $0xF;
	[tilespmem:$0x10600] =	vst v63  }
.LBB2_3:
0x61: {  	_ =	sdelay $0x4  }
0x62: {  	s0 =	sadd.s32 s3, s0;
	s2 =	sand.u32 $0x1FFFFFF0, s2  }
0x63: {  	[tilespmem:s24], [sflag:$0x1] =	stream.linear.gather [hbm4b:s0+s11], $0x80, $0x38;
	[tilespmem:$0x10600] =	vst v63  }
0x64: {  	s26 =	sadd.s32 s4, s2  }
0x65: {  	[tilespmem:s10], [sflag:$0x1] =	stream.linear.gather [hbm4b:s26+s11], $0x80, $0x38;
	[tilespmem:$0x10600] =	vst v63  }
0x66: {  	s5 =	spop (v2sf)  }
0x67: {  	s28 =	sand.u32 $0x1FFFFFF0, s5;
	s29 =	spop (v2sf)  }
0x68: {  	s30 =	sadd.s32 s3, s28;
	s31 =	sand.u32 $0x1FFFFFF0, s29;
	s1 =	spop (v2sf)  }
0x69: {  	[tilespmem:s12], [sflag:$0x1] =	stream.linear.gather [hbm4b:s30+s11], $0x80, $0x38;
	[tilespmem:$0x10600] =	vst v63  }
0x6a: {  	s2 =	sadd.s32 s4, s31;
	s5 =	sand.u32 $0x1FFFFFF0, s1;
	s6 =	spop (v2sf)  }
0x6b: {  	[tilespmem:s21], [sflag:$0x1] =	stream.linear.gather [hbm4b:s2+s11], $0x80, $0x38;
	[tilespmem:$0x10600] =	vst v63  }
0x6c: {  	s7 =	sadd.s32 s3, s5;
	s8 =	sand.u32 $0x1FFFFFF0, s6;
	s9 =	spop (v2sf)  }
0x6d: {  	[tilespmem:s23], [sflag:$0x1] =	stream.linear.gather [hbm4b:s7+s11], $0x80, $0x38;
	[tilespmem:$0x10600] =	vst v63  }
0x6e: {  	s10 =	sadd.s32 s4, s8;
	s12 =	sand.u32 $0x1FFFFFF0, s9;
	s13 =	spop (v2sf)  }
0x6f: {  	[tilespmem:s22], [sflag:$0x1] =	stream.linear.gather [hbm4b:s10+s11], $0x80, $0x38;
	[tilespmem:$0x10600] =	vst v63  }
0x70: {  	s14 =	sadd.s32 $0xB80, s15;
	s2 =	sadd.s32 s3, s12;
	s5 =	sand.u32 $0x1FFFFFF0, s13  }
0x71: {  	[tilespmem:s14], [sflag:$0x1] =	stream.linear.gather [hbm4b:s2+s11], $0x80, $0x38;
	[tilespmem:$0x10600] =	vst v63  }
0x72: {  	s15 =	sadd.s32 $0x8B80, s15;
	s17 =	sadd.s32 s4, s5  }
0x73: {  	[tilespmem:s15], [sflag:$0x1] =	stream.linear.gather [hbm4b:s17+s11], $0x80, $0x38;
	[tilespmem:$0x10600] =	vst v63  }
0x74: {  	v0 =	vld [tilespmem:s19+$0x0]  }
0x75: {  	v2 =	vld [tilespmem:s20+$0x0];
	_ =	sdelay $0x3  }
0x76: {  	v1 =	vshll.u32 v0, $0x4  }
0x77: {  	s18 =	smov.u32 s16;
	v63 =	vshll.u32 v2, $0x4;
	(v2sf) =	vpush v1, $0x0  }
0x78: {  	p1 =	seq.s32 s16, $0x1E000;
	s16 =	sadd.s32 $0x2000, s16;
	s15 =	sshra.s32 s18, $0x2;
	(v2sf) =	vpush v63, $0x0  }
0x79: {  	s26 =	sadd.s32 $0x8400, s15;
	s10 =	sadd.s32 $0x680, s15;
	s0 =	sadd.s32 $0x880, s15;
	(v2sf) =	vpush v1, $0x1  }
0x7a: {  	s29 =	sadd.s32 $0x400, s15;
	s9 =	sadd.s32 $0x600, s15;
	s21 =	sadd.s32 $0x8900, s15  }
0x7b: {  	s11 =	sadd.s32 $0x580, s15;
	s14 =	sadd.s32 $0x8580, s15;
	s2 =	sadd.s32 $0x8A00, s15;
	(v2sf) =	vpush v63, $0x1  }
0x7c: {  	s25 =	sadd.s32 $0x500, s15;
	s13 =	sadd.s32 $0x8600, s15;
	s1 =	sadd.s32 $0xA80, s15  }
0x7d: {  	s28 =	sadd.s32 $0x8480, s15;
	s17 =	sadd.s32 $0x8500, s15;
	s8 =	sadd.s32 $0x8680, s15;
	(v2sf) =	vpush v1, $0x2  }
0x7e: {  	s7 =	sadd.s32 $0x700, s15;
	s22 =	sadd.s32 $0x8980, s15;
	[dreg:$0x7] =	wrdreg s0  }
0x7f: {  	s6 =	sadd.s32 $0x8700, s15;
	s23 =	sadd.s32 $0x8880, s15;
	[dreg:$0x5] =	wrdreg s21;
	(v2sf) =	vpush v63, $0x2  }
0x80: {  	s24 =	sadd.s32 $0x900, s15;
	s5 =	sadd.s32 $0x780, s15;
	[dreg:$0xb] =	wrdreg s1  }
0x81: {  	s30 =	sadd.s32 $0x8800, s15;
	s12 =	sadd.s32 $0x8780, s15;
	[dreg:$0x6] =	wrdreg s22;
	(v2sf) =	vpush v1, $0x3  }
0x82: {  	s31 =	sadd.s32 $0x800, s15;
	s19 =	sadd.s32 $0x10, s19;
	[dreg:$0x9] =	wrdreg s23  }
0x83: {  	s20 =	sadd.s32 $0x10, s20;
	s18 =	sadd.s32 $0x980, s15;
	[dreg:$0x8] =	wrdreg s24;
	(v2sf) =	vpush v63, $0x3  }
0x84: {  	s0 =	simm.s32 $0x0;
	s21 =	sadd.s32 $0x8A80, s15;
	[dreg:$0xc] =	wrdreg s30  }
0x85: {  	s24 =	sadd.s32 $0xA00, s15;
	s30 =	sadd.s32 $0x480, s15;
	[dreg:$0xd] =	wrdreg s31;
	(v2sf) =	vpush v1, $0x4  }
0x86: {  	s23 =	sadd.s32 $0xB00, s15;
	s22 =	sadd.s32 $0x8B00, s15;
	s31 =	spop (v2sf)  }
0x87: {  	[dreg:$0xa] =	wrdreg s18;
	s31 =	sand.u32 $0x1FFFFFF0, s31;
	s18 =	spop (v2sf);
	(v2sf) =	vpush v63, $0x4  }
0x88: {  	s31 =	sadd.s32 s3, s31;
	s18 =	sand.u32 $0x1FFFFFF0, s18;
	s1 =	spop (v2sf)  }
0x89: {  	(v2sf) =	vpush v1, $0x5;
	[tilespmem:s29], [sflag:$0x1] =	stream.linear.gather [hbm4b:s31+s0], $0x80, $0x38;
	[tilespmem:$0x10600] =	vst v63  }
0x8a: {  	s18 =	sadd.s32 s4, s18;
	s1 =	sand.u32 $0x1FFFFFF0, s1;
	s31 =	spop (v2sf)  }
0x8b: {  	(v2sf) =	vpush v63, $0x5;
	[tilespmem:s26], [sflag:$0x1] =	stream.linear.gather [hbm4b:s18+s0], $0x80, $0x38;
	[tilespmem:$0x10600] =	vst v63  }
0x8c: {  	s1 =	sadd.s32 s3, s1;
	s29 =	sand.u32 $0x1FFFFFF0, s31;
	s31 =	spop (v2sf)  }
0x8d: {  	(v2sf) =	vpush v1, $0x6;
	[tilespmem:s30], [sflag:$0x1] =	stream.linear.gather [hbm4b:s1+s0], $0x80, $0x38;
	[tilespmem:$0x10600] =	vst v63  }
0x8e: {  	s29 =	sadd.s32 s4, s29;
	s30 =	sand.u32 $0x1FFFFFF0, s31;
	s31 =	spop (v2sf)  }
0x8f: {  	(v2sf) =	vpush v63, $0x6;
	[tilespmem:s28], [sflag:$0x1] =	stream.linear.gather [hbm4b:s29+s0], $0x80, $0x38;
	[tilespmem:$0x10600] =	vst v63  }
0x90: {  	s29 =	sadd.s32 s3, s30;
	s30 =	sand.u32 $0x1FFFFFF0, s31;
	s31 =	spop (v2sf)  }
0x91: {  	[tilespmem:s25], [sflag:$0x1] =	stream.linear.gather [hbm4b:s29+s0], $0x80, $0x38;
	[tilespmem:$0x10600] =	vst v63  }
0x92: {  	(v2sf) =	vpush v1, $0x7;
	s26 =	sand.u32 $0x1FFFFFF0, s31;
	s28 =	spop (v2sf);
	s25 =	sadd.s32 s4, s30  }
0x93: {  	(v2sf) =	vpush v63, $0x7;
	[tilespmem:s17], [sflag:$0x1] =	stream.linear.gather [hbm4b:s25+s0], $0x80, $0x38;
	[tilespmem:$0x10600] =	vst v63  }
0x94: {  	s29 =	sadd.s32 s3, s26;
	s30 =	sand.u32 $0x1FFFFFF0, s28;
	s31 =	spop (v2sf)  }
0x95: {  	(v2sf) =	vpush v1, $0x8;
	[tilespmem:s11], [sflag:$0x1] =	stream.linear.gather [hbm4b:s29+s0], $0x80, $0x38;
	[tilespmem:$0x10600] =	vst v63  }
0x96: {  	s26 =	sand.u32 $0x1FFFFFF0, s31;
	s25 =	sadd.s32 s4, s30;
	s28 =	spop (v2sf)  }
0x97: {  	[tilespmem:s14], [sflag:$0x1] =	stream.linear.gather [hbm4b:s25+s0], $0x80, $0x38;
	[tilespmem:$0x10600] =	vst v63  }
0x98: {  	s29 =	sadd.s32 s3, s26;
	s30 =	sand.u32 $0x1FFFFFF0, s28;
	s31 =	spop (v2sf)  }
0x99: {  	(v2sf) =	vpush v63, $0x8;
	[tilespmem:s9], [sflag:$0x1] =	stream.linear.gather [hbm4b:s29+s0], $0x80, $0x38;
	[tilespmem:$0x10600] =	vst v63  }
0x9a: {  	s17 =	sadd.s32 s4, s30;
	s18 =	sand.u32 $0x1FFFFFF0, s31;
	s25 =	spop (v2sf)  }
0x9b: {  	(v2sf) =	vpush v1, $0x9;
	[tilespmem:s13], [sflag:$0x1] =	stream.linear.gather [hbm4b:s17+s0], $0x80, $0x38;
	[tilespmem:$0x10600] =	vst v63  }
0x9c: {  	s11 =	simm.s32 $0x0;
	(v2sf) =	vpush v63, $0x9;
	s26 =	sadd.s32 s3, s18;
	s29 =	spop (v2sf)  }
0x9d: {  	[tilespmem:s10], [sflag:$0x1] =	stream.linear.gather [hbm4b:s26+s0], $0x80, $0x38;
	[tilespmem:$0x10600] =	vst v63  }
0x9e: {  	s28 =	sand.u32 $0x1FFFFFF0, s25;
	s31 =	sand.u32 $0x1FFFFFF0, s29;
	s0 =	spop (v2sf)  }
0x9f: {  	s30 =	sadd.s32 s4, s28;
	s13 =	sadd.s32 s3, s31;
	s14 =	sand.u32 $0x1FFFFFF0, s0  }
0xa0: {  	(v2sf) =	vpush v1, $0xA;
	[tilespmem:s8], [sflag:$0x1] =	stream.linear.gather [hbm4b:s30+s11], $0x80, $0x38;
	[tilespmem:$0x10600] =	vst v63  }
0xa1: {  	s10 =	smov.u32 s2;
	s17 =	spop (v2sf);
	s18 =	sadd.s32 s4, s14  }
0xa2: {  	(v2sf) =	vpush v63, $0xA;
	s25 =	sand.u32 $0x1FFFFFF0, s17;
	s26 =	spop (v2sf);
	s8 =	rddreg [dreg:$0xd]  }
0xa3: {  	[tilespmem:s7], [sflag:$0x1] =	stream.linear.gather [hbm4b:s13+s11], $0x80, $0x38;
	[tilespmem:$0x10600] =	vst v63  }
0xa4: {  	s17 =	rddreg [dreg:$0xc];
	s29 =	sand.u32 $0x1FFFFFF0, s26;
	s30 =	spop (v2sf)  }
0xa5: {  	[tilespmem:s6], [sflag:$0x1] =	stream.linear.gather [hbm4b:s18+s11], $0x80, $0x38;
	[tilespmem:$0x10600] =	vst v63  }
0xa6: {  	(v2sf) =	vpush v1, $0xB;
	s28 =	sadd.s32 s3, s25;
	s31 =	sadd.s32 s4, s29;
	s0 =	sand.u32 $0x1FFFFFF0, s30  }
0xa7: {  	[tilespmem:s5], [sflag:$0x1] =	stream.linear.gather [hbm4b:s28+s11], $0x80, $0x38;
	[tilespmem:$0x10600] =	vst v63  }
0xa8: {  	(v2sf) =	vpush v63, $0xB;
	s2 =	spop (v2sf);
	s5 =	sadd.s32 s3, s0;
	s28 =	rddreg [dreg:$0x7]  }
0xa9: {  	(v2sf) =	vpush v1, $0xC;
	[tilespmem:s12], [sflag:$0x1] =	stream.linear.gather [hbm4b:s31+s11], $0x80, $0x38;
	[tilespmem:$0x10600] =	vst v63  }
0xaa: {  	s6 =	sand.u32 $0x1FFFFFF0, s2;
	s7 =	spop (v2sf);
	s12 =	rddreg [dreg:$0xb]  }
0xab: {  	(v2sf) =	vpush v63, $0xC;
	s9 =	sadd.s32 s4, s6;
	s13 =	sand.u32 $0x1FFFFFF0, s7;
	s14 =	spop (v2sf)  }
0xac: {  	[tilespmem:s8], [sflag:$0x1] =	stream.linear.gather [hbm4b:s5+s11], $0x80, $0x38;
	[tilespmem:$0x10600] =	vst v63  }
0xad: {  	s6 =	rddreg [dreg:$0x9];
	s18 =	sadd.s32 s3, s13;
	s25 =	sand.u32 $0x1FFFFFF0, s14  }
0xae: {  	[tilespmem:s17], [sflag:$0x1] =	stream.linear.gather [hbm4b:s9+s11], $0x80, $0x38;
	[tilespmem:$0x10600] =	vst v63  }
0xaf: {  	s26 =	spop (v2sf);
	s13 =	rddreg [dreg:$0x8];
	s29 =	sadd.s32 s4, s25  }
0xb0: {  	[tilespmem:s28], [sflag:$0x1] =	stream.linear.gather [hbm4b:s18+s11], $0x80, $0x38;
	[tilespmem:$0x10600] =	vst v63  }
0xb1: {  	s30 =	sand.u32 $0x1FFFFFF0, s26;
	s25 =	rddreg [dreg:$0x5];
	s31 =	spop (v2sf)  }
0xb2: {  	[tilespmem:s6], [sflag:$0x1] =	stream.linear.gather [hbm4b:s29+s11], $0x80, $0x38;
	[tilespmem:$0x10600] =	vst v63  }
0xb3: {  	s7 =	sadd.s32 s3, s30;
	s30 =	rddreg [dreg:$0xa];
	s8 =	sand.u32 $0x1FFFFFF0, s31  }
0xb4: {  	[tilespmem:s13], [sflag:$0x1] =	stream.linear.gather [hbm4b:s7+s11], $0x80, $0x38;
	[tilespmem:$0x10600] =	vst v63  }
0xb5: {  	s9 =	spop (v2sf);
	s31 =	rddreg [dreg:$0x6];
	s14 =	sadd.s32 s4, s8  }
0xb6: {  	(v2sf) =	vpush v1, $0xD;
	[tilespmem:s25], [sflag:$0x1] =	stream.linear.gather [hbm4b:s14+s11], $0x80, $0x38;
	[tilespmem:$0x10600] =	vst v63  }
.Ltmp1:
0xb7: {  	(v2sf) =	vpush v63, $0xD;
	s17 =	sand.u32 $0x1FFFFFF0, s9;
	s18 =	spop (v2sf);
	(pc) =	sbr.rel @!p1 .LBB2_3-.Ltmp1, $4  }
0xb8: {  	(v2sf) =	vpush v1, $0xE;
	s26 =	sadd.s32 s3, s17;
	s28 =	sand.u32 $0x1FFFFFF0, s18;
	s29 =	spop (v2sf)  }
0xb9: {  	(v2sf) =	vpush v63, $0xE;
	[tilespmem:s30], [sflag:$0x1] =	stream.linear.gather [hbm4b:s26+s11], $0x80, $0x38;
	[tilespmem:$0x10600] =	vst v63  }
0xba: {  	(v2sf) =	vpush v1, $0xF;
	s1 =	sadd.s32 s4, s28;
	s0 =	sand.u32 $0x1FFFFFF0, s29;
	s2 =	spop (v2sf)  }
0xbb: {  	(v2sf) =	vpush v63, $0xF;
	[tilespmem:s31], [sflag:$0x1] =	stream.linear.gather [hbm4b:s1+s11], $0x80, $0x38;
	[tilespmem:$0x10600] =	vst v63  }
.LBB2_4:
0xbc: {  	_ =	sdelay $0x4  }
0xbd: {  	s0 =	sadd.s32 s3, s0;
	s1 =	sand.u32 $0x1FFFFFF0, s2  }
0xbe: {  	[tilespmem:s24], [sflag:$0x1] =	stream.linear.gather [hbm4b:s0+s11], $0x80, $0x38;
	[tilespmem:$0x10600] =	vst v63  }
0xbf: {  	s7 =	sadd.s32 s4, s1  }
0xc0: {  	[tilespmem:s10], [sflag:$0x1] =	stream.linear.gather [hbm4b:s7+s11], $0x80, $0x38;
	[tilespmem:$0x10600] =	vst v63  }
0xc1: {  	s6 =	spop (v2sf)  }
0xc2: {  	s8 =	sand.u32 $0x1FFFFFF0, s6;
	s9 =	spop (v2sf)  }
0xc3: {  	s13 =	sadd.s32 s3, s8;
	s14 =	sand.u32 $0x1FFFFFF0, s9;
	s16 =	spop (v2sf)  }
0xc4: {  	[tilespmem:s12], [sflag:$0x1] =	stream.linear.gather [hbm4b:s13+s11], $0x80, $0x38;
	[tilespmem:$0x10600] =	vst v63  }
0xc5: {  	s17 =	sadd.s32 s4, s14;
	s18 =	sand.u32 $0x1FFFFFF0, s16;
	s19 =	spop (v2sf)  }
0xc6: {  	[tilespmem:s21], [sflag:$0x1] =	stream.linear.gather [hbm4b:s17+s11], $0x80, $0x38;
	[tilespmem:$0x10600] =	vst v63  }
0xc7: {  	s20 =	sadd.s32 s3, s18;
	s24 =	spop (v2sf);
	s21 =	sand.u32 $0x1FFFFFF0, s19  }
0xc8: {  	[tilespmem:s23], [sflag:$0x1] =	stream.linear.gather [hbm4b:s20+s11], $0x80, $0x38;
	[tilespmem:$0x10600] =	vst v63  }
0xc9: {  	s26 =	sand.u32 $0x1FFFFFF0, s24;
	s28 =	spop (v2sf);
	s25 =	sadd.s32 s4, s21  }
0xca: {  	[tilespmem:s22], [sflag:$0x1] =	stream.linear.gather [hbm4b:s25+s11], $0x80, $0x38;
	[tilespmem:$0x10600] =	vst v63  }
0xcb: {  	s29 =	sadd.s32 $0xB80, s15;
	s1 =	sadd.s32 s3, s26;
	s2 =	sand.u32 $0x1FFFFFF0, s28  }
0xcc: {  	[tilespmem:s29], [sflag:$0x1] =	stream.linear.gather [hbm4b:s1+s11], $0x80, $0x38;
	[tilespmem:$0x10600] =	vst v63  }
0xcd: {  	s30 =	sadd.s32 $0x8B80, s15;
	s31 =	sadd.s32 s4, s2;
	s1 =	simm.s32 $0x1  }
0xce: {  	[tilespmem:s30], [sflag:$0x1] =	stream.linear.gather [hbm4b:s31+s11], $0x80, $0x38;
	[tilespmem:$0x10600] =	vst v63  }
0xcf: {  	_ =	swait.ge [sflag:s1], $0x80  }
0xd0: {  	[sflag:s1] =	ssyncset.done $0x0  }
0xd1: {  	[sflag:s1] =	ssyncadd.s32 $0xFFFFFF80  }
0xd2: {  	_ =	swait.ge [sflag:s1], $0x80  }
0xd3: {  	s0 =	simm.s32 $0xFF;
	[sflag:s1] =	ssyncset.done $0x0  }
.LBB2_5:
0xd4: {  	p1 =	seq.s32 s0, $0x1;
	s0 =	sadd.s32 $0xFFFFFFFF, s0;
	[sflag:s1] =	ssyncadd.s32 $0xFFFFFF80  }
.Ltmp2:
0xd5: {  	_ =	swait.ge [sflag:s1], $0x80;
	(pc) =	sbr.rel @!p1 .LBB2_5-.Ltmp2, $4  }
0xd6: {  	[sflag:s1] =	ssyncset.done $0x0  }
0xd7: {  	[sflag:s1] =	ssyncadd.s32 $0xFFFFFF80  }
0xd8: {  	_ =	swait.ge [sflag:s1], $0x80  }
0xd9: {  	[sflag:s1] =	ssyncset.done $0x0  }
0xda: {  	[sflag:s1] =	ssyncadd.s32 $0xFFFFFF80;
	s17 =	simm.s32 $0x800  }
0xdb: {  	s16 =	simm.s32 $0x8800;
	v19 =	vld [tilespmem:s17+$0x380]  }
0xdc: {  	v0 =	vld [tilespmem:s16+$0x380]  }
0xdd: {  	v55 =	vld [tilespmem:s17+$0x390]  }
0xde: {  	v56 =	vld [tilespmem:s16+$0x390]  }
0xdf: {  	v1 =	vld [tilespmem:s17+$0x300]  }
0xe0: {  	v2 =	vld [tilespmem:s16+$0x300]  }
0xe1: {  	v3 =	vld [tilespmem:s17+$0x310]  }
0xe2: {  	v5 =	vld [tilespmem:s16+$0x310]  }
0xe3: {  	v4 =	vld [tilespmem:s17+$0x320]  }
0xe4: {  	v6 =	vld [tilespmem:s16+$0x320]  }
0xe5: {  	v7 =	vld [tilespmem:s17+$0x330]  }
0xe6: {  	v10 =	vld [tilespmem:s16+$0x330]  }
0xe7: {  	v57 =	vld [tilespmem:s17+$0x280]  }
0xe8: {  	v58 =	vld [tilespmem:s16+$0x280]  }
0xe9: {  	v59 =	vld [tilespmem:s17+$0x290]  }
0xea: {  	v60 =	vld [tilespmem:s16+$0x290]  }
0xeb: {  	v61 =	vld [tilespmem:s17+$0x2A0]  }
0xec: {  	v41 =	vld [tilespmem:s17+$0x200]  }
0xed: {  	v32 =	vld [tilespmem:s16+$0x200]  }
0xee: {  	v34 =	vld [tilespmem:s17+$0x210]  }
0xef: {  	v35 =	vld [tilespmem:s16+$0x210]  }
0xf0: {  	v42 =	vld [tilespmem:s17+$0x220]  }
0xf1: {  	v37 =	vld [tilespmem:s16+$0x220]  }
0xf2: {  	v30 =	vld [tilespmem:s17+$0x230]  }
0xf3: {  	v28 =	vld [tilespmem:s16+$0x230]  }
0xf4: {  	v62 =	vld [tilespmem:s17+$0x180]  }
0xf5: {  	v63 =	vld [tilespmem:s16+$0x180]  }
0xf6: {  	v31 =	vld [tilespmem:s17+$0x190]  }
0xf7: {  	v29 =	vld [tilespmem:s16+$0x190]  }
0xf8: {  	v8 =	vld [tilespmem:s17+$0x1A0]  }
0xf9: {  	v47 =	vld [tilespmem:s16+$0x1B0]  }
0xfa: {  	v9 =	vld [tilespmem:s17+$0x100]  }
0xfb: {  	v11 =	vld [tilespmem:s16+$0x100]  }
0xfc: {  	v33 =	vld [tilespmem:s17+$0x110]  }
0xfd: {  	v36 =	vld [tilespmem:s16+$0x110]  }
0xfe: {  	v38 =	vld [tilespmem:s17+$0x120]  }
0xff: {  	v48 =	vld [tilespmem:s17+$0x80]  }
0x100: {  	v49 =	vld [tilespmem:s16+$0x80]  }
0x101: {  	v50 =	vld [tilespmem:s17+$0x90]  }
0x102: {  	v51 =	vld [tilespmem:s16+$0x90]  }
0x103: {  	v52 =	vld [tilespmem:s17+$0xA0]  }
0x104: {  	v53 =	vld [tilespmem:s16+$0xA0]  }
0x105: {  	v54 =	vld [tilespmem:s17+$0xB0]  }
0x106: {  	v12 =	vld [tilespmem:s17+$0x10]  }
0x107: {  	v39 =	vld [tilespmem:s16+$0x10]  }
0x108: {  	v24 =	vld [tilespmem:s16+$0x20]  }
0x109: {  	v40 =	vld [tilespmem:s17+$0x30]  }
0x10a: {  	v43 =	vld [tilespmem:s16+$0x30]  }
0x10b: {  	v17 =	vld [tilespmem:s17+$0xFFFFFF80]  }
0x10c: {  	v18 =	vld [tilespmem:s16+$0xFFFFFF80]  }
0x10d: {  	v14 =	vld [tilespmem:s17+$0xFFFFFF90]  }
0x10e: {  	v16 =	vld [tilespmem:s16+$0xFFFFFF90]  }
0x10f: {  	v15 =	vld [tilespmem:s17+$0xFFFFFFA0]  }
0x110: {  	v44 =	vld [tilespmem:s17+$0xFFFFFF00]  }
0x111: {  	v45 =	vld [tilespmem:s17+$0xFFFFFF20]  }
0x112: {  	v46 =	vld [tilespmem:s16+$0xFFFFFF20]  }
0x113: {  	v13 =	vld [tilespmem:s17+$0xFFFFFE00]  }
0x114: {  	v23 =	vld [tilespmem:s16+$0xFFFFFE00]  }
0x115: {  	v21 =	vld [tilespmem:s17+$0xFFFFFE10]  }
0x116: {  	v22 =	vld [tilespmem:s16+$0xFFFFFE10]  }
0x117: {  	v20 =	vld [tilespmem:s17+$0xFFFFFE20]  }
0x118: {  	[tilespmem:$0x1FE90] =	vst v61;
	v61 =	vld [tilespmem:s16+$0x1A0]  }
0x119: {  	[tilespmem:$0x1FEF0] =	vst v62;
	v62 =	vld [tilespmem:s17+$0x1B0]  }
0x11a: {  	[tilespmem:$0x1FE30] =	vst v55;
	v55 =	vld [tilespmem:s16+$0xB0]  }
0x11b: {  	[tilespmem:$0x1FF10] =	vst v8;
	v8 =	vld [tilespmem:s17+$0x0]  }
0x11c: {  	[tilespmem:$0x1FEB0] =	vst v11;
	v11 =	vld [tilespmem:s16+$0x0]  }
0x11d: {  	[tilespmem:$0x1FEA0] =	vst v9;
	v9 =	vld [tilespmem:s17+$0x20]  }
0x11e: {  	[tilespmem:$0x1FF00] =	vst v63;
	v63 =	vld [tilespmem:s16+$0xFFFFFF00]  }
0x11f: {  	[tilespmem:$0x1FE80] =	vst v60;
	v60 =	vld [tilespmem:s17+$0xFFFFFF10]  }
0x120: {  	[tilespmem:$0x1FEC0] =	vst v33;
	v33 =	vld [tilespmem:s16+$0xFFFFFF10]  }
0x121: {  	[tilespmem:$0x1FE40] =	vst v56;
	v56 =	vld [tilespmem:s17+$0xFFFFFF30]  }
0x122: {  	[tilespmem:$0x1FE50] =	vst v57;
	v57 =	vld [tilespmem:s16+$0xFFFFFF30]  }
0x123: {  	[tilespmem:$0x1FE60] =	vst v58;
	v58 =	vld [tilespmem:s17+$0xFFFFFE80]  }
0x124: {  	[tilespmem:$0x1FE70] =	vst v59;
	v59 =	vld [tilespmem:s16+$0xFFFFFE80]  }
0x125: {  	[tilespmem:$0x1FED0] =	vst v36;
	v36 =	vld [tilespmem:s17+$0xFFFFFE90]  }
0x126: {  	[tilespmem:$0x1FEE0] =	vst v38;
	v38 =	vld [tilespmem:s17+$0xFFFFFEA0]  }
0x127: {  	[tilespmem:$0x1FF20] =	vst v39;
	v39 =	vld [tilespmem:s16+$0xFFFFFEA0]  }
0x128: {  	[tilespmem:$0x1FF30] =	vst v40;
	v40 =	vld [tilespmem:s17+$0xFFFFFEB0]  }
0x129: {  	[tilespmem:$0x1FF50] =	vst v44;
	v44 =	vld [tilespmem:s17+$0xFFFFFD90]  }
0x12a: {  	[tilespmem:$0x1FF60] =	vst v45;
	v45 =	vld [tilespmem:s17+$0xFFFFFDB0]  }
0x12b: {  	[tilespmem:$0x1FF40] =	vst v43;
	v43 =	vmul.f32 v5, v3;
	v3 =	vld [tilespmem:s17+$0xFFFFFD00]  }
0x12c: {  	[tilespmem:$0x1FF70] =	vst v46;
	v46 =	vld [tilespmem:s16+$0xFFFFFD00]  }
0x12d: {  	v27 =	vmul.f32 v6, v4;
	v6 =	vmul.f32 v49, v48;
	v48 =	vld [tilespmem:s17+$0xFFFFFD30]  }
0x12e: {  	v49 =	vld [tilespmem:s16+$0xFFFFFD30]  }
0x12f: {  	v26 =	vmul.f32 v10, v7;
	v10 =	vmul.f32 v35, v34;
	v34 =	vld [tilespmem:s17+$0xFFFFFC30]  }
0x130: {  	v35 =	vld [tilespmem:s17+$0xFFFFFC80]  }
0x131: {  	v4 =	vld [tilespmem:$0x1FF00]  }
0x132: {  	v25 =	vmul.f32 v2, v1;
	v5 =	vld [tilespmem:$0x1FF10]  }
0x133: {  	v7 =	vmul.f32 v51, v50;
	v50 =	vld [tilespmem:$0x1FF20]  }
0x134: {  	[tilespmem:$0x1FE20] =	vst v0;
	v0 =	vadd.f32 v43, v25;
	v43 =	vld [tilespmem:s17+$0xFFFFFD10]  }
0x135: {  	v25 =	vmul.f32 v32, v41;
	v41 =	vld [tilespmem:s16+$0xFFFFFD10]  }
0x136: {  	v28 =	vmul.f32 v28, v30;
	v26 =	vadd.f32 v26, v27;
	v27 =	vmul.f32 v37, v42;
	v42 =	vld [tilespmem:$0x1FEF0]  }
0x137: {  	v32 =	vld [tilespmem:s17+$0xFFFFFC20]  }
0x138: {  	v27 =	vadd.f32 v28, v27;
	v28 =	vld [tilespmem:s16+$0xFFFFFC00]  }
0x139: {  	[tilespmem:$0x1FFC0] =	vst v36;
	v36 =	vld [tilespmem:s16+$0xFFFFFE90]  }
0x13a: {  	[tilespmem:$0x1FFB0] =	vst v59;
	v59 =	vld [tilespmem:s16+$0xFFFFFEB0]  }
0x13b: {  	[tilespmem:$0x1FF80] =	vst v56;
	v56 =	vld [tilespmem:s17+$0xFFFFFD80]  }
0x13c: {  	[tilespmem:$0x1FFE0] =	vst v39;
	v39 =	vld [tilespmem:s16+$0xFFFFFD80]  }
0x13d: {  	[tilespmem:$0x1FFD0] =	vst v38;
	v38 =	vld [tilespmem:s16+$0xFFFFFD90]  }
0x13e: {  	[tilespmem:$0x1FFA0] =	vst v58;
	v58 =	vld [tilespmem:s17+$0xFFFFFDA0]  }
0x13f: {  	[tilespmem:$0x1FF90] =	vst v57;
	v57 =	vld [tilespmem:s16+$0xFFFFFDA0]  }
0x140: {  	[tilespmem:$0x1FFF0] =	vst v40;
	v40 =	vld [tilespmem:s16+$0xFFFFFDB0]  }
0x141: {  	v29 =	vmul.f32 v29, v31;
	v31 =	vmul.f32 v47, v62;
	v47 =	vld [tilespmem:s16+$0xFFFFFD20]  }
0x142: {  	v62 =	vld [tilespmem:$0x1FF60]  }
0x143: {  	v25 =	vadd.f32 v10, v25;
	v0 =	vadd.f32 v26, v0;
	v26 =	vmul.f32 v61, v5;
	v61 =	vld [tilespmem:$0x1FF50]  }
0x144: {  	v5 =	vld [tilespmem:$0x1FF80];
	v30 =	vmul.f32 v4, v42  }
0x145: {  	v25 =	vadd.f32 v27, v25;
	v27 =	vadd.f32 v7, v6;
	v6 =	vld [tilespmem:$0x1FF90]  }
0x146: {  	v30 =	vadd.f32 v29, v30;
	v29 =	vmul.f32 v53, v52;
	v52 =	vld [tilespmem:$0x1FF30]  }
0x147: {  	v53 =	vld [tilespmem:$0x1FF40]  }
0x148: {  	v10 =	vmul.f32 v55, v54;
	v51 =	vmul.f32 v24, v9;
	v9 =	vld [tilespmem:$0x1FFB0]  }
0x149: {  	v42 =	vld [tilespmem:s17+$0xFFFFFD20];
	v26 =	vadd.f32 v31, v26  }
0x14a: {  	(xrf2) =	vadd.scan.msk.f32 $0xffff, v0;
	v43 =	vmul.f32 v41, v43;
	v41 =	vld [tilespmem:s16+$0xFFFFFCA0];
	v31 =	vadd.f32 v10, v29  }
0x14b: {  	(xrf2) =	vadd.scan.msk.f32 $0xffff, v25;
	v25 =	vmul.f32 v11, v8;
	v8 =	vld [tilespmem:$0x1FFA0];
	v37 =	vadd.f32 v26, v30;
	v26 =	vmul.f32 v50, v12  }
0x14c: {  	v10 =	vld [tilespmem:$0x1FFC0];
	v27 =	vadd.f32 v31, v27;
	v54 =	vmul.f32 v53, v52  }
0x14d: {  	(xrf2) =	vadd.scan.msk.f32 $0xffff, v37;
	v55 =	vadd.f32 v26, v25;
	v25 =	vmul.f32 v63, v61;
	v63 =	vld [tilespmem:$0x1FF70]  }
0x14e: {  	v53 =	vld [tilespmem:$0x1FFD0];
	(xrf2) =	vadd.scan.msk.f32 $0xffff, v27;
	v27 =	vadd.f32 v54, v51  }
0x14f: {  	v54 =	vld [tilespmem:$0x1FFE0]  }
0x150: {  	v27 =	vadd.f32 v27, v55;
	v55 =	vld [tilespmem:$0x1FFF0]  }
0x151: {  	v44 =	vmul.f32 v38, v44;
	v38 =	vld [tilespmem:s17+$0xFFFFFC90];
	v26 =	vmul.f32 v33, v60  }
0x152: {  	v45 =	vmul.f32 v40, v45;
	v40 =	vld [tilespmem:s17+$0xFFFFFCA0]  }
0x153: {  	v29 =	vld [tilespmem:s17+$0xFFFFFC00];
	v7 =	vmul.f32 v6, v5;
	v25 =	vadd.f32 v26, v25;
	v26 =	vmul.f32 v9, v8  }
0x154: {  	v30 =	vld [tilespmem:s17+$0xFFFFFC10];
	v11 =	vmul.f32 v36, v10;
	v4 =	vmul.f32 v63, v62  }
0x155: {  	v31 =	vld [tilespmem:s16+$0xFFFFFC10];
	v0 =	vmul.f32 v54, v53;
	v59 =	vmul.f32 v59, v55  }
0x156: {  	v33 =	vld [tilespmem:s16+$0xFFFFFC20];
	v60 =	vmul.f32 v39, v56;
	v26 =	vadd.f32 v11, v26;
	v50 =	vadd.f32 v7, v4  }
0x157: {  	v37 =	vld [tilespmem:s16+$0xFFFFFC80];
	v61 =	vmul.f32 v57, v58;
	v54, _, _ =	vpop (xrf2);
	(xrf2) =	vadd.scan.msk.f32 $0xffff, v27;
	v27 =	vmul.f32 v46, v3;
	v52 =	vadd.f32 v59, v0  }
0x158: {  	v39 =	vld [tilespmem:s16+$0xFFFFFC90];
	v44 =	vadd.f32 v44, v60;
	v50 =	vadd.f32 v50, v25  }
0x159: {  	v36 =	vld [tilespmem:s16+$0xFFFFFC30];
	v63 =	vadd.f32 v45, v61;
	v25, _, _ =	vpop (xrf2);
	v62 =	vadd.f32 v52, v26  }
0x15a: {  	s0 =	rddreg [dreg:$0x13];
	v46 =	vmul.f32 v47, v42;
	v42 =	vld [tilespmem:s17+$0xFFFFFCB0];
	(xrf2) =	vadd.scan.msk.f32 $0xffff, v50;
	v26, _, _ =	vpop (xrf2)  }
0x15b: {  	s15 =	simm.s32 $0x0;
	s18 =	simm.s32 $0x10;
	s14 =	sadd.s32 $0x10400, s0;
	v44 =	vadd.f32 v63, v44;
	v47 =	vmul.f32 v49, v48;
	v45 =	vadd.f32 v43, v27;
	v43 =	vld [tilespmem:s16+$0xFFFFFCB0];
	v27, _, _ =	vpop (xrf2);
	(xrf2) =	vadd.scan.msk.f32 $0xffff, v62  }
.LBB2_7:
0x15c: {  	v5 =	vld [tilespmem:s17+$0xFFFFFE30]  }
0x15d: {  	v8 =	vld [tilespmem:s16+$0xFFFFFFA0]  }
0x15e: {  	v11 =	vld [tilespmem:s17+$0xFFFFFFB0]  }
0x15f: {  	v24 =	vld [tilespmem:s16+$0xFFFFFFB0]  }
0x160: {  	v21 =	vmul.f32 v22, v21;
	v22 =	vld [tilespmem:s16+$0x120]  }
0x161: {  	v1 =	vld [tilespmem:$0x1FEB0]  }
0x162: {  	v48 =	vld [tilespmem:$0x1FEC0]  }
0x163: {  	v49 =	vld [tilespmem:$0x1FED0]  }
0x164: {  	v50 =	vld [tilespmem:$0x1FEE0]  }
0x165: {  	v51 =	vld [tilespmem:$0x1FE50]  }
0x166: {  	v52 =	vld [tilespmem:$0x1FE60]  }
0x167: {  	v55 =	vld [tilespmem:$0x1FE70]  }
0x168: {  	v56 =	vld [tilespmem:$0x1FE80]  }
0x169: {  	v57 =	vld [tilespmem:$0x1FE90];
	v28 =	vmul.f32 v28, v29;
	v29 =	vmul.f32 v31, v30;
	v30 =	vadd.f32 v47, v46  }
0x16a: {  	v31 =	vld [tilespmem:s16+$0xFFFFFE20];
	v32 =	vmul.f32 v33, v32  }
0x16b: {  	v4 =	vmul.f32 v36, v34;
	v6 =	vmul.f32 v37, v35;
	v0 =	vadd.f32 v30, v45;
	v30 =	vld [tilespmem:s16+$0xFFFFFE30]  }
0x16c: {  	v60 =	vld [tilespmem:$0x1FE20];
	(xrf2) =	vadd.scan.msk.f32 $0xffff, v44;
	v7 =	vmul.f32 v39, v38;
	v9 =	vmul.f32 v41, v40  }
0x16d: {  	v61 =	vld [tilespmem:$0x1FE30];
	v10 =	vmul.f32 v43, v42;
	v28 =	vadd.f32 v29, v28;
	v32 =	vadd.f32 v4, v32  }
0x16e: {  	v17 =	vmul.f32 v18, v17;
	v18 =	vld [tilespmem:s16+$0x130];
	v43 =	vadd.f32 v7, v6  }
0x16f: {  	v23 =	vmul.f32 v23, v13;
	v46 =	vld [tilespmem:$0x1FEA0];
	v44 =	vadd.f32 v10, v9;
	v36, _, _ =	vpop (xrf2);
	(xrf2) =	vadd.scan.msk.f32 $0xffff, v0;
	v28 =	vadd.f32 v32, v28  }
0x170: {  	v20 =	vmul.f32 v31, v20;
	v31 =	vld [tilespmem:s17+$0x130];
	v30 =	vmul.f32 v30, v5  }
0x171: {  	v62 =	vld [tilespmem:$0x1FE40];
	v14 =	vmul.f32 v16, v14;
	v15 =	vmul.f32 v8, v15;
	v29, _, _ =	vpop (xrf2);
	(xrf2) =	vadd.scan.msk.f32 $0xffff, v28;
	v28 =	vadd.f32 v44, v43  }
0x172: {  	v16 =	vld [tilespmem:s16+$0x2A0];
	v2 =	vadd.f32 v21, v23;
	v23 =	vmul.f32 v24, v11;
	v20 =	vadd.f32 v30, v20  }
0x173: {  	v13 =	vld [tilespmem:s16+$0x2B0];
	v14 =	vadd.f32 v14, v17;
	v9 =	vmul.f32 v49, v48;
	v45, _, _ =	vpop (xrf2);
	(xrf2) =	vadd.scan.msk.f32 $0xffff, v28  }
0x174: {  	v24 =	vld [tilespmem:s17+$0x2B0];
	v10 =	vmul.f32 v22, v50;
	v47 =	vadd.f32 v23, v15;
	v20 =	vadd.f32 v20, v2  }
0x175: {  	v8 =	vld [tilespmem:s17+$0x3B0];
	v12 =	vmul.f32 v1, v46;
	v17 =	vmul.f32 v18, v31  }
0x176: {  	v11 =	vld [tilespmem:s17+$0x3A0];
	v14 =	vadd.f32 v47, v14;
	v21, _, _ =	vpop (xrf2);
	(xrf2) =	vadd.scan.msk.f32 $0xffff, v20  }
0x177: {  	v6 =	vld [tilespmem:s16+$0x3B0];
	v9 =	vadd.f32 v9, v12;
	v53 =	vadd.f32 v17, v10  }
0x178: {  	v7 =	vmul.f32 v52, v51;
	v4 =	vmul.f32 v56, v55;
	v18 =	vld [tilespmem:s16+$0x3A0]  }
0x179: {  	v5 =	vmul.f32 v16, v57;
	v12 =	vmul.f32 v13, v24;
	v15, _, _ =	vpop (xrf2);
	(xrf2) =	vadd.scan.msk.f32 $0xffff, v14;
	v9 =	vadd.f32 v53, v9;
	_ =	sdelay $0x1  }
0x17a: {  	v4 =	vadd.f32 v4, v7;
	v59 =	vadd.f32 v12, v5  }
0x17b: {  	v0 =	vmul.f32 v60, v19;
	v1 =	vmul.f32 v62, v61;
	v58, _, _ =	vpop (xrf2);
	(xrf2) =	vadd.scan.msk.f32 $0xffff, v9  }
0x17c: {  	v8 =	vmul.f32 v6, v8;
	v63 =	vadd.f32 v59, v4;
	v3 =	vmul.f32 v18, v11;
	v9, _, _ =	vpop (xrf2)  }
0x17d: {  	v11 =	vbroadcast v58, $0xF;
	v5 =	vbroadcast v9, $0xF  }
0x17e: {  	v0 =	vadd.f32 v1, v0;
	v33 =	vbroadcast v15, $0xF;
	v34 =	vadd.f32 v8, v3;
	(xrf2) =	vadd.scan.msk.f32 $0xffff, v63  }
0x17f: {  	v37 =	vbroadcast v21, $0xF;
	v35 =	vsel vm0, v11, v5;
	v38, _, _ =	vpop (xrf2)  }
0x180: {  	v0 =	vadd.f32 v34, v0;
	v2 =	vsel vm1, v35, v33;
	v39 =	vbroadcast v38, $0xF  }
0x181: {  	v41 =	vbroadcast v45, $0xF;
	v40 =	vsel vm2, v2, v37  }
0x182: {  	v42 =	vbroadcast v29, $0xF;
	v43, _, _ =	vpop (xrf2);
	(xrf2) =	vadd.scan.msk.f32 $0xffff, v0;
	v1 =	vsel vm3, v40, v39  }
0x183: {  	v45 =	vbroadcast v43, $0xF;
	v44 =	vsel vm4, v1, v41  }
0x184: {  	v46 =	vbroadcast v36, $0xF;
	v0 =	vsel vm5, v44, v42  }
0x185: {  	v47 =	vbroadcast v27, $0xF;
	v48, _, _ =	vpop (xrf2);
	v0 =	vsel vm6, v0, v45  }
0x186: {  	v49 =	vbroadcast v48, $0xF;
	v0 =	vsel vm7, v0, v46  }
0x187: {  	v50 =	vbroadcast v26, $0xF;
	v0 =	vsel vm8, v0, v47  }
0x188: {  	v51 =	vbroadcast v25, $0xF;
	v52, _, _ =	vpop (xrf2);
	v0 =	vsel vm9, v0, v49  }
0x189: {  	v3 =	vbroadcast v52, $0xF;
	v0 =	vsel vm10, v0, v50  }
0x18a: {  	v53 =	vbroadcast v54, $0xF;
	v0 =	vsel vm11, v0, v51  }
0x18b: {  	s0 =	sand.u32 $0x80, s15;
	v0 =	vsel vm12, v0, v3  }
0x18c: {  	s1 =	sand.u32 $0x70, s15;
	s0 =	sadd.s32 s0, s14;
	v54, _, _ =	vpop (xrf2);
	v0 =	vsel vm13, v0, v53  }
0x18d: {  	s0 =	sadd.s32 s1, s0;
	v0 =	vsel vm14, v0, v54  }
0x18e: {  	s17 =	sadd.s32 $0x800, s17;
	[tilespmem:s0+$0x0] =	vst v0  }
0x18f: {  	s16 =	sadd.s32 $0x800, s16;
	v0 =	vld [tilespmem:s17+$0x380]  }
0x190: {  	v55 =	vld [tilespmem:s16+$0x380]  }
0x191: {  	v56 =	vld [tilespmem:s17+$0x390]  }
0x192: {  	v57 =	vld [tilespmem:s16+$0x390]  }
0x193: {  	v58 =	vld [tilespmem:s17+$0x300]  }
0x194: {  	v59 =	vld [tilespmem:s16+$0x300]  }
0x195: {  	v60 =	vld [tilespmem:s17+$0x310]  }
0x196: {  	v22 =	vld [tilespmem:s16+$0x310]  }
0x197: {  	v27 =	vld [tilespmem:s17+$0x320]  }
0x198: {  	v23 =	vld [tilespmem:s16+$0x320]  }
0x199: {  	v24 =	vld [tilespmem:s17+$0x330]  }
0x19a: {  	v28 =	vld [tilespmem:s16+$0x330]  }
0x19b: {  	v61 =	vld [tilespmem:s17+$0x280]  }
0x19c: {  	v62 =	vld [tilespmem:s16+$0x280]  }
0x19d: {  	v63 =	vld [tilespmem:s17+$0x290]  }
0x19e: {  	v4 =	vld [tilespmem:s16+$0x290]  }
0x19f: {  	v5 =	vld [tilespmem:s17+$0x2A0]  }
0x1a0: {  	v6 =	vld [tilespmem:s17+$0x200]  }
0x1a1: {  	v35 =	vld [tilespmem:s17+$0x210]  }
0x1a2: {  	v29 =	vld [tilespmem:s16+$0x210]  }
0x1a3: {  	v36 =	vld [tilespmem:s17+$0x220]  }
0x1a4: {  	v30 =	vld [tilespmem:s16+$0x220]  }
0x1a5: {  	v42 =	vld [tilespmem:s17+$0x230]  }
0x1a6: {  	v45 =	vld [tilespmem:s16+$0x230]  }
0x1a7: {  	v7 =	vld [tilespmem:s17+$0x180]  }
0x1a8: {  	v37 =	vld [tilespmem:s16+$0x180]  }
0x1a9: {  	v31 =	vld [tilespmem:s17+$0x190]  }
0x1aa: {  	v43 =	vld [tilespmem:s16+$0x190]  }
0x1ab: {  	v34 =	vld [tilespmem:s17+$0x1A0]  }
0x1ac: {  	v44 =	vld [tilespmem:s16+$0x1A0]  }
0x1ad: {  	v32 =	vld [tilespmem:s17+$0x1B0]  }
0x1ae: {  	v47 =	vld [tilespmem:s16+$0x1B0]  }
0x1af: {  	v8 =	vld [tilespmem:s17+$0x100]  }
0x1b0: {  	v9 =	vld [tilespmem:s16+$0x100]  }
0x1b1: {  	v10 =	vld [tilespmem:s17+$0x110]  }
0x1b2: {  	v11 =	vld [tilespmem:s16+$0x110]  }
0x1b3: {  	v33 =	vld [tilespmem:s17+$0x120]  }
0x1b4: {  	v48 =	vld [tilespmem:s17+$0x80]  }
0x1b5: {  	v50 =	vld [tilespmem:s16+$0x80]  }
0x1b6: {  	v51 =	vld [tilespmem:s17+$0x90]  }
0x1b7: {  	v54 =	vld [tilespmem:s16+$0x90]  }
0x1b8: {  	v52 =	vld [tilespmem:s17+$0xA0]  }
0x1b9: {  	v49 =	vld [tilespmem:s17+$0x0]  }
0x1ba: {  	v53 =	vld [tilespmem:s16+$0x0]  }
0x1bb: {  	v38 =	vld [tilespmem:s17+$0xFFFFFF80]  }
0x1bc: {  	v39 =	vld [tilespmem:s16+$0xFFFFFF80]  }
0x1bd: {  	v40 =	vld [tilespmem:s17+$0xFFFFFF90]  }
0x1be: {  	v41 =	vld [tilespmem:s16+$0xFFFFFF90]  }
0x1bf: {  	v46 =	vld [tilespmem:s17+$0xFFFFFFA0]  }
0x1c0: {  	v1 =	vld [tilespmem:s16+$0xFFFFFF00]  }
0x1c1: {  	v2 =	vld [tilespmem:s17+$0xFFFFFF10]  }
0x1c2: {  	v3 =	vld [tilespmem:s16+$0xFFFFFF10]  }
0x1c3: {  	v12 =	vld [tilespmem:s17+$0xFFFFFEA0]  }
0x1c4: {  	v14 =	vld [tilespmem:s17+$0xFFFFFEB0]  }
0x1c5: {  	v15 =	vld [tilespmem:s16+$0xFFFFFEB0]  }
0x1c6: {  	v13 =	vld [tilespmem:s17+$0xFFFFFE00]  }
0x1c7: {  	v16 =	vld [tilespmem:s17+$0xFFFFFD80]  }
0x1c8: {  	v17 =	vld [tilespmem:s16+$0xFFFFFD80]  }
0x1c9: {  	v18 =	vld [tilespmem:s17+$0xFFFFFD90]  }
0x1ca: {  	v20 =	vld [tilespmem:s16+$0xFFFFFD90]  }
0x1cb: {  	v19 =	vld [tilespmem:s17+$0xFFFFFDA0]  }
0x1cc: {  	v21 =	vld [tilespmem:s16+$0xFFFFFDA0]  }
0x1cd: {  	[tilespmem:$0x1FE10] =	vst v0;
	v0 =	vld [tilespmem:s16+$0x200]  }
0x1ce: {  	[tilespmem:$0x1FE20] =	vst v55;
	v55 =	vld [tilespmem:s16+$0xA0]  }
0x1cf: {  	[tilespmem:$0x1FE30] =	vst v56;
	v56 =	vld [tilespmem:s17+$0xB0]  }
0x1d0: {  	[tilespmem:$0x1FE40] =	vst v57;
	v57 =	vld [tilespmem:s16+$0xB0]  }
0x1d1: {  	[tilespmem:$0x1FD70] =	vst v58;
	v58 =	vld [tilespmem:s17+$0x10]  }
0x1d2: {  	[tilespmem:$0x1FD80] =	vst v59;
	v59 =	vld [tilespmem:s16+$0x10]  }
0x1d3: {  	[tilespmem:$0x1FD90] =	vst v60;
	v60 =	vld [tilespmem:s17+$0x20]  }
0x1d4: {  	[tilespmem:$0x1FE50] =	vst v61;
	v61 =	vld [tilespmem:s16+$0x20]  }
0x1d5: {  	[tilespmem:$0x1FE60] =	vst v62;
	v62 =	vld [tilespmem:s17+$0x30]  }
0x1d6: {  	[tilespmem:$0x1FE70] =	vst v63;
	v63 =	vld [tilespmem:s16+$0x30]  }
0x1d7: {  	[tilespmem:$0x1FEE0] =	vst v33;
	v33 =	vld [tilespmem:s17+$0xFFFFFF00]  }
0x1d8: {  	[tilespmem:$0x1FE80] =	vst v4;
	v4 =	vld [tilespmem:s17+$0xFFFFFF20]  }
0x1d9: {  	[tilespmem:$0x1FE90] =	vst v5;
	v5 =	vld [tilespmem:s16+$0xFFFFFF20]  }
0x1da: {  	[tilespmem:$0x1FDA0] =	vst v6;
	v6 =	vld [tilespmem:s17+$0xFFFFFF30]  }
0x1db: {  	[tilespmem:$0x1FDB0] =	vst v7;
	v7 =	vld [tilespmem:s16+$0xFFFFFF30]  }
0x1dc: {  	[tilespmem:$0x1FE00] =	vst v39;
	v39 =	vld [tilespmem:s17+$0xFFFFFE80]  }
0x1dd: {  	[tilespmem:$0x1FDE0] =	vst v38;
	v38 =	vld [tilespmem:s16+$0xFFFFFE80]  }
0x1de: {  	v25 =	vld [tilespmem:$0x1FD70]  }
0x1df: {  	v26 =	vld [tilespmem:$0x1FD80]  }
0x1e0: {  	[tilespmem:$0x1FEC0] =	vst v10;
	v10 =	vld [tilespmem:s17+$0xFFFFFE90]  }
0x1e1: {  	[tilespmem:$0x1FED0] =	vst v11;
	v11 =	vld [tilespmem:s16+$0xFFFFFE90]  }
0x1e2: {  	[tilespmem:$0x1FEB0] =	vst v9;
	v9 =	vld [tilespmem:s16+$0xFFFFFEA0]  }
0x1e3: {  	[tilespmem:$0x1FDC0] =	vst v46;
	v46 =	vld [tilespmem:s16+$0xFFFFFE00]  }
0x1e4: {  	v25 =	vmul.f32 v26, v25;
	v26 =	vld [tilespmem:$0x1FD90]  }
0x1e5: {  	[tilespmem:$0x1FDF0] =	vst v41;
	v41 =	vld [tilespmem:s17+$0xFFFFFE10]  }
0x1e6: {  	[tilespmem:$0x1FDD0] =	vst v40;
	v40 =	vld [tilespmem:s16+$0xFFFFFE10]  }
0x1e7: {  	[tilespmem:$0x1FEA0] =	vst v8;
	v8 =	vld [tilespmem:s17+$0xFFFFFE20]  }
0x1e8: {  	v27 =	vmul.f32 v23, v27;
	v23 =	vld [tilespmem:s16+$0xFFFFFDB0]  }
0x1e9: {  	v28 =	vmul.f32 v28, v24;
	v24 =	vld [tilespmem:s17+$0xFFFFFD00];
	v26 =	vmul.f32 v22, v26  }
0x1ea: {  	v31 =	vmul.f32 v43, v31;
	v43 =	vld [tilespmem:s17+$0xFFFFFD20]  }
0x1eb: {  	v25 =	vadd.f32 v26, v25;
	v26 =	vld [tilespmem:$0x1FDA0]  }
0x1ec: {  	v32 =	vmul.f32 v47, v32;
	v47 =	vld [tilespmem:s16+$0xFFFFFD30]  }
0x1ed: {  	v29 =	vmul.f32 v29, v35;
	v35 =	vld [tilespmem:s17+$0xFFFFFC80]  }
0x1ee: {  	v27 =	vadd.f32 v28, v27;
	v28 =	vmul.f32 v30, v36;
	v30 =	vmul.f32 v45, v42;
	v42 =	vld [tilespmem:s17+$0xFFFFFD10]  }
0x1ef: {  	v45 =	vld [tilespmem:s17+$0xFFFFFD30]  }
0x1f0: {  	v36 =	vld [tilespmem:s16+$0xFFFFFC30];
	v26 =	vmul.f32 v0, v26  }
0x1f1: {  	v28 =	vadd.f32 v30, v28;
	v30 =	vmul.f32 v44, v34;
	v44 =	vld [tilespmem:s16+$0xFFFFFD20]  }
0x1f2: {  	v26 =	vadd.f32 v29, v26;
	v29 =	vld [tilespmem:$0x1FDB0]  }
0x1f3: {  	v34 =	vld [tilespmem:s17+$0xFFFFFC30];
	v55 =	vmul.f32 v55, v52  }
0x1f4: {  	v56 =	vmul.f32 v57, v56;
	v1 =	vmul.f32 v1, v33;
	v33 =	vld [tilespmem:s16+$0xFFFFFC20]  }
0x1f5: {  	v59 =	vmul.f32 v59, v58;
	v22 =	vld [tilespmem:s17+$0xFFFFFDB0]  }
0x1f6: {  	v58 =	vmul.f32 v20, v18;
	v18 =	vld [tilespmem:$0x1FE00];
	v30 =	vadd.f32 v32, v30;
	v32 =	vadd.f32 v56, v55  }
0x1f7: {  	v55 =	vmul.f32 v15, v14;
	v15 =	vld [tilespmem:$0x1FDC0];
	v25 =	vadd.f32 v27, v25;
	v29 =	vmul.f32 v37, v29  }
0x1f8: {  	v27 =	vld [tilespmem:s16+$0xFFFFFD10];
	v26 =	vadd.f32 v28, v26  }
0x1f9: {  	v14 =	vld [tilespmem:$0x1FDD0];
	(xrf2) =	vadd.scan.msk.f32 $0xffff, v25;
	v25 =	vadd.f32 v31, v29;
	v29 =	vmul.f32 v50, v48;
	v31 =	vmul.f32 v54, v51  }
0x1fa: {  	v61 =	vmul.f32 v61, v60;
	v60 =	vmul.f32 v23, v22;
	v22 =	vmov v40;
	v40 =	vld [tilespmem:s17+$0xFFFFFCA0]  }
0x1fb: {  	v23 =	vmovc v46;
	v46 =	vmul.f32 v44, v43;
	v43 =	vld [tilespmem:s16+$0xFFFFFCB0];
	(xrf2) =	vadd.scan.msk.f32 $0xffff, v26;
	v26 =	vadd.f32 v31, v29  }
0x1fc: {  	v0 =	vld [tilespmem:s16+$0xFFFFFD00];
	v25 =	vadd.f32 v30, v25  }
0x1fd: {  	v63 =	vmul.f32 v63, v62;
	v62 =	vmul.f32 v27, v42;
	v42 =	vld [tilespmem:s17+$0xFFFFFCB0];
	v26 =	vadd.f32 v32, v26  }
0x1fe: {  	v2 =	vmul.f32 v3, v2;
	v28 =	vld [tilespmem:s16+$0xFFFFFC00];
	(xrf2) =	vadd.scan.msk.f32 $0xffff, v25  }
0x1ff: {  	v57 =	vmul.f32 v53, v49;
	v4 =	vmul.f32 v5, v4;
	v37 =	vld [tilespmem:s16+$0xFFFFFC80];
	(xrf2) =	vadd.scan.msk.f32 $0xffff, v26  }
0x200: {  	v49 =	vmul.f32 v7, v6;
	v51 =	vmul.f32 v38, v39;
	v38 =	vld [tilespmem:s17+$0xFFFFFC90]  }
0x201: {  	v52 =	vmul.f32 v11, v10;
	v39 =	vld [tilespmem:s16+$0xFFFFFC90]  }
0x202: {  	v53 =	vmul.f32 v9, v12;
	v1 =	vadd.f32 v2, v1;
	v4 =	vadd.f32 v49, v4;
	v29 =	vld [tilespmem:s17+$0xFFFFFC00]  }
0x203: {  	v48 =	vadd.f32 v63, v61;
	v30 =	vld [tilespmem:s17+$0xFFFFFC10];
	v25 =	vadd.f32 v59, v57  }
0x204: {  	p1 =	sne.s32 s18, $0xF0;
	v5 =	vadd.f32 v55, v53;
	v31 =	vld [tilespmem:s16+$0xFFFFFC10];
	v56 =	vadd.f32 v52, v51  }
.Ltmp3:
0x205: {  	v32 =	vld [tilespmem:s17+$0xFFFFFC20];
	v57 =	vmul.f32 v17, v16;
	v59 =	vmul.f32 v21, v19;
	v50 =	vadd.f32 v48, v25;
	(pc) =	sbr.rel @p1 .LBB2_7-.Ltmp3, $4  }
0x206: {  	v1 =	vadd.f32 v4, v1;
	v54, _, _ =	vpop (xrf2);
	v17 =	vld [tilespmem:$0x1FDE0];
	v2 =	vadd.f32 v5, v56  }
0x207: {  	v0 =	vmul.f32 v0, v24;
	v16 =	vld [tilespmem:$0x1FDF0];
	v61 =	vadd.f32 v58, v57;
	v63 =	vadd.f32 v60, v59;
	(xrf2) =	vadd.scan.msk.f32 $0xffff, v50;
	v25, _, _ =	vpop (xrf2)  }
0x208: {  	v20 =	vmov v8;
	v47 =	vmul.f32 v47, v45;
	v19 =	vld [tilespmem:$0x1FE10];
	(xrf2) =	vadd.scan.msk.f32 $0xffff, v1;
	v26, _, _ =	vpop (xrf2)  }
0x209: {  	s15 =	smov.u32 s18;
	s18 =	sadd.s32 $0x10, s18;
	v45 =	vadd.f32 v62, v0;
	v21 =	vmov v41;
	v41 =	vld [tilespmem:s16+$0xFFFFFCA0];
	v44 =	vadd.f32 v63, v61;
	(xrf2) =	vadd.scan.msk.f32 $0xffff, v2;
	v27, _, _ =	vpop (xrf2)  }
0x20a: {  	v0 =	vld [tilespmem:s16+$0xFFFFFE20]  }
0x20b: {  	v3 =	vld [tilespmem:s17+$0xFFFFFE30]  }
0x20c: {  	v6 =	vld [tilespmem:s16+$0xFFFFFE30]  }
0x20d: {  	v10 =	vld [tilespmem:s16+$0xFFFFFFA0]  }
0x20e: {  	v12 =	vld [tilespmem:s17+$0xFFFFFFB0]  }
0x20f: {  	v48 =	vld [tilespmem:s16+$0xFFFFFFB0]  }
0x210: {  	v50 =	vld [tilespmem:s16+$0x120]  }
0x211: {  	v51 =	vld [tilespmem:s17+$0x130]  }
0x212: {  	v53 =	vld [tilespmem:s16+$0x130]  }
0x213: {  	v57 =	vld [tilespmem:s16+$0x2A0]  }
0x214: {  	v60 =	vld [tilespmem:s17+$0x2B0]  }
0x215: {  	v61 =	vld [tilespmem:$0x1FEA0]  }
0x216: {  	v62 =	vld [tilespmem:$0x1FEB0]  }
0x217: {  	v1 =	vmul.f32 v28, v29;
	v2 =	vmul.f32 v31, v30;
	v63 =	vld [tilespmem:s16+$0x2B0]  }
0x218: {  	v4 =	vmul.f32 v33, v32;
	v49 =	vmul.f32 v22, v21;
	v21 =	vld [tilespmem:s17+$0x3A0]  }
0x219: {  	v5 =	vmul.f32 v36, v34;
	v8 =	vmul.f32 v37, v35;
	v22 =	vld [tilespmem:$0x1FEE0]  }
0x21a: {  	v7 =	vadd.f32 v47, v46;
	v9 =	vmul.f32 v39, v38;
	v47 =	vmul.f32 v23, v13;
	v23 =	vld [tilespmem:s16+$0x3A0]  }
0x21b: {  	v11 =	vmul.f32 v43, v42;
	v28 =	vld [tilespmem:$0x1FE50];
	v1 =	vadd.f32 v2, v1;
	v46 =	vmul.f32 v41, v40  }
0x21c: {  	v29 =	vld [tilespmem:$0x1FE60];
	v7 =	vadd.f32 v7, v45;
	v4 =	vadd.f32 v5, v4  }
0x21d: {  	v30 =	vld [tilespmem:s17+$0x3B0];
	v52 =	vmul.f32 v18, v17;
	v8 =	vadd.f32 v9, v8;
	v2 =	vadd.f32 v11, v46  }
0x21e: {  	(xrf2) =	vadd.scan.msk.f32 $0xffff, v44;
	v18 =	vld [tilespmem:$0x1FEC0];
	v1 =	vadd.f32 v4, v1;
	v0 =	vmul.f32 v0, v20;
	v3 =	vmul.f32 v6, v3  }
0x21f: {  	(xrf2) =	vadd.scan.msk.f32 $0xffff, v7;
	v20 =	vld [tilespmem:$0x1FED0];
	v2 =	vadd.f32 v2, v8  }
0x220: {  	v32 =	vld [tilespmem:$0x1FE70];
	v55 =	vadd.f32 v49, v47;
	v56 =	vmul.f32 v16, v14;
	(xrf2) =	vadd.scan.msk.f32 $0xffff, v1;
	v0 =	vadd.f32 v3, v0  }
0x221: {  	v36 =	vld [tilespmem:$0x1FE90];
	v58 =	vmul.f32 v10, v15;
	v59 =	vmul.f32 v48, v12;
	(xrf2) =	vadd.scan.msk.f32 $0xffff, v2  }
0x222: {  	v33 =	vld [tilespmem:$0x1FE80];
	v4 =	vmul.f32 v53, v51;
	v0 =	vadd.f32 v0, v55  }
0x223: {  	v34 =	vld [tilespmem:s16+$0x3B0];
	v1 =	vmul.f32 v62, v61;
	v3 =	vadd.f32 v56, v52;
	v17 =	vadd.f32 v59, v58  }
0x224: {  	v42 =	vld [tilespmem:$0x1FE40];
	v11 =	vmul.f32 v50, v22;
	v8 =	vmul.f32 v20, v18;
	(xrf2) =	vadd.scan.msk.f32 $0xffff, v0  }
0x225: {  	v40 =	vld [tilespmem:$0x1FE20];
	v6 =	vmul.f32 v29, v28;
	v24, _, _ =	vpop (xrf2);
	v3 =	vadd.f32 v17, v3  }
0x226: {  	v41 =	vld [tilespmem:$0x1FE30];
	v5 =	vmul.f32 v57, v36;
	v31, _, _ =	vpop (xrf2);
	v4 =	vadd.f32 v4, v11;
	v1 =	vadd.f32 v8, v1  }
0x227: {  	v35, _, _ =	vpop (xrf2);
	v2 =	vmul.f32 v63, v60;
	v8 =	vmul.f32 v33, v32;
	(xrf2) =	vadd.scan.msk.f32 $0xffff, v3  }
0x228: {  	v37, _, _ =	vpop (xrf2);
	v1 =	vadd.f32 v4, v1  }
0x229: {  	v2 =	vadd.f32 v2, v5;
	v38, _, _ =	vpop (xrf2);
	v6 =	vadd.f32 v8, v6  }
0x22a: {  	v44 =	vmul.f32 v23, v21;
	v45 =	vmul.f32 v34, v30;
	v39, _, _ =	vpop (xrf2);
	(xrf2) =	vadd.scan.msk.f32 $0xffff, v1  }
0x22b: {  	v10 =	vmul.f32 v42, v41;
	v8 =	vmul.f32 v40, v19;
	v43 =	vadd.f32 v2, v6;
	v46, _, _ =	vpop (xrf2)  }
0x22c: {  	v5 =	vbroadcast v39, $0xF;
	v7 =	vbroadcast v46, $0xF  }
0x22d: {  	v4 =	vbroadcast v38, $0xF;
	v8 =	vadd.f32 v10, v8;
	v2 =	vadd.f32 v45, v44;
	(xrf2) =	vadd.scan.msk.f32 $0xffff, v43  }
0x22e: {  	v3 =	vbroadcast v37, $0xF;
	v48, _, _ =	vpop (xrf2);
	v47 =	vsel vm0, v5, v7  }
0x22f: {  	v2 =	vadd.f32 v2, v8;
	v49 =	vbroadcast v48, $0xF;
	v1 =	vsel vm1, v47, v4  }
0x230: {  	v50 =	vbroadcast v35, $0xF;
	v1 =	vsel vm2, v1, v3  }
0x231: {  	v51 =	vbroadcast v31, $0xF;
	v52, _, _ =	vpop (xrf2);
	(xrf2) =	vadd.scan.msk.f32 $0xffff, v2;
	v1 =	vsel vm3, v1, v49  }
0x232: {  	v53 =	vbroadcast v52, $0xF;
	v1 =	vsel vm4, v1, v50  }
0x233: {  	v0 =	vbroadcast v24, $0xF;
	v1 =	vsel vm5, v1, v51  }
0x234: {  	v55 =	vbroadcast v27, $0xF;
	v56, _, _ =	vpop (xrf2);
	v1 =	vsel vm6, v1, v53  }
0x235: {  	v57 =	vbroadcast v56, $0xF;
	v0 =	vsel vm7, v1, v0  }
0x236: {  	v58 =	vbroadcast v26, $0xF;
	v0 =	vsel vm8, v0, v55  }
0x237: {  	v59 =	vbroadcast v25, $0xF;
	v60, _, _ =	vpop (xrf2);
	v0 =	vsel vm9, v0, v57  }
0x238: {  	v61 =	vbroadcast v60, $0xF;
	v0 =	vsel vm10, v0, v58  }
.Ltmp4:
0x239: {  	v62 =	vbroadcast v54, $0xF;
	v0 =	vsel vm11, v0, v59;
	(pc) =	sbr.rel @p0 .LBB2_2-.Ltmp4, $4  }
0x23a: {  	s0 =	sand.u32 $0x80, s15;
	v0 =	vsel vm12, v0, v61  }
0x23b: {  	s1 =	sand.u32 $0x70, s15;
	s0 =	sadd.s32 s0, s14;
	v63, _, _ =	vpop (xrf2);
	v0 =	vsel vm13, v0, v62  }
0x23c: {  	s0 =	sadd.s32 s1, s0;
	v0 =	vsel vm14, v0, v63  }
0x23d: {  	p1 =	por $0x0, $0x0;
	[tilespmem:s0+$0x0] =	vst v0;
	s0 =	simm.s32 $0x100  }
0x23e: {  	s0 =	rddreg [dreg:$0x10];
	s1 =	simm.s32 $0x10400  }
0x23f: {  	[hbm4b:s0+s11] =	stream.linear.scatter [tilespmem:s1], [sflag:$0x2], $0x200, $0x38;
	[tilespmem:$0x10600] =	vst v63  }
0x240: {  	s1 =	simm.s32 $0x2  }
0x241: {  	_ =	swait.ge [sflag:s1], $0x200  }
0x242: {  	s2 =	rddreg [dreg:$0x12]  }
0x243: {  	s31 =	rddreg [dreg:$0x11];
	s2 =	sadd.s32 $0x1, s2  }
0x244: {  	p0 =	sne.s32 s2, s31  }
.Ltmp5:
0x245: {  	_ = 	snop;
	(pc) =	sbr.rel @p0 .LBB2_1-.Ltmp5, $3  }
0x246: {  	_ =	sdelay $0x1  }
0x247: {  	[sflag:s1] =	ssyncset.done $0x0  }
0x248: {  	[sflag:s1] =	ssyncadd.s32 $0xFFFFFE00  }
0x249: {  	_ =	sfence.sel $0x180000  }
0x24a: {  	[bflag:$0x0] =	sbarrier.arrive $0xFFFF  }
0x24b: {  	_ =	strace $0x90000047  }
0x24c: {  	s0 =	stileid.u32;
	[bflag:$0x2] =	sbarrier.arrive $0xFFFF  }
0x24d: {  	p0 =	sne.s32 s0, $0x0;
	s0 =	rddreg [dreg:$0x4]  }
0x24e: {  	s0 =	sadd.s32 @!p0 $0x100000, s0  }
0x24f: {  	[sflag:s0] =	ssyncadd.tile.s32 @!p0 $0x1;
	_ =	shalt  }
.Lfunc_end2:
_tile_overlayer_lowered:
.L_overlay_start_2:
0x250: {  	(tag) =	ssettag $0x2  }
0x251: {  	s0 =	rddreg [dreg:$0x0];
	s2 =	stileid.u32  }
0x252: {  	s1 =	rddreg [dreg:$0x1];
	p0 =	sne.s32 s2, $0x0  }
0x253: {  	s3 =	rddreg [dreg:$0x2];
	[bflag:$0x3] =	sbarrier.arrive $0xFFFF;
	s2 =	simm.s32 @!p0 $0x1C02  }
0x254: {  	[timem:s3], [sflag:s2] =	dma.local @!p0 [hbm:s0], s1  }
0x255: {  	s0 =	simm.s32 @!p0 $0x2  }
0x256: {  	_ =	swait.ge @!p0 [sflag:s0], s1  }
0x257: {  	s1 =	ssub.s32 @!p0 $0x0, s1;
	[sflag:s0] =	ssyncset.done @!p0 $0x0  }
0x258: {  	[sflag:s0] =	ssyncadd.s32 @!p0 s1  }
0x259: {  	[bflag:$0x3] =	sbarrier.arrive $0xFFFF  }
0x25a: {  	_ =	shalt  }

</sc_bundles>
